<compile_context>
chip_gen: v7x
topology: tpu7x:2x2x1
jax: 0.10.2.dev20260603
libtpu: 0.0.44.dev20260713+nightly
codegen_flags: <defaults>
</compile_context>

<pallas_src>
import functools

import jax
import jax.numpy as jnp
import numpy as np
from jax import lax
from jax.experimental import pallas as pl
from jax.experimental.pallas import tpu as pltpu
from jax.experimental.pallas import tpu_sc as plsc

N, E, D, H = 10000, 160000, 128, 16
NC, NS = 2, 16
NW = NC * NS
EPW = E // NW
EC1 = 152
EC1T = 136
E8 = E // 8
ER = 2000
BN = 2000
NINF = np.float32(-np.inf)

_mesh = lambda: plsc.VectorSubcoreMesh(core_axis_name="c", subcore_axis_name="s")


def _sc1_body(edge_hbm, x_hbm, out_hbm, idx_s, idx_d, rows0, rows1,
              agg_sh, sg0, sg1, ss0, ss1):
    cid = lax.axis_index("c")
    sid = lax.axis_index("s")
    base = pl.multiple_of(cid * (E // NC) + sid * EPW, 8)

    pltpu.sync_copy(edge_hbm.at[0, pl.ds(base, EPW)], idx_s)
    pltpu.sync_copy(edge_hbm.at[1, pl.ds(base, EPW)], idx_d)

    def gidx(c, size=EC1):
        return idx_s.at[pl.ds(c * EC1, size)]

    def didx(c, size=EC1):
        return idx_d.at[pl.ds(c * EC1, size)]

    def zrow(i, c):
        for j in range(D // 16):
            rows0[i, pl.ds(j * 16, 16)] = jnp.zeros((16,), jnp.float32)
        return c

    lax.fori_loop(0, EC1, zrow, 0)
    for off, size in ((0, 152), (152, 152), (304, 152), (456, 152), (608, 16)):
        pltpu.sync_copy(rows0.at[pl.ds(0, size)],
                        agg_sh.at[pl.ds(sid * 624 + off, size)])

    @pl.when(sid == NS - 1)
    def _():
        pltpu.sync_copy(rows0.at[pl.ds(0, 16)], agg_sh.at[pl.ds(624 * NS, 16)])

    plsc.subcore_barrier()

    pltpu.async_copy(x_hbm.at[gidx(0)], rows0, sg0)

    def body(j, c):
        c0 = 2 * j
        pltpu.make_async_copy(x_hbm.at[gidx(c0)], rows0, sg0).wait()
        s0 = pltpu.async_copy(rows0, agg_sh.at[didx(c0)], ss0, add=True)

        @pl.when(j > 0)
        def _():
            pltpu.make_async_copy(rows1, agg_sh.at[didx(c0 - 1)], ss1).wait()

        pltpu.async_copy(x_hbm.at[gidx(c0 + 1)], rows1, sg1)
        pltpu.make_async_copy(x_hbm.at[gidx(c0 + 1)], rows1, sg1).wait()
        pltpu.async_copy(rows1, agg_sh.at[didx(c0 + 1)], ss1, add=True)
        s0.wait()

        @pl.when(j < (EPW // EC1) // 2 - 1)
        def _():
            pltpu.async_copy(x_hbm.at[gidx(c0 + 2)], rows0, sg0)

        return c

    lax.fori_loop(0, (EPW // EC1) // 2, body, 0)
    pltpu.make_async_copy(rows1, agg_sh.at[didx(EPW // EC1 - 1)], ss1).wait()

    nc = EPW // EC1
    pltpu.async_copy(x_hbm.at[gidx(nc, EC1T)], rows0.at[pl.ds(0, EC1T)], sg0).wait()
    pltpu.async_copy(rows0.at[pl.ds(0, EC1T)], agg_sh.at[didx(nc, EC1T)],
                     ss0, add=True).wait()

    plsc.subcore_barrier()

    b = sid * 624
    for off, size in ((0, 152), (152, 152), (304, 152), (456, 152), (608, 16)):
        pltpu.sync_copy(agg_sh.at[pl.ds(b + off, size)], rows0.at[pl.ds(0, size)])
        pltpu.sync_copy(rows0.at[pl.ds(0, size)],
                        out_hbm.at[pl.ds(cid * N + b + off, size)])

    @pl.when(sid == NS - 1)
    def _():
        t = 624 * NS
        pltpu.sync_copy(agg_sh.at[pl.ds(t, 16)], rows0.at[pl.ds(0, 16)])
        pltpu.sync_copy(rows0.at[pl.ds(0, 16)], out_hbm.at[pl.ds(cid * N + t, 16)])


def _sc1(edge_index, x):
    k = pl.kernel(
        _sc1_body,
        out_type=jax.ShapeDtypeStruct((NC * N, D), jnp.float32),
        mesh=_mesh(),
        compiler_params=pltpu.CompilerParams(use_tc_tiling_on_sc=False),
        scratch_types=[
            pltpu.VMEM((EPW,), jnp.int32),
            pltpu.VMEM((EPW,), jnp.int32),
            pltpu.VMEM((EC1, D), jnp.float32),
            pltpu.VMEM((EC1, D), jnp.float32),
            pltpu.VMEM_SHARED((N, D), jnp.float32),
            pltpu.SemaphoreType.DMA,
            pltpu.SemaphoreType.DMA,
            pltpu.SemaphoreType.DMA,
            pltpu.SemaphoreType.DMA,
        ],
    )
    return k(edge_index, x)


def _tc1_body(x_ref, a0_ref, a1_ref, wg_ref, bg_ref, whe_ref, wht_ref, nz_ref,
              emb_ref, nh_ref, nt_ref, gs_ref, nzo_ref):
    nzo_ref[...] = nz_ref[...]
    xb = x_ref[...] + a0_ref[...] + a1_ref[...]
    emb = jnp.maximum(
        jnp.dot(xb, wg_ref[...], preferred_element_type=jnp.float32) + bg_ref[...],
        0.0)
    emb_ref[...] = emb
    nh_ref[...] = jnp.dot(emb, whe_ref[...], preferred_element_type=jnp.float32)
    nt_ref[...] = jnp.dot(emb, wht_ref[...], preferred_element_type=jnp.float32)
    s = jnp.sum(emb, axis=0, keepdims=True)

    @pl.when(pl.program_id(0) == 0)
    def _():
        gs_ref[...] = s

    @pl.when(pl.program_id(0) != 0)
    def _():
        gs_ref[...] = gs_ref[...] + s


def _tc1(x, agg2, W_gnn, b_gnn, W1e_bot, W1t_bot, noise8):
    nsteps = N // BN
    nzr = E8 // nsteps
    return pl.pallas_call(
        _tc1_body,
        grid=(nsteps,),
        in_specs=[
            pl.BlockSpec((BN, D), lambda i: (i, 0)),
            pl.BlockSpec((BN, D), lambda i: (i, 0)),
            pl.BlockSpec((BN, D), lambda i: (i + nsteps, 0)),
            pl.BlockSpec((D, D), lambda i: (0, 0)),
            pl.BlockSpec((1, D), lambda i: (0, 0)),
            pl.BlockSpec((D, H), lambda i: (0, 0)),
            pl.BlockSpec((D, H), lambda i: (0, 0)),
            pl.BlockSpec((nzr, 8), lambda i: (i, 0)),
        ],
        out_specs=[
            pl.BlockSpec((BN, D), lambda i: (i, 0)),
            pl.BlockSpec((BN, H), lambda i: (i, 0)),
            pl.BlockSpec((BN, H), lambda i: (i, 0)),
            pl.BlockSpec((1, D), lambda i: (0, 0)),
            pl.BlockSpec((nzr, 8), lambda i: (i, 0)),
        ],
        out_shape=[
            jax.ShapeDtypeStruct((N, D), jnp.float32),
            jax.ShapeDtypeStruct((N, H), jnp.float32),
            jax.ShapeDtypeStruct((N, H), jnp.float32),
            jax.ShapeDtypeStruct((1, D), jnp.float32),
            jax.ShapeDtypeStruct((E8, 8), jnp.float32),
        ],
    )(x, agg2, agg2, W_gnn, b_gnn, W1e_bot, W1t_bot, noise8)


def _sc2_body(src_hbm, dst_hbm, nh_hbm, outs_hbm, outd_hbm,
              idx, rows_a, rows_b, sga, sgb, swa, swb):
    cid = lax.axis_index("c")
    sid = lax.axis_index("s")
    EA, EB = 2504, 2496
    base = pl.multiple_of((cid * NS + sid) * EPW, 8)

    pltpu.sync_copy(src_hbm.at[pl.ds(base, EPW)], idx)
    ga = pltpu.async_copy(nh_hbm.at[idx.at[pl.ds(0, EA)]], rows_a, sga)
    gb = pltpu.async_copy(nh_hbm.at[idx.at[pl.ds(EA, EB)]],
                          rows_b.at[pl.ds(0, EB)], sgb)
    ga.wait()
    wa = pltpu.async_copy(rows_a, outs_hbm.at[pl.ds(base, EA)], swa)
    gb.wait()
    wb = pltpu.async_copy(rows_b.at[pl.ds(0, EB)],
                          outs_hbm.at[pl.ds(base + EA, EB)], swb)
    pltpu.sync_copy(dst_hbm.at[pl.ds(base, EPW)], idx)
    wa.wait()
    ga = pltpu.async_copy(nh_hbm.at[idx.at[pl.ds(0, EA)]], rows_a, sga)
    wb.wait()
    gb = pltpu.async_copy(nh_hbm.at[idx.at[pl.ds(EA, EB)]],
                          rows_b.at[pl.ds(0, EB)], sgb)
    ga.wait()
    wa = pltpu.async_copy(rows_a, outd_hbm.at[pl.ds(base, EA)], swa)
    gb.wait()
    wb = pltpu.async_copy(rows_b.at[pl.ds(0, EB)],
                          outd_hbm.at[pl.ds(base + EA, EB)], swb)
    wa.wait()
    wb.wait()


def _sc2(src, dst, nodeH):
    k = pl.kernel(
        _sc2_body,
        out_type=(jax.ShapeDtypeStruct((E, H), jnp.float32),
                  jax.ShapeDtypeStruct((E, H), jnp.float32)),
        mesh=_mesh(),
        compiler_params=pltpu.CompilerParams(use_tc_tiling_on_sc=False),
        scratch_types=[
            pltpu.VMEM((EPW,), jnp.int32),
            pltpu.VMEM((2504, H), jnp.float32),
            pltpu.VMEM((2504, H), jnp.float32),
            pltpu.SemaphoreType.DMA,
            pltpu.SemaphoreType.DMA,
            pltpu.SemaphoreType.DMA,
            pltpu.SemaphoreType.DMA,
        ],
    )
    return k(src, dst, nodeH)


def _tc2_body(hss, hsd, nz, sr, dr, gs, w1t, b1t, me, b2,
              eidx_o, vfir_o, vsec_o, lpe_o, Mr, Sr, Bv, Bl, Bi, Bs, Bd):
    step = pl.program_id(0)

    @pl.when(step == 0)
    def _():
        Mr[0] = NINF
        Sr[0] = jnp.float32(0.0)
        Bv[0] = NINF
        Bl[0] = jnp.float32(0.0)
        Bi[0] = jnp.int32(0)
        Bs[0] = jnp.int32(0)
        Bd[0] = jnp.int32(0)

    cE = jnp.dot(gs[...] / N, w1t[...], preferred_element_type=jnp.float32) + b1t[...]
    sg = jax.nn.sigmoid(hss[...] + hsd[...] + cE)
    lg = jnp.dot(sg, me[...], preferred_element_type=jnp.float32) + b2[...]
    y = lg + nz[...]

    bm = jnp.max(y)
    lmax = jnp.max(lg)
    newM = jnp.maximum(Mr[0], lmax)
    Sr[0] = Sr[0] * jnp.exp(Mr[0] - newM) + jnp.sum(jnp.exp(lg - newM))
    Mr[0] = newM

    @pl.when(bm > Bv[0])
    def _():
        rid = lax.broadcasted_iota(jnp.int32, (ER, 8), 0)
        cid = lax.broadcasted_iota(jnp.int32, (ER, 8), 1)
        ids = (step * ER + rid) * 8 + cid
        bi = jnp.min(jnp.where(y == bm, ids, jnp.int32(2**31 - 1)))
        selm = ids == bi
        Bv[0] = bm
        Bi[0] = bi
        Bl[0] = jnp.max(jnp.where(selm, lg, NINF))
        Bs[0] = jnp.max(jnp.where(selm, sr[...], jnp.int32(-1)))
        Bd[0] = jnp.max(jnp.where(selm, dr[...], jnp.int32(-1)))

    eidx_o[0] = Bi[0]
    vfir_o[0] = Bd[0]
    vsec_o[0] = Bs[0]
    lpe_o[0] = Bl[0] - Mr[0] - jnp.log(Sr[0])


def _tc2(hs_s, hs_d, noise8, src8, dst8, gsum, W1e_top_t, b1e_t, Me, b2e_t):
    return pl.pallas_call(
        _tc2_body,
        grid=(E8 // ER,),
        in_specs=[
            pl.BlockSpec((ER, D), lambda i: (i, 0)),
            pl.BlockSpec((ER, D), lambda i: (i, 0)),
            pl.BlockSpec((ER, 8), lambda i: (i, 0)),
            pl.BlockSpec((ER, 8), lambda i: (i, 0)),
            pl.BlockSpec((ER, 8), lambda i: (i, 0)),
            pl.BlockSpec((1, D), lambda i: (0, 0)),
            pl.BlockSpec((D, D), lambda i: (0, 0)),
            pl.BlockSpec((1, D), lambda i: (0, 0)),
            pl.BlockSpec((D, 8), lambda i: (0, 0)),
            pl.BlockSpec((1, 8), lambda i: (0, 0)),
        ],
        out_specs=[
            pl.BlockSpec(memory_space=pltpu.SMEM),
            pl.BlockSpec(memory_space=pltpu.SMEM),
            pl.BlockSpec(memory_space=pltpu.SMEM),
            pl.BlockSpec(memory_space=pltpu.SMEM),
        ],
        out_shape=[
            jax.ShapeDtypeStruct((1,), jnp.int32),
            jax.ShapeDtypeStruct((1,), jnp.int32),
            jax.ShapeDtypeStruct((1,), jnp.int32),
            jax.ShapeDtypeStruct((1,), jnp.float32),
        ],
        scratch_shapes=[
            pltpu.SMEM((1,), jnp.float32),
            pltpu.SMEM((1,), jnp.float32),
            pltpu.SMEM((1,), jnp.float32),
            pltpu.SMEM((1,), jnp.float32),
            pltpu.SMEM((1,), jnp.int32),
            pltpu.SMEM((1,), jnp.int32),
            pltpu.SMEM((1,), jnp.int32),
        ],
    )(hs_s, hs_d, noise8, src8, dst8, gsum, W1e_top_t, b1e_t, Me, b2e_t)


def _tc3_body(ntr, emb, gs, vf_s, vs_s, wgt, wst, wft, b1t_t, mt, b2t_t, out):
    vf = vf_s[0]
    vs = vs_s[0]
    ef = emb[pl.ds(vf, 1), :]
    es = emb[pl.ds(vs, 1), :]
    c3 = (jnp.dot(gs[...] / N, wgt[...], preferred_element_type=jnp.float32)
          + jnp.dot(ef + es, wst[...], preferred_element_type=jnp.float32)
          + jnp.dot(ef, wft[...], preferred_element_type=jnp.float32)
          + b1t_t[...])
    sg = jax.nn.sigmoid(ntr[...] + c3)
    out[...] = jnp.dot(sg, mt[...], preferred_element_type=jnp.float32) + b2t_t[...]


def _tc3(ntr, emb, gsum, vfir, vsec, Wg_t, Ws_t, Wf_t, b1t_t, Mt, b2t_t):
    return pl.pallas_call(
        _tc3_body,
        in_specs=[
            pl.BlockSpec((N // 8, D), lambda: (0, 0)),
            pl.BlockSpec((N, D), lambda: (0, 0)),
            pl.BlockSpec((1, D), lambda: (0, 0)),
            pl.BlockSpec(memory_space=pltpu.SMEM),
            pl.BlockSpec(memory_space=pltpu.SMEM),
            pl.BlockSpec((D, D), lambda: (0, 0)),
            pl.BlockSpec((D, D), lambda: (0, 0)),
            pl.BlockSpec((D, D), lambda: (0, 0)),
            pl.BlockSpec((1, D), lambda: (0, 0)),
            pl.BlockSpec((D, 8), lambda: (0, 0)),
            pl.BlockSpec((1, 8), lambda: (0, 0)),
        ],
        out_specs=pl.BlockSpec((N // 8, 8), lambda: (0, 0)),
        out_shape=jax.ShapeDtypeStruct((N // 8, 8), jnp.float32),
    )(ntr, emb, gsum, vfir, vsec, Wg_t, Ws_t, Wf_t, b1t_t, Mt, b2t_t)


def _sc3_body(src_hbm, dst_hbm, vf_hbm, lg_hbm, gn_hbm, resi_hbm, resf_hbm,
              dstb, srcb, valb, cnt_v, lg_v, gn_v, vf_v, v16, i16b,
              resv_i, resv_f, fpub, c256_v, f256_v,
              cnt_sh, cnts_sh, fres_sh, ires_sh, sem):
    cid = lax.axis_index("c")
    sid = lax.axis_index("s")
    on0 = cid == 0
    lanes = lax.iota(jnp.int32, 16)

    @pl.when(jnp.logical_and(on0, sid == 0))
    def _():
        def z(i, c):
            valb[pl.ds(i * 16, 16)] = jnp.zeros((16,), jnp.int32)
            return c
        lax.fori_loop(0, N // 16, z, 0)
        pltpu.sync_copy(valb.at[pl.ds(0, N)], cnt_sh)

    plsc.subcore_barrier()

    @pl.when(on0)
    def _():
        pltpu.sync_copy(vf_hbm, vf_v)
        vf = vf_v[...]
        eb = pl.multiple_of(sid * (E // NS), 8)
        pltpu.sync_copy(dst_hbm.at[pl.ds(eb, E // NS)], dstb)
        pltpu.sync_copy(src_hbm.at[pl.ds(eb, E // NS)], srcb)

        def cmp(i, c):
            d = dstb[pl.ds(i * 16, 16)]
            valb[pl.ds(i * 16, 16)] = jnp.where(d == vf, 1, 0).astype(jnp.int32)
            return c

        lax.fori_loop(0, (E // NS) // 16, cmp, 0)
        pltpu.sync_copy(valb, cnt_sh.at[srcb], add=True)

        @pl.when(sid == 0)
        def _():
            v16[...] = jnp.where(lanes == 0, 1, 0).astype(jnp.int32)
            i16b[...] = vf
            pltpu.sync_copy(v16, cnt_sh.at[i16b], add=True)

    plsc.subcore_barrier()

    IMAX = jnp.int32(2**31 - 1)

    @pl.when(on0)
    def _():
        base = sid * 624
        nit = jnp.where(sid == NS - 1, 40, 39)
        pltpu.sync_copy(cnt_sh.at[pl.ds(base, 640)], cnt_v)
        pltpu.sync_copy(lg_hbm.at[pl.ds(base, 640)], lg_v)

        def pc(i, acc):
            c = cnt_v[pl.ds(i * 16, 16)]
            return acc + plsc.all_reduce_population_count(c == 0)

        cnt_loc = lax.fori_loop(0, nit, pc, jnp.zeros((16,), jnp.int32))
        v16[...] = cnt_loc
        pltpu.sync_copy(v16, cnts_sh.at[sid])

    plsc.subcore_barrier()

    @pl.when(on0)
    def _():
        base = sid * 624
        nit = jnp.where(sid == NS - 1, 40, 39)
        pltpu.sync_copy(cnts_sh, c256_v)
        c16 = plsc.load_gather(c256_v, [lanes, lanes])
        pref = plsc.cumsum(c16) - c16
        my_pref = jnp.sum(jnp.where(lanes == sid, pref, 0), axis=0)
        al = (my_pref // 8) * 8
        off = jnp.broadcast_to(my_pref - al, (16,))
        pltpu.sync_copy(gn_hbm.at[pl.ds(pl.multiple_of(al, 8), 648)], gn_v)

        def pA(i, m):
            l = lg_v[pl.ds(i * 16, 16)]
            c = cnt_v[pl.ds(i * 16, 16)]
            return jnp.maximum(m, jnp.where(c > 0, NINF, l))

        mreg = lax.fori_loop(0, nit, pA, jnp.full((16,), NINF, jnp.float32))
        mx_loc = jnp.max(mreg, axis=0)
        mxv = jnp.broadcast_to(mx_loc, (16,))

        def pB(i, carry):
            cp, se, bv, bn, bl = carry
            l = lg_v[pl.ds(i * 16, 16)]
            c = cnt_v[pl.ds(i * 16, 16)]
            validb = c == 0
            vi = jnp.where(validb, 1, 0).astype(jnp.int32)
            incl = plsc.cumsum(vi)
            pos = cp + incl - vi
            gn = plsc.load_gather(gn_v, [pos])
            val = jnp.where(validb, l + gn, NINF)
            upd = val > bv
            bv = jnp.where(upd, val, bv)
            bn = jnp.where(upd, lanes + base + i * 16, bn)
            bl = jnp.where(upd, l, bl)
            se = se + jnp.where(validb, jnp.exp(l - mxv), jnp.float32(0.0))
            cp = cp + plsc.all_reduce_population_count(validb)
            return (cp, se, bv, bn, bl)

        z16i = jnp.zeros((16,), jnp.int32)
        cp, se, bv, bn, bl = lax.fori_loop(
            0, nit, pB,
            (off, jnp.zeros((16,), jnp.float32), jnp.full((16,), NINF, jnp.float32),
             z16i, jnp.zeros((16,), jnp.float32)))

        M_loc = jnp.max(bv, axis=0)
        eqv = bv == jnp.broadcast_to(M_loc, (16,))
        wn_loc = jnp.min(jnp.where(eqv, bn, IMAX), axis=0)
        wnv_loc = jnp.broadcast_to(wn_loc, (16,))
        bl_loc = jnp.max(jnp.where(jnp.logical_and(eqv, bn == wnv_loc), bl, NINF),
                         axis=0)
        S_loc = jnp.sum(se, axis=0)
        fpub[...] = jnp.where(lanes == 0, mxv,
                     jnp.where(lanes == 1, jnp.broadcast_to(S_loc, (16,)),
                      jnp.where(lanes == 2, jnp.broadcast_to(M_loc, (16,)),
                                jnp.broadcast_to(bl_loc, (16,)))))
        pltpu.sync_copy(fpub, fres_sh.at[sid])
        i16b[...] = wnv_loc
        pltpu.sync_copy(i16b, ires_sh.at[sid])

    plsc.subcore_barrier()

    @pl.when(jnp.logical_and(on0, sid == 0))
    def _():
        pltpu.sync_copy(fres_sh, f256_v)
        pltpu.sync_copy(ires_sh, c256_v)
        z16 = jnp.zeros((16,), jnp.int32)
        mx_t = plsc.load_gather(f256_v, [lanes, z16])
        S_t = plsc.load_gather(f256_v, [lanes, z16 + 1])
        M_t = plsc.load_gather(f256_v, [lanes, z16 + 2])
        bl_t = plsc.load_gather(f256_v, [lanes, z16 + 3])
        wn_t = plsc.load_gather(c256_v, [lanes, z16])
        mx = jnp.max(mx_t, axis=0)
        mxv = jnp.broadcast_to(mx, (16,))
        S = jnp.sum(S_t * jnp.exp(mx_t - mxv), axis=0)
        M = jnp.max(M_t, axis=0)
        eqt = M_t == jnp.broadcast_to(M, (16,))
        wn = jnp.min(jnp.where(eqt, wn_t, IMAX), axis=0)
        wnv = jnp.broadcast_to(wn, (16,))
        blw = jnp.max(jnp.where(jnp.logical_and(eqt, wn_t == wnv), bl_t, NINF),
                      axis=0)
        resv_i[...] = wnv
        resv_f[...] = jnp.where(lanes == 0, jnp.broadcast_to(blw, (16,)),
                                jnp.where(lanes == 1, mxv,
                                          jnp.broadcast_to(S, (16,))))
        pltpu.sync_copy(resv_i, resi_hbm)
        pltpu.sync_copy(resv_f, resf_hbm)


def _sc3(src, dst, vf16, lg, gn):
    k = pl.kernel(
        _sc3_body,
        out_type=(jax.ShapeDtypeStruct((16,), jnp.int32),
                  jax.ShapeDtypeStruct((16,), jnp.float32)),
        mesh=_mesh(),
        compiler_params=pltpu.CompilerParams(needs_layout_passes=False,
                                             use_tc_tiling_on_sc=False),
        scratch_types=[
            pltpu.VMEM((E // NS,), jnp.int32),
            pltpu.VMEM((E // NS,), jnp.int32),
            pltpu.VMEM((E // NS,), jnp.int32),
            pltpu.VMEM((640,), jnp.int32),
            pltpu.VMEM((640,), jnp.float32),
            pltpu.VMEM((648,), jnp.float32),
            pltpu.VMEM((16,), jnp.int32),
            pltpu.VMEM((16,), jnp.int32),
            pltpu.VMEM((16,), jnp.int32),
            pltpu.VMEM((16,), jnp.int32),
            pltpu.VMEM((16,), jnp.float32),
            pltpu.VMEM((16,), jnp.float32),
            pltpu.VMEM((16, 16), jnp.int32),
            pltpu.VMEM((16, 16), jnp.float32),
            pltpu.VMEM_SHARED((N,), jnp.int32),
            pltpu.VMEM_SHARED((16, 16), jnp.int32),
            pltpu.VMEM_SHARED((16, 16), jnp.float32),
            pltpu.VMEM_SHARED((16, 16), jnp.int32),
            pltpu.SemaphoreType.DMA,
        ],
    )
    return k(src, dst, vf16, lg, gn)


def kernel(x, edge_index, W_gnn, b_gnn, W1e, b1e, W2e, b2e, W1t, b1t, W2t, b2t):
    src = edge_index[0]
    dst = edge_index[1]

    noiseE = jax.random.gumbel(jax.random.key(42), (E,), jnp.float32)
    gnoise = jax.random.gumbel(jax.random.key(43), (N,), jnp.float32)

    agg2 = _sc1(edge_index, x)

    emb, nodeH, nodeT, gsum, noise8 = _tc1(x, agg2, W_gnn, b_gnn[None, :],
                                           W1e[D:], W1t[3 * D:],
                                           noiseE.reshape(E8, 8))

    hs_s, hs_d = _sc2(src, dst, nodeH)

    eye8 = jnp.eye(8, dtype=jnp.float32)
    W1e_top_t = jnp.tile(W1e[:D], (1, 8))
    b1e_t = jnp.tile(b1e, 8)[None, :]
    Me = jnp.kron(eye8, W2e)
    b2e_t = jnp.full((1, 8), b2e[0], jnp.float32)

    eidx, vfir, vsec, lpe = _tc2(
        hs_s.reshape(E8, D), hs_d.reshape(E8, D), noise8,
        src.reshape(E8, 8), dst.reshape(E8, 8), gsum,
        W1e_top_t, b1e_t, Me, b2e_t)

    Wg_t = jnp.tile(W1t[:D], (1, 8))
    Ws_t = jnp.tile(W1t[D:2 * D], (1, 8))
    Wf_t = jnp.tile(W1t[2 * D:3 * D], (1, 8))
    b1t_t = jnp.tile(b1t, 8)[None, :]
    Mt = jnp.kron(eye8, W2t)
    b2t_t = jnp.full((1, 8), b2t[0], jnp.float32)

    tl8 = _tc3(nodeT.reshape(N // 8, D), emb, gsum,
               vfir.reshape(1), vsec.reshape(1),
               Wg_t, Ws_t, Wf_t, b1t_t, Mt, b2t_t)

    vf16 = jnp.broadcast_to(vfir.reshape(1), (16,)).astype(jnp.int32)
    gn_pad = jnp.concatenate([gnoise, jnp.zeros((656,), jnp.float32)])
    resi, resf = _sc3(src, dst, vf16, tl8.reshape(N), gn_pad)

    v_thi = resi[0]
    lp3 = (resf[0] - resf[1]) - jnp.log(resf[2])

    action = jnp.stack([vfir[0].astype(jnp.int32),
                        vsec[0].astype(jnp.int32),
                        v_thi.astype(jnp.int32)])
    return action, (lpe[0] + lp3).astype(jnp.float32)

# --- scband reference (transcript-rebuilt; emitter-appended) ---
"""Pipeline reference for scband-re-watt-policy-net-81836306858779 (READ-ONLY COPY).

The authoritative reference and input builder live on the scoring server;
editing this copy changes nothing except your own understanding.
"""

import jax, jax.numpy as jnp
import numpy as np

N, E, D, H = 10000, 160000, 128, 16


def setup_inputs(seed: int = 0):
    key = jax.random.key(seed)
    ks = jax.random.split(key, 12)
    x = jax.random.normal(ks[0], (N, D), dtype=jnp.float32)
    edge_index = jax.random.randint(ks[1], (2, E), 0, N, dtype=jnp.int32)
    W_gnn = jax.random.normal(ks[2], (D, D), dtype=jnp.float32) * 0.05
    b_gnn = jnp.zeros((D,), dtype=jnp.float32)
    W1e = jax.random.normal(ks[3], (2 * D, H), dtype=jnp.float32) * 0.05
    b1e = jnp.zeros((H,), dtype=jnp.float32)
    W2e = jax.random.normal(ks[4], (H, 1), dtype=jnp.float32) * 0.05
    b2e = jnp.zeros((1,), dtype=jnp.float32)
    W1t = jax.random.normal(ks[5], (4 * D, H), dtype=jnp.float32) * 0.05
    b1t = jnp.zeros((H,), dtype=jnp.float32)
    W2t = jax.random.normal(ks[6], (H, 1), dtype=jnp.float32) * 0.05
    b2t = jnp.zeros((1,), dtype=jnp.float32)
    return {"x": x, "edge_index": edge_index, "W_gnn": W_gnn, "b_gnn": b_gnn,
            "W1e": W1e, "b1e": b1e, "W2e": W2e, "b2e": b2e,
            "W1t": W1t, "b1t": b1t, "W2t": W2t, "b2t": b2t}


def _mlp(h, W1, b1, W2, b2):
    # faithful MLP: sigmoid(fc1(x)) then fc2
    return jax.nn.sigmoid(h @ W1 + b1) @ W2 + b2


def _legacy_threefry_bits(kd, n, size):
    ks0, ks1 = kd[0], kd[1]
    ks2 = ks0 ^ ks1 ^ np.uint32(0x1BD11BDA)
    m = (n + 1) // 2
    m_max = (size + 1) // 2
    i = jnp.arange(m_max, dtype=jnp.int32)
    x0 = i.astype(jnp.uint32) + ks0
    x1 = jnp.where(m + i < n, m + i, 0).astype(jnp.uint32) + ks1

    def rot(v, r):
        return (v << np.uint32(r)) | (v >> np.uint32(32 - r))

    def rounds(a, b, rs):
        for r in rs:
            a = a + b
            b = rot(b, r) ^ a
        return a, b

    ra, rb = (13, 15, 26, 6), (17, 29, 16, 24)
    x0, x1 = rounds(x0, x1, ra)
    x0, x1 = x0 + ks1, x1 + ks2 + np.uint32(1)
    x0, x1 = rounds(x0, x1, rb)
    x0, x1 = x0 + ks2, x1 + ks0 + np.uint32(2)
    x0, x1 = rounds(x0, x1, ra)
    x0, x1 = x0 + ks0, x1 + ks1 + np.uint32(3)
    x0, x1 = rounds(x0, x1, rb)
    x0, x1 = x0 + ks1, x1 + ks2 + np.uint32(4)
    x0, x1 = rounds(x0, x1, ra)
    x0, x1 = x0 + ks2, x1 + ks0 + np.uint32(5)
    j = jnp.arange(size, dtype=jnp.int32)
    return jnp.where(j < m, x0[jnp.clip(j, 0, m_max - 1)], x1[jnp.clip(j - m, 0, m_max - 1)])


def _gumbel_padded(key, n, size):
    if jax.config.jax_threefry_partitionable:
        return jax.random.gumbel(key, (size,), dtype=jnp.float32)
    bits = _legacy_threefry_bits(jax.random.key_data(key), n, size)
    fbits = (bits >> np.uint32(9)) | np.uint32(0x3F800000)
    f = jax.lax.bitcast_convert_type(fbits, jnp.float32) - np.float32(1.0)
    tiny = np.float32(jnp.finfo(jnp.float32).tiny)
    u = jnp.maximum(tiny, f * (np.float32(1.0) - tiny) + tiny)
    return -jnp.log(-jnp.log(u))


def reference(x, edge_index, W_gnn, b_gnn, W1e, b1e, W2e, b2e, W1t, b1t, W2t, b2t):
    src, dst = edge_index[0], edge_index[1]
    # GNN penultimate-layer embeddings (message passing: scatter-add aggregation + linear + relu)
    agg = jnp.zeros_like(x).at[dst].add(x[src])
    emb = jax.nn.relu((x + agg) @ W_gnn + b_gnn)
    # graph representation: mean pooling over nodes
    g = jnp.mean(emb, axis=0)
    # edge representations: cat(graph_repr, emb[v1] + emb[v2])  (h_method='sum')
    E_s_t = jnp.concatenate([jnp.broadcast_to(g, (edge_index.shape[1], g.shape[0])),
                             emb[src] + emb[dst]], axis=-1)
    edge_logits = _mlp(E_s_t, W1e, b1e, W2e, b2e).squeeze(-1)
    # Categorical(softmax(scores)).sample() with a fixed key
    e_idx = jax.random.categorical(jax.random.key(42), edge_logits)
    log_prob_edge = jax.nn.log_softmax(edge_logits)[e_idx]
    v_fir = dst[e_idx]
    v_sec = src[e_idx]
    # k_hop_subgraph(v_fir, 1 hop, flow='source_to_target'): N_1 = {v_fir} U {src of edges whose dst == v_fir}
    mask = jnp.zeros((x.shape[0],), dtype=bool).at[v_fir].set(True)
    mask = mask.at[jnp.where(dst == v_fir, src, v_fir)].set(True)
    n_S = jnp.sum(~mask).astype(jnp.int32)
    S_pad = jnp.argsort(mask)  # V - N_1 first, ascending order
    valid = jnp.arange(x.shape[0], dtype=jnp.int32) < n_S
    v_et1 = jnp.concatenate([E_s_t[e_idx], emb[v_fir]], axis=-1)  # 3D
    V_s_t = jnp.concatenate([jnp.broadcast_to(v_et1, (S_pad.shape[0], v_et1.shape[0])),
                             emb[S_pad]], axis=-1)  # 4D per candidate
    third_logits = _mlp(V_s_t, W1t, b1t, W2t, b2t).squeeze(-1)
    third_masked = jnp.where(valid, third_logits, -jnp.inf)
    gnoise = _gumbel_padded(jax.random.key(43), n_S, x.shape[0])
    v_thi_idx = jnp.argmax(third_masked + gnoise, axis=-1)
    mx = jnp.max(third_masked)
    lse = jnp.log(jnp.sum(jnp.where(valid, jnp.exp(third_logits - mx), np.float32(0.0))))
    log_prob_third = (third_logits[v_thi_idx] - mx) - lse
    v_thi = S_pad[v_thi_idx]
    log_prob = log_prob_edge + log_prob_third
    action = jnp.stack([v_fir.astype(jnp.int32), v_sec.astype(jnp.int32), v_thi.astype(jnp.int32)])
    return (action, log_prob)

if __name__ == "__main__":
    import jax
    _d = setup_inputs()
    print(jax.jit(kernel)(*tuple(_d.values())))

</pallas_src>

<mosaic_0001>
#map = affine_map<(d0, d1) -> (0, 0)>
module attributes {stable_mosaic.version = 14 : i64} {
  func.func @_sc1_body(%arg0: i32, %arg1: i32, %arg2: memref<2x160000xi32, #tpu.memory_space<hbm>>, %arg3: memref<10000x128xf32, #tpu.memory_space<hbm>>, %arg4: memref<20000x128xf32, #tpu.memory_space<hbm>>, %arg5: memref<5000xi32, #tpu.memory_space<vmem>>, %arg6: memref<5000xi32, #tpu.memory_space<vmem>>, %arg7: memref<152x128xf32, #tpu.memory_space<vmem>>, %arg8: memref<152x128xf32, #tpu.memory_space<vmem>>, %arg9: memref<10000x128xf32, #tpu.memory_space<vmem_shared>>, %arg10: memref<!tpu.dma_semaphore, #tpu.memory_space<semaphore_mem>>, %arg11: memref<!tpu.dma_semaphore, #tpu.memory_space<semaphore_mem>>, %arg12: memref<!tpu.dma_semaphore, #tpu.memory_space<semaphore_mem>>, %arg13: memref<!tpu.dma_semaphore, #tpu.memory_space<semaphore_mem>>) attributes {dimension_semantics = [#tpu.dimension_semantics<core_parallel>, #tpu.dimension_semantics<subcore_parallel>], iteration_bounds = array<i64: 2, 16>, scalar_prefetch = 0 : i64, scratch_operands = 9 : i64, tpu.core_type = #tpu.core_type<sc_vector_subcore>, window_params = [{transform_indices = #map}, {transform_indices = #map}, {transform_indices = #map}]} {
    %mul3A = arith.constant 80000 : i32
    %mul3A_0 = arith.muli %arg0, %mul3A : i32
    %mul3A_1 = arith.constant 5000 : i32
    %mul3A_2 = arith.muli %arg1, %mul3A_1 : i32
    %add3A = arith.addi %mul3A_0, %mul3A_2 : i32
    %multiple_of3A = tpu.assume_multiple %add3A, 8 : i32
    %run_scoped3A = arith.constant 0 : i32
    "tpu.region"() ({
      %run_scoped3A_120 = tpu.sem_alloc : memref<!tpu.dma_semaphore, #tpu.memory_space<semaphore_mem>>
      %dma_start3A_121 = tpu.memref_slice %arg2[%run_scoped3A, %multiple_of3A] : memref<2x160000xi32, #tpu.memory_space<hbm>> -> memref<1x5000xi32, #tpu.memory_space<hbm>>
      %dma_start3A_122 = tpu.memref_squeeze %dma_start3A_121 : memref<1x5000xi32, #tpu.memory_space<hbm>> -> memref<5000xi32, #tpu.memory_space<hbm>>
      %dma_start3A_123 = tpu.memref_slice %arg2[%run_scoped3A, %multiple_of3A] : memref<2x160000xi32, #tpu.memory_space<hbm>> -> memref<1x5000xi32, #tpu.memory_space<hbm>>
      %dma_start3A_124 = tpu.memref_squeeze %dma_start3A_123 : memref<1x5000xi32, #tpu.memory_space<hbm>> -> memref<5000xi32, #tpu.memory_space<hbm>>
      tpu.enqueue_dma source(%dma_start3A_124 : memref<5000xi32, #tpu.memory_space<hbm>>) target(%arg5 : memref<5000xi32, #tpu.memory_space<vmem>>) target_semaphore(%run_scoped3A_120 : memref<!tpu.dma_semaphore, #tpu.memory_space<semaphore_mem>>)
      %dma_wait3A_125 = tpu.memref_slice %arg2[%run_scoped3A, %multiple_of3A] : memref<2x160000xi32, #tpu.memory_space<hbm>> -> memref<1x5000xi32, #tpu.memory_space<hbm>>
      %dma_wait3A_126 = tpu.memref_squeeze %dma_wait3A_125 : memref<1x5000xi32, #tpu.memory_space<hbm>> -> memref<5000xi32, #tpu.memory_space<hbm>>
      %dma_wait3A_127 = tpu.memref_slice %arg2[%run_scoped3A, %multiple_of3A] : memref<2x160000xi32, #tpu.memory_space<hbm>> -> memref<1x5000xi32, #tpu.memory_space<hbm>>
      %dma_wait3A_128 = tpu.memref_squeeze %dma_wait3A_127 : memref<1x5000xi32, #tpu.memory_space<hbm>> -> memref<5000xi32, #tpu.memory_space<hbm>>
      tpu.wait_dma2 semaphore(%run_scoped3A_120 : memref<!tpu.dma_semaphore, #tpu.memory_space<semaphore_mem>>) src(%dma_wait3A_128 : memref<5000xi32, #tpu.memory_space<hbm>>) dst(%arg5 : memref<5000xi32, #tpu.memory_space<vmem>>)
      tpu.yield
    }) : () -> ()
    %run_scoped3A_3 = arith.constant 1 : i32
    "tpu.region"() ({
      %run_scoped3A_120 = tpu.sem_alloc : memref<!tpu.dma_semaphore, #tpu.memory_space<semaphore_mem>>
      %dma_start3A_121 = tpu.memref_slice %arg2[%run_scoped3A_3, %multiple_of3A] : memref<2x160000xi32, #tpu.memory_space<hbm>> -> memref<1x5000xi32, #tpu.memory_space<hbm>>
      %dma_start3A_122 = tpu.memref_squeeze %dma_start3A_121 : memref<1x5000xi32, #tpu.memory_space<hbm>> -> memref<5000xi32, #tpu.memory_space<hbm>>
      %dma_start3A_123 = tpu.memref_slice %arg2[%run_scoped3A_3, %multiple_of3A] : memref<2x160000xi32, #tpu.memory_space<hbm>> -> memref<1x5000xi32, #tpu.memory_space<hbm>>
      %dma_start3A_124 = tpu.memref_squeeze %dma_start3A_123 : memref<1x5000xi32, #tpu.memory_space<hbm>> -> memref<5000xi32, #tpu.memory_space<hbm>>
      tpu.enqueue_dma source(%dma_start3A_124 : memref<5000xi32, #tpu.memory_space<hbm>>) target(%arg6 : memref<5000xi32, #tpu.memory_space<vmem>>) target_semaphore(%run_scoped3A_120 : memref<!tpu.dma_semaphore, #tpu.memory_space<semaphore_mem>>)
      %dma_wait3A_125 = tpu.memref_slice %arg2[%run_scoped3A_3, %multiple_of3A] : memref<2x160000xi32, #tpu.memory_space<hbm>> -> memref<1x5000xi32, #tpu.memory_space<hbm>>
      %dma_wait3A_126 = tpu.memref_squeeze %dma_wait3A_125 : memref<1x5000xi32, #tpu.memory_space<hbm>> -> memref<5000xi32, #tpu.memory_space<hbm>>
      %dma_wait3A_127 = tpu.memref_slice %arg2[%run_scoped3A_3, %multiple_of3A] : memref<2x160000xi32, #tpu.memory_space<hbm>> -> memref<1x5000xi32, #tpu.memory_space<hbm>>
      %dma_wait3A_128 = tpu.memref_squeeze %dma_wait3A_127 : memref<1x5000xi32, #tpu.memory_space<hbm>> -> memref<5000xi32, #tpu.memory_space<hbm>>
      tpu.wait_dma2 semaphore(%run_scoped3A_120 : memref<!tpu.dma_semaphore, #tpu.memory_space<semaphore_mem>>) src(%dma_wait3A_128 : memref<5000xi32, #tpu.memory_space<hbm>>) dst(%arg6 : memref<5000xi32, #tpu.memory_space<vmem>>)
      tpu.yield
    }) : () -> ()
    %scan3A = arith.constant 0 : i32
    %scan3A_4 = arith.constant 0 : i32
    %scan3A_5 = arith.constant 152 : i32
    %scan3A_6 = arith.addi %scan3A_4, %scan3A_5 : i32
    %scan3A_7 = arith.constant 1 : i32
    scf.for %scan3A_120 = %scan3A_4 to %scan3A_6 step %scan3A_7  : i32 {
      %broadcast_in_dim3A = arith.constant 0.000000e+00 : f32
      %broadcast_in_dim3A_121 = vector.broadcast %broadcast_in_dim3A : f32 to vector<16xf32>
      %swap3A = arith.index_cast %scan3A_120 : i32 to index
      %swap3A_122 = arith.constant 0 : index
      %swap3A_123 = tpu.vector_load %arg7[%swap3A, %swap3A_122] {strides = array<i32>} : memref<152x128xf32, #tpu.memory_space<vmem>>, vector<1x16xf32>,
      %swap3A_124 = vector.shape_cast %swap3A_123 : vector<1x16xf32> to vector<16xf32>
      %swap3A_125 = vector.shape_cast %broadcast_in_dim3A_121 : vector<16xf32> to vector<1x16xf32>
      tpu.vector_store %arg7[%swap3A, %swap3A_122], %swap3A_125 {strides = array<i32>} : memref<152x128xf32, #tpu.memory_space<vmem>>, vector<1x16xf32>,
      %broadcast_in_dim3A_126 = arith.constant 0.000000e+00 : f32
      %broadcast_in_dim3A_127 = vector.broadcast %broadcast_in_dim3A_126 : f32 to vector<16xf32>
      %swap3A_128 = arith.index_cast %scan3A_120 : i32 to index
      %swap3A_129 = arith.constant 16 : index
      %swap3A_130 = tpu.vector_load %arg7[%swap3A_128, %swap3A_129] {strides = array<i32>} : memref<152x128xf32, #tpu.memory_space<vmem>>, vector<1x16xf32>,
      %swap3A_131 = vector.shape_cast %swap3A_130 : vector<1x16xf32> to vector<16xf32>
      %swap3A_132 = vector.shape_cast %broadcast_in_dim3A_127 : vector<16xf32> to vector<1x16xf32>
      tpu.vector_store %arg7[%swap3A_128, %swap3A_129], %swap3A_132 {strides = array<i32>} : memref<152x128xf32, #tpu.memory_space<vmem>>, vector<1x16xf32>,
      %broadcast_in_dim3A_133 = arith.constant 0.000000e+00 : f32
      %broadcast_in_dim3A_134 = vector.broadcast %broadcast_in_dim3A_133 : f32 to vector<16xf32>
      %swap3A_135 = arith.index_cast %scan3A_120 : i32 to index
      %swap3A_136 = arith.constant 32 : index
      %swap3A_137 = tpu.vector_load %arg7[%swap3A_135, %swap3A_136] {strides = array<i32>} : memref<152x128xf32, #tpu.memory_space<vmem>>, vector<1x16xf32>,
      %swap3A_138 = vector.shape_cast %swap3A_137 : vector<1x16xf32> to vector<16xf32>
      %swap3A_139 = vector.shape_cast %broadcast_in_dim3A_134 : vector<16xf32> to vector<1x16xf32>
      tpu.vector_store %arg7[%swap3A_135, %swap3A_136], %swap3A_139 {strides = array<i32>} : memref<152x128xf32, #tpu.memory_space<vmem>>, vector<1x16xf32>,
      %broadcast_in_dim3A_140 = arith.constant 0.000000e+00 : f32
      %broadcast_in_dim3A_141 = vector.broadcast %broadcast_in_dim3A_140 : f32 to vector<16xf32>
      %swap3A_142 = arith.index_cast %scan3A_120 : i32 to index
      %swap3A_143 = arith.constant 48 : index
      %swap3A_144 = tpu.vector_load %arg7[%swap3A_142, %swap3A_143] {strides = array<i32>} : memref<152x128xf32, #tpu.memory_space<vmem>>, vector<1x16xf32>,
      %swap3A_145 = vector.shape_cast %swap3A_144 : vector<1x16xf32> to vector<16xf32>
      %swap3A_146 = vector.shape_cast %broadcast_in_dim3A_141 : vector<16xf32> to vector<1x16xf32>
      tpu.vector_store %arg7[%swap3A_142, %swap3A_143], %swap3A_146 {strides = array<i32>} : memref<152x128xf32, #tpu.memory_space<vmem>>, vector<1x16xf32>,
      %broadcast_in_dim3A_147 = arith.constant 0.000000e+00 : f32
      %broadcast_in_dim3A_148 = vector.broadcast %broadcast_in_dim3A_147 : f32 to vector<16xf32>
      %swap3A_149 = arith.index_cast %scan3A_120 : i32 to index
      %swap3A_150 = arith.constant 64 : index
      %swap3A_151 = tpu.vector_load %arg7[%swap3A_149, %swap3A_150] {strides = array<i32>} : memref<152x128xf32, #tpu.memory_space<vmem>>, vector<1x16xf32>,
      %swap3A_152 = vector.shape_cast %swap3A_151 : vector<1x16xf32> to vector<16xf32>
      %swap3A_153 = vector.shape_cast %broadcast_in_dim3A_148 : vector<16xf32> to vector<1x16xf32>
      tpu.vector_store %arg7[%swap3A_149, %swap3A_150], %swap3A_153 {strides = array<i32>} : memref<152x128xf32, #tpu.memory_space<vmem>>, vector<1x16xf32>,
      %broadcast_in_dim3A_154 = arith.constant 0.000000e+00 : f32
      %broadcast_in_dim3A_155 = vector.broadcast %broadcast_in_dim3A_154 : f32 to vector<16xf32>
      %swap3A_156 = arith.index_cast %scan3A_120 : i32 to index
      %swap3A_157 = arith.constant 80 : index
      %swap3A_158 = tpu.vector_load %arg7[%swap3A_156, %swap3A_157] {strides = array<i32>} : memref<152x128xf32, #tpu.memory_space<vmem>>, vector<1x16xf32>,
      %swap3A_159 = vector.shape_cast %swap3A_158 : vector<1x16xf32> to vector<16xf32>
      %swap3A_160 = vector.shape_cast %broadcast_in_dim3A_155 : vector<16xf32> to vector<1x16xf32>
      tpu.vector_store %arg7[%swap3A_156, %swap3A_157], %swap3A_160 {strides = array<i32>} : memref<152x128xf32, #tpu.memory_space<vmem>>, vector<1x16xf32>,
      %broadcast_in_dim3A_161 = arith.constant 0.000000e+00 : f32
      %broadcast_in_dim3A_162 = vector.broadcast %broadcast_in_dim3A_161 : f32 to vector<16xf32>
      %swap3A_163 = arith.index_cast %scan3A_120 : i32 to index
      %swap3A_164 = arith.constant 96 : index
      %swap3A_165 = tpu.vector_load %arg7[%swap3A_163, %swap3A_164] {strides = array<i32>} : memref<152x128xf32, #tpu.memory_space<vmem>>, vector<1x16xf32>,
      %swap3A_166 = vector.shape_cast %swap3A_165 : vector<1x16xf32> to vector<16xf32>
      %swap3A_167 = vector.shape_cast %broadcast_in_dim3A_162 : vector<16xf32> to vector<1x16xf32>
      tpu.vector_store %arg7[%swap3A_163, %swap3A_164], %swap3A_167 {strides = array<i32>} : memref<152x128xf32, #tpu.memory_space<vmem>>, vector<1x16xf32>,
      %broadcast_in_dim3A_168 = arith.constant 0.000000e+00 : f32
      %broadcast_in_dim3A_169 = vector.broadcast %broadcast_in_dim3A_168 : f32 to vector<16xf32>
      %swap3A_170 = arith.index_cast %scan3A_120 : i32 to index
      %swap3A_171 = arith.constant 112 : index
      %swap3A_172 = tpu.vector_load %arg7[%swap3A_170, %swap3A_171] {strides = array<i32>} : memref<152x128xf32, #tpu.memory_space<vmem>>, vector<1x16xf32>,
      %swap3A_173 = vector.shape_cast %swap3A_172 : vector<1x16xf32> to vector<16xf32>
      %swap3A_174 = vector.shape_cast %broadcast_in_dim3A_169 : vector<16xf32> to vector<1x16xf32>
      tpu.vector_store %arg7[%swap3A_170, %swap3A_171], %swap3A_174 {strides = array<i32>} : memref<152x128xf32, #tpu.memory_space<vmem>>, vector<1x16xf32>,
    }
    %scan3A_8 = arith.constant 152 : i32
    %mul3A_9 = arith.constant 624 : i32
    %mul3A_10 = arith.muli %arg1, %mul3A_9 : i32
    %add3A_11 = arith.constant 0 : i32
    %add3A_12 = arith.addi %mul3A_10, %add3A_11 : i32
    "tpu.region"() ({
      %run_scoped3A_120 = tpu.sem_alloc : memref<!tpu.dma_semaphore, #tpu.memory_space<semaphore_mem>>
      %dma_start3A_121 = arith.constant 0 : i32
      %dma_start3A_122 = arith.constant 0 : i32
      %dma_start3A_123 = tpu.memref_slice %arg7[%dma_start3A_121, %dma_start3A_122] : memref<152x128xf32, #tpu.memory_space<vmem>> -> memref<152x128xf32, #tpu.memory_space<vmem>>
      %dma_start3A_124 = arith.constant 0 : i32
      %dma_start3A_125 = tpu.memref_slice %arg9[%add3A_12, %dma_start3A_124] : memref<10000x128xf32, #tpu.memory_space<vmem_shared>> -> memref<152x128xf32, #tpu.memory_space<vmem_shared>>
      %dma_start3A_126 = arith.constant 0 : i32
      %dma_start3A_127 = tpu.memref_slice %arg9[%add3A_12, %dma_start3A_126] : memref<10000x128xf32, #tpu.memory_space<vmem_shared>> -> memref<152x128xf32, #tpu.memory_space<vmem_shared>>
      %dma_start3A_128 = arith.constant 0 : i32
      %dma_start3A_129 = arith.constant 0 : i32
      %dma_start3A_130 = tpu.memref_slice %arg7[%dma_start3A_128, %dma_start3A_129] : memref<152x128xf32, #tpu.memory_space<vmem>> -> memref<152x128xf32, #tpu.memory_space<vmem>>
      tpu.enqueue_dma source(%dma_start3A_130 : memref<152x128xf32, #tpu.memory_space<vmem>>) target(%dma_start3A_127 : memref<152x128xf32, #tpu.memory_space<vmem_shared>>) target_semaphore(%run_scoped3A_120 : memref<!tpu.dma_semaphore, #tpu.memory_space<semaphore_mem>>)
      %dma_wait3A_131 = arith.constant 0 : i32
      %dma_wait3A_132 = arith.constant 0 : i32
      %dma_wait3A_133 = tpu.memref_slice %arg7[%dma_wait3A_131, %dma_wait3A_132] : memref<152x128xf32, #tpu.memory_space<vmem>> -> memref<152x128xf32, #tpu.memory_space<vmem>>
      %dma_wait3A_134 = arith.constant 0 : i32
      %dma_wait3A_135 = tpu.memref_slice %arg9[%add3A_12, %dma_wait3A_134] : memref<10000x128xf32, #tpu.memory_space<vmem_shared>> -> memref<152x128xf32, #tpu.memory_space<vmem_shared>>
      %dma_wait3A_136 = arith.constant 0 : i32
      %dma_wait3A_137 = tpu.memref_slice %arg9[%add3A_12, %dma_wait3A_136] : memref<10000x128xf32, #tpu.memory_space<vmem_shared>> -> memref<152x128xf32, #tpu.memory_space<vmem_shared>>
      %dma_wait3A_138 = arith.constant 0 : i32
      %dma_wait3A_139 = arith.constant 0 : i32
      %dma_wait3A_140 = tpu.memref_slice %arg7[%dma_wait3A_138, %dma_wait3A_139] : memref<152x128xf32, #tpu.memory_space<vmem>> -> memref<152x128xf32, #tpu.memory_space<vmem>>
      tpu.wait_dma2 semaphore(%run_scoped3A_120 : memref<!tpu.dma_semaphore, #tpu.memory_space<semaphore_mem>>) src(%dma_wait3A_140 : memref<152x128xf32, #tpu.memory_space<vmem>>) dst(%dma_wait3A_137 : memref<152x128xf32, #tpu.memory_space<vmem_shared>>)
      tpu.yield
    }) : () -> ()
    %mul3A_13 = arith.constant 624 : i32
    %mul3A_14 = arith.muli %arg1, %mul3A_13 : i32
    %add3A_15 = arith.constant 152 : i32
    %add3A_16 = arith.addi %mul3A_14, %add3A_15 : i32
    "tpu.region"() ({
      %run_scoped3A_120 = tpu.sem_alloc : memref<!tpu.dma_semaphore, #tpu.memory_space<semaphore_mem>>
      %dma_start3A_121 = arith.constant 0 : i32
      %dma_start3A_122 = arith.constant 0 : i32
      %dma_start3A_123 = tpu.memref_slice %arg7[%dma_start3A_121, %dma_start3A_122] : memref<152x128xf32, #tpu.memory_space<vmem>> -> memref<152x128xf32, #tpu.memory_space<vmem>>
      %dma_start3A_124 = arith.constant 0 : i32
      %dma_start3A_125 = tpu.memref_slice %arg9[%add3A_16, %dma_start3A_124] : memref<10000x128xf32, #tpu.memory_space<vmem_shared>> -> memref<152x128xf32, #tpu.memory_space<vmem_shared>>
      %dma_start3A_126 = arith.constant 0 : i32
      %dma_start3A_127 = tpu.memref_slice %arg9[%add3A_16, %dma_start3A_126] : memref<10000x128xf32, #tpu.memory_space<vmem_shared>> -> memref<152x128xf32, #tpu.memory_space<vmem_shared>>
      %dma_start3A_128 = arith.constant 0 : i32
      %dma_start3A_129 = arith.constant 0 : i32
      %dma_start3A_130 = tpu.memref_slice %arg7[%dma_start3A_128, %dma_start3A_129] : memref<152x128xf32, #tpu.memory_space<vmem>> -> memref<152x128xf32, #tpu.memory_space<vmem>>
      tpu.enqueue_dma source(%dma_start3A_130 : memref<152x128xf32, #tpu.memory_space<vmem>>) target(%dma_start3A_127 : memref<152x128xf32, #tpu.memory_space<vmem_shared>>) target_semaphore(%run_scoped3A_120 : memref<!tpu.dma_semaphore, #tpu.memory_space<semaphore_mem>>)
      %dma_wait3A_131 = arith.constant 0 : i32
      %dma_wait3A_132 = arith.constant 0 : i32
      %dma_wait3A_133 = tpu.memref_slice %arg7[%dma_wait3A_131, %dma_wait3A_132] : memref<152x128xf32, #tpu.memory_space<vmem>> -> memref<152x128xf32, #tpu.memory_space<vmem>>
      %dma_wait3A_134 = arith.constant 0 : i32
      %dma_wait3A_135 = tpu.memref_slice %arg9[%add3A_16, %dma_wait3A_134] : memref<10000x128xf32, #tpu.memory_space<vmem_shared>> -> memref<152x128xf32, #tpu.memory_space<vmem_shared>>
      %dma_wait3A_136 = arith.constant 0 : i32
      %dma_wait3A_137 = tpu.memref_slice %arg9[%add3A_16, %dma_wait3A_136] : memref<10000x128xf32, #tpu.memory_space<vmem_shared>> -> memref<152x128xf32, #tpu.memory_space<vmem_shared>>
      %dma_wait3A_138 = arith.constant 0 : i32
      %dma_wait3A_139 = arith.constant 0 : i32
      %dma_wait3A_140 = tpu.memref_slice %arg7[%dma_wait3A_138, %dma_wait3A_139] : memref<152x128xf32, #tpu.memory_space<vmem>> -> memref<152x128xf32, #tpu.memory_space<vmem>>
      tpu.wait_dma2 semaphore(%run_scoped3A_120 : memref<!tpu.dma_semaphore, #tpu.memory_space<semaphore_mem>>) src(%dma_wait3A_140 : memref<152x128xf32, #tpu.memory_space<vmem>>) dst(%dma_wait3A_137 : memref<152x128xf32, #tpu.memory_space<vmem_shared>>)
      tpu.yield
    }) : () -> ()
    %mul3A_17 = arith.constant 624 : i32
    %mul3A_18 = arith.muli %arg1, %mul3A_17 : i32
    %add3A_19 = arith.constant 304 : i32
    %add3A_20 = arith.addi %mul3A_18, %add3A_19 : i32
    "tpu.region"() ({
      %run_scoped3A_120 = tpu.sem_alloc : memref<!tpu.dma_semaphore, #tpu.memory_space<semaphore_mem>>
      %dma_start3A_121 = arith.constant 0 : i32
      %dma_start3A_122 = arith.constant 0 : i32
      %dma_start3A_123 = tpu.memref_slice %arg7[%dma_start3A_121, %dma_start3A_122] : memref<152x128xf32, #tpu.memory_space<vmem>> -> memref<152x128xf32, #tpu.memory_space<vmem>>
      %dma_start3A_124 = arith.constant 0 : i32
      %dma_start3A_125 = tpu.memref_slice %arg9[%add3A_20, %dma_start3A_124] : memref<10000x128xf32, #tpu.memory_space<vmem_shared>> -> memref<152x128xf32, #tpu.memory_space<vmem_shared>>
      %dma_start3A_126 = arith.constant 0 : i32
      %dma_start3A_127 = tpu.memref_slice %arg9[%add3A_20, %dma_start3A_126] : memref<10000x128xf32, #tpu.memory_space<vmem_shared>> -> memref<152x128xf32, #tpu.memory_space<vmem_shared>>
      %dma_start3A_128 = arith.constant 0 : i32
      %dma_start3A_129 = arith.constant 0 : i32
      %dma_start3A_130 = tpu.memref_slice %arg7[%dma_start3A_128, %dma_start3A_129] : memref<152x128xf32, #tpu.memory_space<vmem>> -> memref<152x128xf32, #tpu.memory_space<vmem>>
      tpu.enqueue_dma source(%dma_start3A_130 : memref<152x128xf32, #tpu.memory_space<vmem>>) target(%dma_start3A_127 : memref<152x128xf32, #tpu.memory_space<vmem_shared>>) target_semaphore(%run_scoped3A_120 : memref<!tpu.dma_semaphore, #tpu.memory_space<semaphore_mem>>)
      %dma_wait3A_131 = arith.constant 0 : i32
      %dma_wait3A_132 = arith.constant 0 : i32
      %dma_wait3A_133 = tpu.memref_slice %arg7[%dma_wait3A_131, %dma_wait3A_132] : memref<152x128xf32, #tpu.memory_space<vmem>> -> memref<152x128xf32, #tpu.memory_space<vmem>>
      %dma_wait3A_134 = arith.constant 0 : i32
      %dma_wait3A_135 = tpu.memref_slice %arg9[%add3A_20, %dma_wait3A_134] : memref<10000x128xf32, #tpu.memory_space<vmem_shared>> -> memref<152x128xf32, #tpu.memory_space<vmem_shared>>
      %dma_wait3A_136 = arith.constant 0 : i32
      %dma_wait3A_137 = tpu.memref_slice %arg9[%add3A_20, %dma_wait3A_136] : memref<10000x128xf32, #tpu.memory_space<vmem_shared>> -> memref<152x128xf32, #tpu.memory_space<vmem_shared>>
      %dma_wait3A_138 = arith.constant 0 : i32
      %dma_wait3A_139 = arith.constant 0 : i32
      %dma_wait3A_140 = tpu.memref_slice %arg7[%dma_wait3A_138, %dma_wait3A_139] : memref<152x128xf32, #tpu.memory_space<vmem>> -> memref<152x128xf32, #tpu.memory_space<vmem>>
      tpu.wait_dma2 semaphore(%run_scoped3A_120 : memref<!tpu.dma_semaphore, #tpu.memory_space<semaphore_mem>>) src(%dma_wait3A_140 : memref<152x128xf32, #tpu.memory_space<vmem>>) dst(%dma_wait3A_137 : memref<152x128xf32, #tpu.memory_space<vmem_shared>>)
      tpu.yield
    }) : () -> ()
    %mul3A_21 = arith.constant 624 : i32
    %mul3A_22 = arith.muli %arg1, %mul3A_21 : i32
    %add3A_23 = arith.constant 456 : i32
    %add3A_24 = arith.addi %mul3A_22, %add3A_23 : i32
    "tpu.region"() ({
      %run_scoped3A_120 = tpu.sem_alloc : memref<!tpu.dma_semaphore, #tpu.memory_space<semaphore_mem>>
      %dma_start3A_121 = arith.constant 0 : i32
      %dma_start3A_122 = arith.constant 0 : i32
      %dma_start3A_123 = tpu.memref_slice %arg7[%dma_start3A_121, %dma_start3A_122] : memref<152x128xf32, #tpu.memory_space<vmem>> -> memref<152x128xf32, #tpu.memory_space<vmem>>
      %dma_start3A_124 = arith.constant 0 : i32
      %dma_start3A_125 = tpu.memref_slice %arg9[%add3A_24, %dma_start3A_124] : memref<10000x128xf32, #tpu.memory_space<vmem_shared>> -> memref<152x128xf32, #tpu.memory_space<vmem_shared>>
      %dma_start3A_126 = arith.constant 0 : i32
      %dma_start3A_127 = tpu.memref_slice %arg9[%add3A_24, %dma_start3A_126] : memref<10000x128xf32, #tpu.memory_space<vmem_shared>> -> memref<152x128xf32, #tpu.memory_space<vmem_shared>>
      %dma_start3A_128 = arith.constant 0 : i32
      %dma_start3A_129 = arith.constant 0 : i32
      %dma_start3A_130 = tpu.memref_slice %arg7[%dma_start3A_128, %dma_start3A_129] : memref<152x128xf32, #tpu.memory_space<vmem>> -> memref<152x128xf32, #tpu.memory_space<vmem>>
      tpu.enqueue_dma source(%dma_start3A_130 : memref<152x128xf32, #tpu.memory_space<vmem>>) target(%dma_start3A_127 : memref<152x128xf32, #tpu.memory_space<vmem_shared>>) target_semaphore(%run_scoped3A_120 : memref<!tpu.dma_semaphore, #tpu.memory_space<semaphore_mem>>)
      %dma_wait3A_131 = arith.constant 0 : i32
      %dma_wait3A_132 = arith.constant 0 : i32
      %dma_wait3A_133 = tpu.memref_slice %arg7[%dma_wait3A_131, %dma_wait3A_132] : memref<152x128xf32, #tpu.memory_space<vmem>> -> memref<152x128xf32, #tpu.memory_space<vmem>>
      %dma_wait3A_134 = arith.constant 0 : i32
      %dma_wait3A_135 = tpu.memref_slice %arg9[%add3A_24, %dma_wait3A_134] : memref<10000x128xf32, #tpu.memory_space<vmem_shared>> -> memref<152x128xf32, #tpu.memory_space<vmem_shared>>
      %dma_wait3A_136 = arith.constant 0 : i32
      %dma_wait3A_137 = tpu.memref_slice %arg9[%add3A_24, %dma_wait3A_136] : memref<10000x128xf32, #tpu.memory_space<vmem_shared>> -> memref<152x128xf32, #tpu.memory_space<vmem_shared>>
      %dma_wait3A_138 = arith.constant 0 : i32
      %dma_wait3A_139 = arith.constant 0 : i32
      %dma_wait3A_140 = tpu.memref_slice %arg7[%dma_wait3A_138, %dma_wait3A_139] : memref<152x128xf32, #tpu.memory_space<vmem>> -> memref<152x128xf32, #tpu.memory_space<vmem>>
      tpu.wait_dma2 semaphore(%run_scoped3A_120 : memref<!tpu.dma_semaphore, #tpu.memory_space<semaphore_mem>>) src(%dma_wait3A_140 : memref<152x128xf32, #tpu.memory_space<vmem>>) dst(%dma_wait3A_137 : memref<152x128xf32, #tpu.memory_space<vmem_shared>>)
      tpu.yield
    }) : () -> ()
    %mul3A_25 = arith.constant 624 : i32
    %mul3A_26 = arith.muli %arg1, %mul3A_25 : i32
    %add3A_27 = arith.constant 608 : i32
    %add3A_28 = arith.addi %mul3A_26, %add3A_27 : i32
    "tpu.region"() ({
      %run_scoped3A_120 = tpu.sem_alloc : memref<!tpu.dma_semaphore, #tpu.memory_space<semaphore_mem>>
      %dma_start3A_121 = arith.constant 0 : i32
      %dma_start3A_122 = arith.constant 0 : i32
      %dma_start3A_123 = tpu.memref_slice %arg7[%dma_start3A_121, %dma_start3A_122] : memref<152x128xf32, #tpu.memory_space<vmem>> -> memref<16x128xf32, #tpu.memory_space<vmem>>
      %dma_start3A_124 = arith.constant 0 : i32
      %dma_start3A_125 = tpu.memref_slice %arg9[%add3A_28, %dma_start3A_124] : memref<10000x128xf32, #tpu.memory_space<vmem_shared>> -> memref<16x128xf32, #tpu.memory_space<vmem_shared>>
      %dma_start3A_126 = arith.constant 0 : i32
      %dma_start3A_127 = tpu.memref_slice %arg9[%add3A_28, %dma_start3A_126] : memref<10000x128xf32, #tpu.memory_space<vmem_shared>> -> memref<16x128xf32, #tpu.memory_space<vmem_shared>>
      %dma_start3A_128 = arith.constant 0 : i32
      %dma_start3A_129 = arith.constant 0 : i32
      %dma_start3A_130 = tpu.memref_slice %arg7[%dma_start3A_128, %dma_start3A_129] : memref<152x128xf32, #tpu.memory_space<vmem>> -> memref<16x128xf32, #tpu.memory_space<vmem>>
      tpu.enqueue_dma source(%dma_start3A_130 : memref<16x128xf32, #tpu.memory_space<vmem>>) target(%dma_start3A_127 : memref<16x128xf32, #tpu.memory_space<vmem_shared>>) target_semaphore(%run_scoped3A_120 : memref<!tpu.dma_semaphore, #tpu.memory_space<semaphore_mem>>)
      %dma_wait3A_131 = arith.constant 0 : i32
      %dma_wait3A_132 = arith.constant 0 : i32
      %dma_wait3A_133 = tpu.memref_slice %arg7[%dma_wait3A_131, %dma_wait3A_132] : memref<152x128xf32, #tpu.memory_space<vmem>> -> memref<16x128xf32, #tpu.memory_space<vmem>>
      %dma_wait3A_134 = arith.constant 0 : i32
      %dma_wait3A_135 = tpu.memref_slice %arg9[%add3A_28, %dma_wait3A_134] : memref<10000x128xf32, #tpu.memory_space<vmem_shared>> -> memref<16x128xf32, #tpu.memory_space<vmem_shared>>
      %dma_wait3A_136 = arith.constant 0 : i32
      %dma_wait3A_137 = tpu.memref_slice %arg9[%add3A_28, %dma_wait3A_136] : memref<10000x128xf32, #tpu.memory_space<vmem_shared>> -> memref<16x128xf32, #tpu.memory_space<vmem_shared>>
      %dma_wait3A_138 = arith.constant 0 : i32
      %dma_wait3A_139 = arith.constant 0 : i32
      %dma_wait3A_140 = tpu.memref_slice %arg7[%dma_wait3A_138, %dma_wait3A_139] : memref<152x128xf32, #tpu.memory_space<vmem>> -> memref<16x128xf32, #tpu.memory_space<vmem>>
      tpu.wait_dma2 semaphore(%run_scoped3A_120 : memref<!tpu.dma_semaphore, #tpu.memory_space<semaphore_mem>>) src(%dma_wait3A_140 : memref<16x128xf32, #tpu.memory_space<vmem>>) dst(%dma_wait3A_137 : memref<16x128xf32, #tpu.memory_space<vmem_shared>>)
      tpu.yield
    }) : () -> ()
    %eq3A = arith.constant 15 : i32
    %eq3A_29 = arith.cmpi eq, %arg1, %eq3A : i32
    %convert_element_type3A = arith.extui %eq3A_29 : i1 to i32
    %cond3A = arith.constant 0 : i32
    %cond3A_30 = arith.cmpi ne, %convert_element_type3A, %cond3A : i32
    scf.if %cond3A_30 {
      "tpu.region"() ({
        %run_scoped3A_120 = tpu.sem_alloc : memref<!tpu.dma_semaphore, #tpu.memory_space<semaphore_mem>>
        %dma_start3A_121 = arith.constant 0 : i32
        %dma_start3A_122 = arith.constant 0 : i32
        %dma_start3A_123 = tpu.memref_slice %arg7[%dma_start3A_121, %dma_start3A_122] : memref<152x128xf32, #tpu.memory_space<vmem>> -> memref<16x128xf32, #tpu.memory_space<vmem>>
        %dma_start3A_124 = arith.constant 9984 : i32
        %dma_start3A_125 = arith.constant 0 : i32
        %dma_start3A_126 = tpu.memref_slice %arg9[%dma_start3A_124, %dma_start3A_125] : memref<10000x128xf32, #tpu.memory_space<vmem_shared>> -> memref<16x128xf32, #tpu.memory_space<vmem_shared>>
        %dma_start3A_127 = arith.constant 9984 : i32
        %dma_start3A_128 = arith.constant 0 : i32
        %dma_start3A_129 = tpu.memref_slice %arg9[%dma_start3A_127, %dma_start3A_128] : memref<10000x128xf32, #tpu.memory_space<vmem_shared>> -> memref<16x128xf32, #tpu.memory_space<vmem_shared>>
        %dma_start3A_130 = arith.constant 0 : i32
        %dma_start3A_131 = arith.constant 0 : i32
        %dma_start3A_132 = tpu.memref_slice %arg7[%dma_start3A_130, %dma_start3A_131] : memref<152x128xf32, #tpu.memory_space<vmem>> -> memref<16x128xf32, #tpu.memory_space<vmem>>
        tpu.enqueue_dma source(%dma_start3A_132 : memref<16x128xf32, #tpu.memory_space<vmem>>) target(%dma_start3A_129 : memref<16x128xf32, #tpu.memory_space<vmem_shared>>) target_semaphore(%run_scoped3A_120 : memref<!tpu.dma_semaphore, #tpu.memory_space<semaphore_mem>>)
        %dma_wait3A_133 = arith.constant 0 : i32
        %dma_wait3A_134 = arith.constant 0 : i32
        %dma_wait3A_135 = tpu.memref_slice %arg7[%dma_wait3A_133, %dma_wait3A_134] : memref<152x128xf32, #tpu.memory_space<vmem>> -> memref<16x128xf32, #tpu.memory_space<vmem>>
        %dma_wait3A_136 = arith.constant 9984 : i32
        %dma_wait3A_137 = arith.constant 0 : i32
        %dma_wait3A_138 = tpu.memref_slice %arg9[%dma_wait3A_136, %dma_wait3A_137] : memref<10000x128xf32, #tpu.memory_space<vmem_shared>> -> memref<16x128xf32, #tpu.memory_space<vmem_shared>>
        %dma_wait3A_139 = arith.constant 9984 : i32
        %dma_wait3A_140 = arith.constant 0 : i32
        %dma_wait3A_141 = tpu.memref_slice %arg9[%dma_wait3A_139, %dma_wait3A_140] : memref<10000x128xf32, #tpu.memory_space<vmem_shared>> -> memref<16x128xf32, #tpu.memory_space<vmem_shared>>
        %dma_wait3A_142 = arith.constant 0 : i32
        %dma_wait3A_143 = arith.constant 0 : i32
        %dma_wait3A_144 = tpu.memref_slice %arg7[%dma_wait3A_142, %dma_wait3A_143] : memref<152x128xf32, #tpu.memory_space<vmem>> -> memref<16x128xf32, #tpu.memory_space<vmem>>
        tpu.wait_dma2 semaphore(%run_scoped3A_120 : memref<!tpu.dma_semaphore, #tpu.memory_space<semaphore_mem>>) src(%dma_wait3A_144 : memref<16x128xf32, #tpu.memory_space<vmem>>) dst(%dma_wait3A_141 : memref<16x128xf32, #tpu.memory_space<vmem_shared>>)
        tpu.yield
      }) : () -> ()
    } else {
    }
    %barrier3A = arith.constant 0 : index
    tpu.barrier barrier_id(%barrier3A)
    %dma_start3A = arith.constant 0 : i32
    %dma_start3A_31 = tpu.memref_slice %arg5[%dma_start3A] : memref<5000xi32, #tpu.memory_space<vmem>> -> memref<152xi32, #tpu.memory_space<vmem>>
    %dma_start3A_32 = arith.constant 0 : i32
    %dma_start3A_33 = arith.constant 0 : i32
    %dma_start3A_34 = tpu.memref_slice %arg3[%dma_start3A_32, %dma_start3A_33] : memref<10000x128xf32, #tpu.memory_space<hbm>> -> memref<10000x128xf32, #tpu.memory_space<hbm>>
    tpu.enqueue_indirect_dma source(%dma_start3A_34 : memref<10000x128xf32, #tpu.memory_space<hbm>>) target(%arg7 : memref<152x128xf32, #tpu.memory_space<vmem>>) offsets(%dma_start3A_31 : memref<152xi32, #tpu.memory_space<vmem>>) semaphore(%arg10 : memref<!tpu.dma_semaphore, #tpu.memory_space<semaphore_mem>>)
    %scan3A_35 = arith.constant 0 : i32
    %scan3A_36 = arith.constant 0 : i32
    %scan3A_37 = arith.constant 16 : i32
    %scan3A_38 = arith.addi %scan3A_36, %scan3A_37 : i32
    %scan3A_39 = arith.constant 1 : i32
    scf.for %scan3A_120 = %scan3A_36 to %scan3A_38 step %scan3A_39  : i32 {
      %mul3A_121 = arith.constant 2 : i32
      %mul3A_122 = arith.muli %mul3A_121, %scan3A_120 : i32
      %mul3A_123 = arith.constant 152 : i32
      %mul3A_124 = arith.muli %mul3A_122, %mul3A_123 : i32
      %dma_wait3A_125 = tpu.memref_slice %arg5[%mul3A_124] : memref<5000xi32, #tpu.memory_space<vmem>> -> memref<152xi32, #tpu.memory_space<vmem>>
      %dma_wait3A_126 = arith.constant 0 : i32
      %dma_wait3A_127 = arith.constant 0 : i32
      %dma_wait3A_128 = tpu.memref_slice %arg3[%dma_wait3A_126, %dma_wait3A_127] : memref<10000x128xf32, #tpu.memory_space<hbm>> -> memref<10000x128xf32, #tpu.memory_space<hbm>>
      tpu.wait_indirect_dma semaphore(%arg10 : memref<!tpu.dma_semaphore, #tpu.memory_space<semaphore_mem>>) src(%dma_wait3A_128 : memref<10000x128xf32, #tpu.memory_space<hbm>>) dst(%arg7 : memref<152x128xf32, #tpu.memory_space<vmem>>)
      %mul3A_129 = arith.constant 152 : i32
      %mul3A_130 = arith.muli %mul3A_122, %mul3A_129 : i32
      %dma_start3A_131 = tpu.memref_slice %arg6[%mul3A_130] : memref<5000xi32, #tpu.memory_space<vmem>> -> memref<152xi32, #tpu.memory_space<vmem>>
      %dma_start3A_132 = arith.constant 0 : i32
      %dma_start3A_133 = arith.constant 0 : i32
      %dma_start3A_134 = tpu.memref_slice %arg9[%dma_start3A_132, %dma_start3A_133] : memref<10000x128xf32, #tpu.memory_space<vmem_shared>> -> memref<10000x128xf32, #tpu.memory_space<vmem_shared>>
      tpu.enqueue_indirect_dma source(%arg7 : memref<152x128xf32, #tpu.memory_space<vmem>>) target(%dma_start3A_134 : memref<10000x128xf32, #tpu.memory_space<vmem_shared>>) offsets(%dma_start3A_131 : memref<152xi32, #tpu.memory_space<vmem>>) semaphore(%arg12 : memref<!tpu.dma_semaphore, #tpu.memory_space<semaphore_mem>>) {add = true}
      %gt3A = arith.constant 0 : i32
      %gt3A_135 = arith.cmpi sgt, %scan3A_120, %gt3A : i32
      %convert_element_type3A_136 = arith.extui %gt3A_135 : i1 to i32
      %cond3A_137 = arith.constant 0 : i32
      %cond3A_138 = arith.cmpi ne, %convert_element_type3A_136, %cond3A_137 : i32
      scf.if %cond3A_138 {
        %sub3A = arith.constant 1 : i32
        %sub3A_171 = arith.subi %mul3A_122, %sub3A : i32
        %mul3A_172 = arith.constant 152 : i32
        %mul3A_173 = arith.muli %sub3A_171, %mul3A_172 : i32
        %dma_wait3A_174 = tpu.memref_slice %arg6[%mul3A_173] : memref<5000xi32, #tpu.memory_space<vmem>> -> memref<152xi32, #tpu.memory_space<vmem>>
        %dma_wait3A_175 = arith.constant 0 : i32
        %dma_wait3A_176 = arith.constant 0 : i32
        %dma_wait3A_177 = tpu.memref_slice %arg9[%dma_wait3A_175, %dma_wait3A_176] : memref<10000x128xf32, #tpu.memory_space<vmem_shared>> -> memref<10000x128xf32, #tpu.memory_space<vmem_shared>>
        tpu.wait_indirect_dma semaphore(%arg13 : memref<!tpu.dma_semaphore, #tpu.memory_space<semaphore_mem>>) src(%arg8 : memref<152x128xf32, #tpu.memory_space<vmem>>) dst(%dma_wait3A_177 : memref<10000x128xf32, #tpu.memory_space<vmem_shared>>)
      } else {
      }
      %add3A_139 = arith.constant 1 : i32
      %add3A_140 = arith.addi %mul3A_122, %add3A_139 : i32
      %mul3A_141 = arith.constant 152 : i32
      %mul3A_142 = arith.muli %add3A_140, %mul3A_141 : i32
      %dma_start3A_143 = tpu.memref_slice %arg5[%mul3A_142] : memref<5000xi32, #tpu.memory_space<vmem>> -> memref<152xi32, #tpu.memory_space<vmem>>
      %dma_start3A_144 = arith.constant 0 : i32
      %dma_start3A_145 = arith.constant 0 : i32
      %dma_start3A_146 = tpu.memref_slice %arg3[%dma_start3A_144, %dma_start3A_145] : memref<10000x128xf32, #tpu.memory_space<hbm>> -> memref<10000x128xf32, #tpu.memory_space<hbm>>
      tpu.enqueue_indirect_dma source(%dma_start3A_146 : memref<10000x128xf32, #tpu.memory_space<hbm>>) target(%arg8 : memref<152x128xf32, #tpu.memory_space<vmem>>) offsets(%dma_start3A_143 : memref<152xi32, #tpu.memory_space<vmem>>) semaphore(%arg11 : memref<!tpu.dma_semaphore, #tpu.memory_space<semaphore_mem>>)
      %add3A_147 = arith.constant 1 : i32
      %add3A_148 = arith.addi %mul3A_122, %add3A_147 : i32
      %mul3A_149 = arith.constant 152 : i32
      %mul3A_150 = arith.muli %add3A_148, %mul3A_149 : i32
      %dma_wait3A_151 = tpu.memref_slice %arg5[%mul3A_150] : memref<5000xi32, #tpu.memory_space<vmem>> -> memref<152xi32, #tpu.memory_space<vmem>>
      %dma_wait3A_152 = arith.constant 0 : i32
      %dma_wait3A_153 = arith.constant 0 : i32
      %dma_wait3A_154 = tpu.memref_slice %arg3[%dma_wait3A_152, %dma_wait3A_153] : memref<10000x128xf32, #tpu.memory_space<hbm>> -> memref<10000x128xf32, #tpu.memory_space<hbm>>
      tpu.wait_indirect_dma semaphore(%arg11 : memref<!tpu.dma_semaphore, #tpu.memory_space<semaphore_mem>>) src(%dma_wait3A_154 : memref<10000x128xf32, #tpu.memory_space<hbm>>) dst(%arg8 : memref<152x128xf32, #tpu.memory_space<vmem>>)
      %add3A_155 = arith.constant 1 : i32
      %add3A_156 = arith.addi %mul3A_122, %add3A_155 : i32
      %mul3A_157 = arith.constant 152 : i32
      %mul3A_158 = arith.muli %add3A_156, %mul3A_157 : i32
      %dma_start3A_159 = tpu.memref_slice %arg6[%mul3A_158] : memref<5000xi32, #tpu.memory_space<vmem>> -> memref<152xi32, #tpu.memory_space<vmem>>
      %dma_start3A_160 = arith.constant 0 : i32
      %dma_start3A_161 = arith.constant 0 : i32
      %dma_start3A_162 = tpu.memref_slice %arg9[%dma_start3A_160, %dma_start3A_161] : memref<10000x128xf32, #tpu.memory_space<vmem_shared>> -> memref<10000x128xf32, #tpu.memory_space<vmem_shared>>
      tpu.enqueue_indirect_dma source(%arg8 : memref<152x128xf32, #tpu.memory_space<vmem>>) target(%dma_start3A_162 : memref<10000x128xf32, #tpu.memory_space<vmem_shared>>) offsets(%dma_start3A_159 : memref<152xi32, #tpu.memory_space<vmem>>) semaphore(%arg13 : memref<!tpu.dma_semaphore, #tpu.memory_space<semaphore_mem>>) {add = true}
      %dma_wait3A_163 = tpu.memref_slice %arg6[%mul3A_130] : memref<5000xi32, #tpu.memory_space<vmem>> -> memref<152xi32, #tpu.memory_space<vmem>>
      %dma_wait3A_164 = arith.constant 0 : i32
      %dma_wait3A_165 = arith.constant 0 : i32
      %dma_wait3A_166 = tpu.memref_slice %arg9[%dma_wait3A_164, %dma_wait3A_165] : memref<10000x128xf32, #tpu.memory_space<vmem_shared>> -> memref<10000x128xf32, #tpu.memory_space<vmem_shared>>
      tpu.wait_indirect_dma semaphore(%arg12 : memref<!tpu.dma_semaphore, #tpu.memory_space<semaphore_mem>>) src(%arg7 : memref<152x128xf32, #tpu.memory_space<vmem>>) dst(%dma_wait3A_166 : memref<10000x128xf32, #tpu.memory_space<vmem_shared>>)
      %lt3A = arith.constant 15 : i32
      %lt3A_167 = arith.cmpi slt, %scan3A_120, %lt3A : i32
      %convert_element_type3A_168 = arith.extui %lt3A_167 : i1 to i32
      %cond3A_169 = arith.constant 0 : i32
      %cond3A_170 = arith.cmpi ne, %convert_element_type3A_168, %cond3A_169 : i32
      scf.if %cond3A_170 {
        %add3A_171 = arith.constant 2 : i32
        %add3A_172 = arith.addi %mul3A_122, %add3A_171 : i32
        %mul3A_173 = arith.constant 152 : i32
        %mul3A_174 = arith.muli %add3A_172, %mul3A_173 : i32
        %dma_start3A_175 = tpu.memref_slice %arg5[%mul3A_174] : memref<5000xi32, #tpu.memory_space<vmem>> -> memref<152xi32, #tpu.memory_space<vmem>>
        %dma_start3A_176 = arith.constant 0 : i32
        %dma_start3A_177 = arith.constant 0 : i32
        %dma_start3A_178 = tpu.memref_slice %arg3[%dma_start3A_176, %dma_start3A_177] : memref<10000x128xf32, #tpu.memory_space<hbm>> -> memref<10000x128xf32, #tpu.memory_space<hbm>>
        tpu.enqueue_indirect_dma source(%dma_start3A_178 : memref<10000x128xf32, #tpu.memory_space<hbm>>) target(%arg7 : memref<152x128xf32, #tpu.memory_space<vmem>>) offsets(%dma_start3A_175 : memref<152xi32, #tpu.memory_space<vmem>>) semaphore(%arg10 : memref<!tpu.dma_semaphore, #tpu.memory_space<semaphore_mem>>)
      } else {
      }
    }
    %scan3A_40 = arith.constant 16 : i32
    %dma_wait3A = arith.constant 4712 : i32
    %dma_wait3A_41 = tpu.memref_slice %arg6[%dma_wait3A] : memref<5000xi32, #tpu.memory_space<vmem>> -> memref<152xi32, #tpu.memory_space<vmem>>
    %dma_wait3A_42 = arith.constant 0 : i32
    %dma_wait3A_43 = arith.constant 0 : i32
    %dma_wait3A_44 = tpu.memref_slice %arg9[%dma_wait3A_42, %dma_wait3A_43] : memref<10000x128xf32, #tpu.memory_space<vmem_shared>> -> memref<10000x128xf32, #tpu.memory_space<vmem_shared>>
    tpu.wait_indirect_dma semaphore(%arg13 : memref<!tpu.dma_semaphore, #tpu.memory_space<semaphore_mem>>) src(%arg8 : memref<152x128xf32, #tpu.memory_space<vmem>>) dst(%dma_wait3A_44 : memref<10000x128xf32, #tpu.memory_space<vmem_shared>>)
    %dma_start3A_45 = arith.constant 0 : i32
    %dma_start3A_46 = arith.constant 0 : i32
    %dma_start3A_47 = tpu.memref_slice %arg7[%dma_start3A_45, %dma_start3A_46] : memref<152x128xf32, #tpu.memory_space<vmem>> -> memref<136x128xf32, #tpu.memory_space<vmem>>
    %dma_start3A_48 = arith.constant 4864 : i32
    %dma_start3A_49 = tpu.memref_slice %arg5[%dma_start3A_48] : memref<5000xi32, #tpu.memory_space<vmem>> -> memref<136xi32, #tpu.memory_space<vmem>>
    %dma_start3A_50 = arith.constant 0 : i32
    %dma_start3A_51 = arith.constant 0 : i32
    %dma_start3A_52 = tpu.memref_slice %arg3[%dma_start3A_50, %dma_start3A_51] : memref<10000x128xf32, #tpu.memory_space<hbm>> -> memref<10000x128xf32, #tpu.memory_space<hbm>>
    tpu.enqueue_indirect_dma source(%dma_start3A_52 : memref<10000x128xf32, #tpu.memory_space<hbm>>) target(%dma_start3A_47 : memref<136x128xf32, #tpu.memory_space<vmem>>) offsets(%dma_start3A_49 : memref<136xi32, #tpu.memory_space<vmem>>) semaphore(%arg10 : memref<!tpu.dma_semaphore, #tpu.memory_space<semaphore_mem>>)
    %dma_wait3A_53 = arith.constant 0 : i32
    %dma_wait3A_54 = arith.constant 0 : i32
    %dma_wait3A_55 = tpu.memref_slice %arg7[%dma_wait3A_53, %dma_wait3A_54] : memref<152x128xf32, #tpu.memory_space<vmem>> -> memref<136x128xf32, #tpu.memory_space<vmem>>
    %dma_wait3A_56 = arith.constant 4864 : i32
    %dma_wait3A_57 = tpu.memref_slice %arg5[%dma_wait3A_56] : memref<5000xi32, #tpu.memory_space<vmem>> -> memref<136xi32, #tpu.memory_space<vmem>>
    %dma_wait3A_58 = arith.constant 0 : i32
    %dma_wait3A_59 = arith.constant 0 : i32
    %dma_wait3A_60 = tpu.memref_slice %arg3[%dma_wait3A_58, %dma_wait3A_59] : memref<10000x128xf32, #tpu.memory_space<hbm>> -> memref<10000x128xf32, #tpu.memory_space<hbm>>
    tpu.wait_indirect_dma semaphore(%arg10 : memref<!tpu.dma_semaphore, #tpu.memory_space<semaphore_mem>>) src(%dma_wait3A_60 : memref<10000x128xf32, #tpu.memory_space<hbm>>) dst(%dma_wait3A_55 : memref<136x128xf32, #tpu.memory_space<vmem>>)
    %dma_start3A_61 = arith.constant 0 : i32
    %dma_start3A_62 = arith.constant 0 : i32
    %dma_start3A_63 = tpu.memref_slice %arg7[%dma_start3A_61, %dma_start3A_62] : memref<152x128xf32, #tpu.memory_space<vmem>> -> memref<136x128xf32, #tpu.memory_space<vmem>>
    %dma_start3A_64 = arith.constant 4864 : i32
    %dma_start3A_65 = tpu.memref_slice %arg6[%dma_start3A_64] : memref<5000xi32, #tpu.memory_space<vmem>> -> memref<136xi32, #tpu.memory_space<vmem>>
    %dma_start3A_66 = arith.constant 0 : i32
    %dma_start3A_67 = arith.constant 0 : i32
    %dma_start3A_68 = tpu.memref_slice %arg9[%dma_start3A_66, %dma_start3A_67] : memref<10000x128xf32, #tpu.memory_space<vmem_shared>> -> memref<10000x128xf32, #tpu.memory_space<vmem_shared>>
    tpu.enqueue_indirect_dma source(%dma_start3A_63 : memref<136x128xf32, #tpu.memory_space<vmem>>) target(%dma_start3A_68 : memref<10000x128xf32, #tpu.memory_space<vmem_shared>>) offsets(%dma_start3A_65 : memref<136xi32, #tpu.memory_space<vmem>>) semaphore(%arg12 : memref<!tpu.dma_semaphore, #tpu.memory_space<semaphore_mem>>) {add = true}
    %dma_wait3A_69 = arith.constant 0 : i32
    %dma_wait3A_70 = arith.constant 0 : i32
    %dma_wait3A_71 = tpu.memref_slice %arg7[%dma_wait3A_69, %dma_wait3A_70] : memref<152x128xf32, #tpu.memory_space<vmem>> -> memref<136x128xf32, #tpu.memory_space<vmem>>
    %dma_wait3A_72 = arith.constant 4864 : i32
    %dma_wait3A_73 = tpu.memref_slice %arg6[%dma_wait3A_72] : memref<5000xi32, #tpu.memory_space<vmem>> -> memref<136xi32, #tpu.memory_space<vmem>>
    %dma_wait3A_74 = arith.constant 0 : i32
    %dma_wait3A_75 = arith.constant 0 : i32
    %dma_wait3A_76 = tpu.memref_slice %arg9[%dma_wait3A_74, %dma_wait3A_75] : memref<10000x128xf32, #tpu.memory_space<vmem_shared>> -> memref<10000x128xf32, #tpu.memory_space<vmem_shared>>
    tpu.wait_indirect_dma semaphore(%arg12 : memref<!tpu.dma_semaphore, #tpu.memory_space<semaphore_mem>>) src(%dma_wait3A_71 : memref<136x128xf32, #tpu.memory_space<vmem>>) dst(%dma_wait3A_76 : memref<10000x128xf32, #tpu.memory_space<vmem_shared>>)
    %barrier3A_77 = arith.constant 0 : index
    tpu.barrier barrier_id(%barrier3A_77)
    %mul3A_78 = arith.constant 624 : i32
    %mul3A_79 = arith.muli %arg1, %mul3A_78 : i32
    %add3A_80 = arith.constant 0 : i32
    %add3A_81 = arith.addi %mul3A_79, %add3A_80 : i32
    "tpu.region"() ({
      %run_scoped3A_120 = tpu.sem_alloc : memref<!tpu.dma_semaphore, #tpu.memory_space<semaphore_mem>>
      %dma_start3A_121 = arith.constant 0 : i32
      %dma_start3A_122 = arith.constant 0 : i32
      %dma_start3A_123 = tpu.memref_slice %arg7[%dma_start3A_121, %dma_start3A_122] : memref<152x128xf32, #tpu.memory_space<vmem>> -> memref<152x128xf32, #tpu.memory_space<vmem>>
      %dma_start3A_124 = arith.constant 0 : i32
      %dma_start3A_125 = tpu.memref_slice %arg9[%add3A_81, %dma_start3A_124] : memref<10000x128xf32, #tpu.memory_space<vmem_shared>> -> memref<152x128xf32, #tpu.memory_space<vmem_shared>>
      %dma_start3A_126 = arith.constant 0 : i32
      %dma_start3A_127 = arith.constant 0 : i32
      %dma_start3A_128 = tpu.memref_slice %arg7[%dma_start3A_126, %dma_start3A_127] : memref<152x128xf32, #tpu.memory_space<vmem>> -> memref<152x128xf32, #tpu.memory_space<vmem>>
      %dma_start3A_129 = arith.constant 0 : i32
      %dma_start3A_130 = tpu.memref_slice %arg9[%add3A_81, %dma_start3A_129] : memref<10000x128xf32, #tpu.memory_space<vmem_shared>> -> memref<152x128xf32, #tpu.memory_space<vmem_shared>>
      tpu.enqueue_dma source(%dma_start3A_130 : memref<152x128xf32, #tpu.memory_space<vmem_shared>>) target(%dma_start3A_128 : memref<152x128xf32, #tpu.memory_space<vmem>>) target_semaphore(%run_scoped3A_120 : memref<!tpu.dma_semaphore, #tpu.memory_space<semaphore_mem>>)
      %dma_wait3A_131 = arith.constant 0 : i32
      %dma_wait3A_132 = arith.constant 0 : i32
      %dma_wait3A_133 = tpu.memref_slice %arg7[%dma_wait3A_131, %dma_wait3A_132] : memref<152x128xf32, #tpu.memory_space<vmem>> -> memref<152x128xf32, #tpu.memory_space<vmem>>
      %dma_wait3A_134 = arith.constant 0 : i32
      %dma_wait3A_135 = tpu.memref_slice %arg9[%add3A_81, %dma_wait3A_134] : memref<10000x128xf32, #tpu.memory_space<vmem_shared>> -> memref<152x128xf32, #tpu.memory_space<vmem_shared>>
      %dma_wait3A_136 = arith.constant 0 : i32
      %dma_wait3A_137 = arith.constant 0 : i32
      %dma_wait3A_138 = tpu.memref_slice %arg7[%dma_wait3A_136, %dma_wait3A_137] : memref<152x128xf32, #tpu.memory_space<vmem>> -> memref<152x128xf32, #tpu.memory_space<vmem>>
      %dma_wait3A_139 = arith.constant 0 : i32
      %dma_wait3A_140 = tpu.memref_slice %arg9[%add3A_81, %dma_wait3A_139] : memref<10000x128xf32, #tpu.memory_space<vmem_shared>> -> memref<152x128xf32, #tpu.memory_space<vmem_shared>>
      tpu.wait_dma2 semaphore(%run_scoped3A_120 : memref<!tpu.dma_semaphore, #tpu.memory_space<semaphore_mem>>) src(%dma_wait3A_140 : memref<152x128xf32, #tpu.memory_space<vmem_shared>>) dst(%dma_wait3A_138 : memref<152x128xf32, #tpu.memory_space<vmem>>)
      tpu.yield
    }) : () -> ()
    %mul3A_82 = arith.constant 10000 : i32
    %mul3A_83 = arith.muli %arg0, %mul3A_82 : i32
    %add3A_84 = arith.addi %mul3A_83, %mul3A_79 : i32
    %add3A_85 = arith.constant 0 : i32
    %add3A_86 = arith.addi %add3A_84, %add3A_85 : i32
    "tpu.region"() ({
      %run_scoped3A_120 = tpu.sem_alloc : memref<!tpu.dma_semaphore, #tpu.memory_space<semaphore_mem>>
      %dma_start3A_121 = arith.constant 0 : i32
      %dma_start3A_122 = arith.constant 0 : i32
      %dma_start3A_123 = tpu.memref_slice %arg7[%dma_start3A_121, %dma_start3A_122] : memref<152x128xf32, #tpu.memory_space<vmem>> -> memref<152x128xf32, #tpu.memory_space<vmem>>
      %dma_start3A_124 = arith.constant 0 : i32
      %dma_start3A_125 = tpu.memref_slice %arg4[%add3A_86, %dma_start3A_124] : memref<20000x128xf32, #tpu.memory_space<hbm>> -> memref<152x128xf32, #tpu.memory_space<hbm>>
      %dma_start3A_126 = arith.constant 0 : i32
      %dma_start3A_127 = tpu.memref_slice %arg4[%add3A_86, %dma_start3A_126] : memref<20000x128xf32, #tpu.memory_space<hbm>> -> memref<152x128xf32, #tpu.memory_space<hbm>>
      %dma_start3A_128 = arith.constant 0 : i32
      %dma_start3A_129 = arith.constant 0 : i32
      %dma_start3A_130 = tpu.memref_slice %arg7[%dma_start3A_128, %dma_start3A_129] : memref<152x128xf32, #tpu.memory_space<vmem>> -> memref<152x128xf32, #tpu.memory_space<vmem>>
      tpu.enqueue_dma source(%dma_start3A_130 : memref<152x128xf32, #tpu.memory_space<vmem>>) target(%dma_start3A_127 : memref<152x128xf32, #tpu.memory_space<hbm>>) target_semaphore(%run_scoped3A_120 : memref<!tpu.dma_semaphore, #tpu.memory_space<semaphore_mem>>)
      %dma_wait3A_131 = arith.constant 0 : i32
      %dma_wait3A_132 = arith.constant 0 : i32
      %dma_wait3A_133 = tpu.memref_slice %arg7[%dma_wait3A_131, %dma_wait3A_132] : memref<152x128xf32, #tpu.memory_space<vmem>> -> memref<152x128xf32, #tpu.memory_space<vmem>>
      %dma_wait3A_134 = arith.constant 0 : i32
      %dma_wait3A_135 = tpu.memref_slice %arg4[%add3A_86, %dma_wait3A_134] : memref<20000x128xf32, #tpu.memory_space<hbm>> -> memref<152x128xf32, #tpu.memory_space<hbm>>
      %dma_wait3A_136 = arith.constant 0 : i32
      %dma_wait3A_137 = tpu.memref_slice %arg4[%add3A_86, %dma_wait3A_136] : memref<20000x128xf32, #tpu.memory_space<hbm>> -> memref<152x128xf32, #tpu.memory_space<hbm>>
      %dma_wait3A_138 = arith.constant 0 : i32
      %dma_wait3A_139 = arith.constant 0 : i32
      %dma_wait3A_140 = tpu.memref_slice %arg7[%dma_wait3A_138, %dma_wait3A_139] : memref<152x128xf32, #tpu.memory_space<vmem>> -> memref<152x128xf32, #tpu.memory_space<vmem>>
      tpu.wait_dma2 semaphore(%run_scoped3A_120 : memref<!tpu.dma_semaphore, #tpu.memory_space<semaphore_mem>>) src(%dma_wait3A_140 : memref<152x128xf32, #tpu.memory_space<vmem>>) dst(%dma_wait3A_137 : memref<152x128xf32, #tpu.memory_space<hbm>>)
      tpu.yield
    }) : () -> ()
    %add3A_87 = arith.constant 152 : i32
    %add3A_88 = arith.addi %mul3A_79, %add3A_87 : i32
    "tpu.region"() ({
      %run_scoped3A_120 = tpu.sem_alloc : memref<!tpu.dma_semaphore, #tpu.memory_space<semaphore_mem>>
      %dma_start3A_121 = arith.constant 0 : i32
      %dma_start3A_122 = arith.constant 0 : i32
      %dma_start3A_123 = tpu.memref_slice %arg7[%dma_start3A_121, %dma_start3A_122] : memref<152x128xf32, #tpu.memory_space<vmem>> -> memref<152x128xf32, #tpu.memory_space<vmem>>
      %dma_start3A_124 = arith.constant 0 : i32
      %dma_start3A_125 = tpu.memref_slice %arg9[%add3A_88, %dma_start3A_124] : memref<10000x128xf32, #tpu.memory_space<vmem_shared>> -> memref<152x128xf32, #tpu.memory_space<vmem_shared>>
      %dma_start3A_126 = arith.constant 0 : i32
      %dma_start3A_127 = arith.constant 0 : i32
      %dma_start3A_128 = tpu.memref_slice %arg7[%dma_start3A_126, %dma_start3A_127] : memref<152x128xf32, #tpu.memory_space<vmem>> -> memref<152x128xf32, #tpu.memory_space<vmem>>
      %dma_start3A_129 = arith.constant 0 : i32
      %dma_start3A_130 = tpu.memref_slice %arg9[%add3A_88, %dma_start3A_129] : memref<10000x128xf32, #tpu.memory_space<vmem_shared>> -> memref<152x128xf32, #tpu.memory_space<vmem_shared>>
      tpu.enqueue_dma source(%dma_start3A_130 : memref<152x128xf32, #tpu.memory_space<vmem_shared>>) target(%dma_start3A_128 : memref<152x128xf32, #tpu.memory_space<vmem>>) target_semaphore(%run_scoped3A_120 : memref<!tpu.dma_semaphore, #tpu.memory_space<semaphore_mem>>)
      %dma_wait3A_131 = arith.constant 0 : i32
      %dma_wait3A_132 = arith.constant 0 : i32
      %dma_wait3A_133 = tpu.memref_slice %arg7[%dma_wait3A_131, %dma_wait3A_132] : memref<152x128xf32, #tpu.memory_space<vmem>> -> memref<152x128xf32, #tpu.memory_space<vmem>>
      %dma_wait3A_134 = arith.constant 0 : i32
      %dma_wait3A_135 = tpu.memref_slice %arg9[%add3A_88, %dma_wait3A_134] : memref<10000x128xf32, #tpu.memory_space<vmem_shared>> -> memref<152x128xf32, #tpu.memory_space<vmem_shared>>
      %dma_wait3A_136 = arith.constant 0 : i32
      %dma_wait3A_137 = arith.constant 0 : i32
      %dma_wait3A_138 = tpu.memref_slice %arg7[%dma_wait3A_136, %dma_wait3A_137] : memref<152x128xf32, #tpu.memory_space<vmem>> -> memref<152x128xf32, #tpu.memory_space<vmem>>
      %dma_wait3A_139 = arith.constant 0 : i32
      %dma_wait3A_140 = tpu.memref_slice %arg9[%add3A_88, %dma_wait3A_139] : memref<10000x128xf32, #tpu.memory_space<vmem_shared>> -> memref<152x128xf32, #tpu.memory_space<vmem_shared>>
      tpu.wait_dma2 semaphore(%run_scoped3A_120 : memref<!tpu.dma_semaphore, #tpu.memory_space<semaphore_mem>>) src(%dma_wait3A_140 : memref<152x128xf32, #tpu.memory_space<vmem_shared>>) dst(%dma_wait3A_138 : memref<152x128xf32, #tpu.memory_space<vmem>>)
      tpu.yield
    }) : () -> ()
    %mul3A_89 = arith.constant 10000 : i32
    %mul3A_90 = arith.muli %arg0, %mul3A_89 : i32
    %add3A_91 = arith.addi %mul3A_90, %mul3A_79 : i32
    %add3A_92 = arith.constant 152 : i32
    %add3A_93 = arith.addi %add3A_91, %add3A_92 : i32
    "tpu.region"() ({
      %run_scoped3A_120 = tpu.sem_alloc : memref<!tpu.dma_semaphore, #tpu.memory_space<semaphore_mem>>
      %dma_start3A_121 = arith.constant 0 : i32
      %dma_start3A_122 = arith.constant 0 : i32
      %dma_start3A_123 = tpu.memref_slice %arg7[%dma_start3A_121, %dma_start3A_122] : memref<152x128xf32, #tpu.memory_space<vmem>> -> memref<152x128xf32, #tpu.memory_space<vmem>>
      %dma_start3A_124 = arith.constant 0 : i32
      %dma_start3A_125 = tpu.memref_slice %arg4[%add3A_93, %dma_start3A_124] : memref<20000x128xf32, #tpu.memory_space<hbm>> -> memref<152x128xf32, #tpu.memory_space<hbm>>
      %dma_start3A_126 = arith.constant 0 : i32
      %dma_start3A_127 = tpu.memref_slice %arg4[%add3A_93, %dma_start3A_126] : memref<20000x128xf32, #tpu.memory_space<hbm>> -> memref<152x128xf32, #tpu.memory_space<hbm>>
      %dma_start3A_128 = arith.constant 0 : i32
      %dma_start3A_129 = arith.constant 0 : i32
      %dma_start3A_130 = tpu.memref_slice %arg7[%dma_start3A_128, %dma_start3A_129] : memref<152x128xf32, #tpu.memory_space<vmem>> -> memref<152x128xf32, #tpu.memory_space<vmem>>
      tpu.enqueue_dma source(%dma_start3A_130 : memref<152x128xf32, #tpu.memory_space<vmem>>) target(%dma_start3A_127 : memref<152x128xf32, #tpu.memory_space<hbm>>) target_semaphore(%run_scoped3A_120 : memref<!tpu.dma_semaphore, #tpu.memory_space<semaphore_mem>>)
      %dma_wait3A_131 = arith.constant 0 : i32
      %dma_wait3A_132 = arith.constant 0 : i32
      %dma_wait3A_133 = tpu.memref_slice %arg7[%dma_wait3A_131, %dma_wait3A_132] : memref<152x128xf32, #tpu.memory_space<vmem>> -> memref<152x128xf32, #tpu.memory_space<vmem>>
      %dma_wait3A_134 = arith.constant 0 : i32
      %dma_wait3A_135 = tpu.memref_slice %arg4[%add3A_93, %dma_wait3A_134] : memref<20000x128xf32, #tpu.memory_space<hbm>> -> memref<152x128xf32, #tpu.memory_space<hbm>>
      %dma_wait3A_136 = arith.constant 0 : i32
      %dma_wait3A_137 = tpu.memref_slice %arg4[%add3A_93, %dma_wait3A_136] : memref<20000x128xf32, #tpu.memory_space<hbm>> -> memref<152x128xf32, #tpu.memory_space<hbm>>
      %dma_wait3A_138 = arith.constant 0 : i32
      %dma_wait3A_139 = arith.constant 0 : i32
      %dma_wait3A_140 = tpu.memref_slice %arg7[%dma_wait3A_138, %dma_wait3A_139] : memref<152x128xf32, #tpu.memory_space<vmem>> -> memref<152x128xf32, #tpu.memory_space<vmem>>
      tpu.wait_dma2 semaphore(%run_scoped3A_120 : memref<!tpu.dma_semaphore, #tpu.memory_space<semaphore_mem>>) src(%dma_wait3A_140 : memref<152x128xf32, #tpu.memory_space<vmem>>) dst(%dma_wait3A_137 : memref<152x128xf32, #tpu.memory_space<hbm>>)
      tpu.yield
    }) : () -> ()
    %add3A_94 = arith.constant 304 : i32
    %add3A_95 = arith.addi %mul3A_79, %add3A_94 : i32
    "tpu.region"() ({
      %run_scoped3A_120 = tpu.sem_alloc : memref<!tpu.dma_semaphore, #tpu.memory_space<semaphore_mem>>
      %dma_start3A_121 = arith.constant 0 : i32
      %dma_start3A_122 = arith.constant 0 : i32
      %dma_start3A_123 = tpu.memref_slice %arg7[%dma_start3A_121, %dma_start3A_122] : memref<152x128xf32, #tpu.memory_space<vmem>> -> memref<152x128xf32, #tpu.memory_space<vmem>>
      %dma_start3A_124 = arith.constant 0 : i32
      %dma_start3A_125 = tpu.memref_slice %arg9[%add3A_95, %dma_start3A_124] : memref<10000x128xf32, #tpu.memory_space<vmem_shared>> -> memref<152x128xf32, #tpu.memory_space<vmem_shared>>
      %dma_start3A_126 = arith.constant 0 : i32
      %dma_start3A_127 = arith.constant 0 : i32
      %dma_start3A_128 = tpu.memref_slice %arg7[%dma_start3A_126, %dma_start3A_127] : memref<152x128xf32, #tpu.memory_space<vmem>> -> memref<152x128xf32, #tpu.memory_space<vmem>>
      %dma_start3A_129 = arith.constant 0 : i32
      %dma_start3A_130 = tpu.memref_slice %arg9[%add3A_95, %dma_start3A_129] : memref<10000x128xf32, #tpu.memory_space<vmem_shared>> -> memref<152x128xf32, #tpu.memory_space<vmem_shared>>
      tpu.enqueue_dma source(%dma_start3A_130 : memref<152x128xf32, #tpu.memory_space<vmem_shared>>) target(%dma_start3A_128 : memref<152x128xf32, #tpu.memory_space<vmem>>) target_semaphore(%run_scoped3A_120 : memref<!tpu.dma_semaphore, #tpu.memory_space<semaphore_mem>>)
      %dma_wait3A_131 = arith.constant 0 : i32
      %dma_wait3A_132 = arith.constant 0 : i32
      %dma_wait3A_133 = tpu.memref_slice %arg7[%dma_wait3A_131, %dma_wait3A_132] : memref<152x128xf32, #tpu.memory_space<vmem>> -> memref<152x128xf32, #tpu.memory_space<vmem>>
      %dma_wait3A_134 = arith.constant 0 : i32
      %dma_wait3A_135 = tpu.memref_slice %arg9[%add3A_95, %dma_wait3A_134] : memref<10000x128xf32, #tpu.memory_space<vmem_shared>> -> memref<152x128xf32, #tpu.memory_space<vmem_shared>>
      %dma_wait3A_136 = arith.constant 0 : i32
      %dma_wait3A_137 = arith.constant 0 : i32
      %dma_wait3A_138 = tpu.memref_slice %arg7[%dma_wait3A_136, %dma_wait3A_137] : memref<152x128xf32, #tpu.memory_space<vmem>> -> memref<152x128xf32, #tpu.memory_space<vmem>>
      %dma_wait3A_139 = arith.constant 0 : i32
      %dma_wait3A_140 = tpu.memref_slice %arg9[%add3A_95, %dma_wait3A_139] : memref<10000x128xf32, #tpu.memory_space<vmem_shared>> -> memref<152x128xf32, #tpu.memory_space<vmem_shared>>
      tpu.wait_dma2 semaphore(%run_scoped3A_120 : memref<!tpu.dma_semaphore, #tpu.memory_space<semaphore_mem>>) src(%dma_wait3A_140 : memref<152x128xf32, #tpu.memory_space<vmem_shared>>) dst(%dma_wait3A_138 : memref<152x128xf32, #tpu.memory_space<vmem>>)
      tpu.yield
    }) : () -> ()
    %mul3A_96 = arith.constant 10000 : i32
    %mul3A_97 = arith.muli %arg0, %mul3A_96 : i32
    %add3A_98 = arith.addi %mul3A_97, %mul3A_79 : i32
    %add3A_99 = arith.constant 304 : i32
    %add3A_100 = arith.addi %add3A_98, %add3A_99 : i32
    "tpu.region"() ({
      %run_scoped3A_120 = tpu.sem_alloc : memref<!tpu.dma_semaphore, #tpu.memory_space<semaphore_mem>>
      %dma_start3A_121 = arith.constant 0 : i32
      %dma_start3A_122 = arith.constant 0 : i32
      %dma_start3A_123 = tpu.memref_slice %arg7[%dma_start3A_121, %dma_start3A_122] : memref<152x128xf32, #tpu.memory_space<vmem>> -> memref<152x128xf32, #tpu.memory_space<vmem>>
      %dma_start3A_124 = arith.constant 0 : i32
      %dma_start3A_125 = tpu.memref_slice %arg4[%add3A_100, %dma_start3A_124] : memref<20000x128xf32, #tpu.memory_space<hbm>> -> memref<152x128xf32, #tpu.memory_space<hbm>>
      %dma_start3A_126 = arith.constant 0 : i32
      %dma_start3A_127 = tpu.memref_slice %arg4[%add3A_100, %dma_start3A_126] : memref<20000x128xf32, #tpu.memory_space<hbm>> -> memref<152x128xf32, #tpu.memory_space<hbm>>
      %dma_start3A_128 = arith.constant 0 : i32
      %dma_start3A_129 = arith.constant 0 : i32
      %dma_start3A_130 = tpu.memref_slice %arg7[%dma_start3A_128, %dma_start3A_129] : memref<152x128xf32, #tpu.memory_space<vmem>> -> memref<152x128xf32, #tpu.memory_space<vmem>>
      tpu.enqueue_dma source(%dma_start3A_130 : memref<152x128xf32, #tpu.memory_space<vmem>>) target(%dma_start3A_127 : memref<152x128xf32, #tpu.memory_space<hbm>>) target_semaphore(%run_scoped3A_120 : memref<!tpu.dma_semaphore, #tpu.memory_space<semaphore_mem>>)
      %dma_wait3A_131 = arith.constant 0 : i32
      %dma_wait3A_132 = arith.constant 0 : i32
      %dma_wait3A_133 = tpu.memref_slice %arg7[%dma_wait3A_131, %dma_wait3A_132] : memref<152x128xf32, #tpu.memory_space<vmem>> -> memref<152x128xf32, #tpu.memory_space<vmem>>
      %dma_wait3A_134 = arith.constant 0 : i32
      %dma_wait3A_135 = tpu.memref_slice %arg4[%add3A_100, %dma_wait3A_134] : memref<20000x128xf32, #tpu.memory_space<hbm>> -> memref<152x128xf32, #tpu.memory_space<hbm>>
      %dma_wait3A_136 = arith.constant 0 : i32
      %dma_wait3A_137 = tpu.memref_slice %arg4[%add3A_100, %dma_wait3A_136] : memref<20000x128xf32, #tpu.memory_space<hbm>> -> memref<152x128xf32, #tpu.memory_space<hbm>>
      %dma_wait3A_138 = arith.constant 0 : i32
      %dma_wait3A_139 = arith.constant 0 : i32
      %dma_wait3A_140 = tpu.memref_slice %arg7[%dma_wait3A_138, %dma_wait3A_139] : memref<152x128xf32, #tpu.memory_space<vmem>> -> memref<152x128xf32, #tpu.memory_space<vmem>>
      tpu.wait_dma2 semaphore(%run_scoped3A_120 : memref<!tpu.dma_semaphore, #tpu.memory_space<semaphore_mem>>) src(%dma_wait3A_140 : memref<152x128xf32, #tpu.memory_space<vmem>>) dst(%dma_wait3A_137 : memref<152x128xf32, #tpu.memory_space<hbm>>)
      tpu.yield
    }) : () -> ()
    %add3A_101 = arith.constant 456 : i32
    %add3A_102 = arith.addi %mul3A_79, %add3A_101 : i32
    "tpu.region"() ({
      %run_scoped3A_120 = tpu.sem_alloc : memref<!tpu.dma_semaphore, #tpu.memory_space<semaphore_mem>>
      %dma_start3A_121 = arith.constant 0 : i32
      %dma_start3A_122 = arith.constant 0 : i32
      %dma_start3A_123 = tpu.memref_slice %arg7[%dma_start3A_121, %dma_start3A_122] : memref<152x128xf32, #tpu.memory_space<vmem>> -> memref<152x128xf32, #tpu.memory_space<vmem>>
      %dma_start3A_124 = arith.constant 0 : i32
      %dma_start3A_125 = tpu.memref_slice %arg9[%add3A_102, %dma_start3A_124] : memref<10000x128xf32, #tpu.memory_space<vmem_shared>> -> memref<152x128xf32, #tpu.memory_space<vmem_shared>>
      %dma_start3A_126 = arith.constant 0 : i32
      %dma_start3A_127 = arith.constant 0 : i32
      %dma_start3A_128 = tpu.memref_slice %arg7[%dma_start3A_126, %dma_start3A_127] : memref<152x128xf32, #tpu.memory_space<vmem>> -> memref<152x128xf32, #tpu.memory_space<vmem>>
      %dma_start3A_129 = arith.constant 0 : i32
      %dma_start3A_130 = tpu.memref_slice %arg9[%add3A_102, %dma_start3A_129] : memref<10000x128xf32, #tpu.memory_space<vmem_shared>> -> memref<152x128xf32, #tpu.memory_space<vmem_shared>>
      tpu.enqueue_dma source(%dma_start3A_130 : memref<152x128xf32, #tpu.memory_space<vmem_shared>>) target(%dma_start3A_128 : memref<152x128xf32, #tpu.memory_space<vmem>>) target_semaphore(%run_scoped3A_120 : memref<!tpu.dma_semaphore, #tpu.memory_space<semaphore_mem>>)
      %dma_wait3A_131 = arith.constant 0 : i32
      %dma_wait3A_132 = arith.constant 0 : i32
      %dma_wait3A_133 = tpu.memref_slice %arg7[%dma_wait3A_131, %dma_wait3A_132] : memref<152x128xf32, #tpu.memory_space<vmem>> -> memref<152x128xf32, #tpu.memory_space<vmem>>
      %dma_wait3A_134 = arith.constant 0 : i32
      %dma_wait3A_135 = tpu.memref_slice %arg9[%add3A_102, %dma_wait3A_134] : memref<10000x128xf32, #tpu.memory_space<vmem_shared>> -> memref<152x128xf32, #tpu.memory_space<vmem_shared>>
      %dma_wait3A_136 = arith.constant 0 : i32
      %dma_wait3A_137 = arith.constant 0 : i32
      %dma_wait3A_138 = tpu.memref_slice %arg7[%dma_wait3A_136, %dma_wait3A_137] : memref<152x128xf32, #tpu.memory_space<vmem>> -> memref<152x128xf32, #tpu.memory_space<vmem>>
      %dma_wait3A_139 = arith.constant 0 : i32
      %dma_wait3A_140 = tpu.memref_slice %arg9[%add3A_102, %dma_wait3A_139] : memref<10000x128xf32, #tpu.memory_space<vmem_shared>> -> memref<152x128xf32, #tpu.memory_space<vmem_shared>>
      tpu.wait_dma2 semaphore(%run_scoped3A_120 : memref<!tpu.dma_semaphore, #tpu.memory_space<semaphore_mem>>) src(%dma_wait3A_140 : memref<152x128xf32, #tpu.memory_space<vmem_shared>>) dst(%dma_wait3A_138 : memref<152x128xf32, #tpu.memory_space<vmem>>)
      tpu.yield
    }) : () -> ()
    %mul3A_103 = arith.constant 10000 : i32
    %mul3A_104 = arith.muli %arg0, %mul3A_103 : i32
    %add3A_105 = arith.addi %mul3A_104, %mul3A_79 : i32
    %add3A_106 = arith.constant 456 : i32
    %add3A_107 = arith.addi %add3A_105, %add3A_106 : i32
    "tpu.region"() ({
      %run_scoped3A_120 = tpu.sem_alloc : memref<!tpu.dma_semaphore, #tpu.memory_space<semaphore_mem>>
      %dma_start3A_121 = arith.constant 0 : i32
      %dma_start3A_122 = arith.constant 0 : i32
      %dma_start3A_123 = tpu.memref_slice %arg7[%dma_start3A_121, %dma_start3A_122] : memref<152x128xf32, #tpu.memory_space<vmem>> -> memref<152x128xf32, #tpu.memory_space<vmem>>
      %dma_start3A_124 = arith.constant 0 : i32
      %dma_start3A_125 = tpu.memref_slice %arg4[%add3A_107, %dma_start3A_124] : memref<20000x128xf32, #tpu.memory_space<hbm>> -> memref<152x128xf32, #tpu.memory_space<hbm>>
      %dma_start3A_126 = arith.constant 0 : i32
      %dma_start3A_127 = tpu.memref_slice %arg4[%add3A_107, %dma_start3A_126] : memref<20000x128xf32, #tpu.memory_space<hbm>> -> memref<152x128xf32, #tpu.memory_space<hbm>>
      %dma_start3A_128 = arith.constant 0 : i32
      %dma_start3A_129 = arith.constant 0 : i32
      %dma_start3A_130 = tpu.memref_slice %arg7[%dma_start3A_128, %dma_start3A_129] : memref<152x128xf32, #tpu.memory_space<vmem>> -> memref<152x128xf32, #tpu.memory_space<vmem>>
      tpu.enqueue_dma source(%dma_start3A_130 : memref<152x128xf32, #tpu.memory_space<vmem>>) target(%dma_start3A_127 : memref<152x128xf32, #tpu.memory_space<hbm>>) target_semaphore(%run_scoped3A_120 : memref<!tpu.dma_semaphore, #tpu.memory_space<semaphore_mem>>)
      %dma_wait3A_131 = arith.constant 0 : i32
      %dma_wait3A_132 = arith.constant 0 : i32
      %dma_wait3A_133 = tpu.memref_slice %arg7[%dma_wait3A_131, %dma_wait3A_132] : memref<152x128xf32, #tpu.memory_space<vmem>> -> memref<152x128xf32, #tpu.memory_space<vmem>>
      %dma_wait3A_134 = arith.constant 0 : i32
      %dma_wait3A_135 = tpu.memref_slice %arg4[%add3A_107, %dma_wait3A_134] : memref<20000x128xf32, #tpu.memory_space<hbm>> -> memref<152x128xf32, #tpu.memory_space<hbm>>
      %dma_wait3A_136 = arith.constant 0 : i32
      %dma_wait3A_137 = tpu.memref_slice %arg4[%add3A_107, %dma_wait3A_136] : memref<20000x128xf32, #tpu.memory_space<hbm>> -> memref<152x128xf32, #tpu.memory_space<hbm>>
      %dma_wait3A_138 = arith.constant 0 : i32
      %dma_wait3A_139 = arith.constant 0 : i32
      %dma_wait3A_140 = tpu.memref_slice %arg7[%dma_wait3A_138, %dma_wait3A_139] : memref<152x128xf32, #tpu.memory_space<vmem>> -> memref<152x128xf32, #tpu.memory_space<vmem>>
      tpu.wait_dma2 semaphore(%run_scoped3A_120 : memref<!tpu.dma_semaphore, #tpu.memory_space<semaphore_mem>>) src(%dma_wait3A_140 : memref<152x128xf32, #tpu.memory_space<vmem>>) dst(%dma_wait3A_137 : memref<152x128xf32, #tpu.memory_space<hbm>>)
      tpu.yield
    }) : () -> ()
    %add3A_108 = arith.constant 608 : i32
    %add3A_109 = arith.addi %mul3A_79, %add3A_108 : i32
    "tpu.region"() ({
      %run_scoped3A_120 = tpu.sem_alloc : memref<!tpu.dma_semaphore, #tpu.memory_space<semaphore_mem>>
      %dma_start3A_121 = arith.constant 0 : i32
      %dma_start3A_122 = arith.constant 0 : i32
      %dma_start3A_123 = tpu.memref_slice %arg7[%dma_start3A_121, %dma_start3A_122] : memref<152x128xf32, #tpu.memory_space<vmem>> -> memref<16x128xf32, #tpu.memory_space<vmem>>
      %dma_start3A_124 = arith.constant 0 : i32
      %dma_start3A_125 = tpu.memref_slice %arg9[%add3A_109, %dma_start3A_124] : memref<10000x128xf32, #tpu.memory_space<vmem_shared>> -> memref<16x128xf32, #tpu.memory_space<vmem_shared>>
      %dma_start3A_126 = arith.constant 0 : i32
      %dma_start3A_127 = arith.constant 0 : i32
      %dma_start3A_128 = tpu.memref_slice %arg7[%dma_start3A_126, %dma_start3A_127] : memref<152x128xf32, #tpu.memory_space<vmem>> -> memref<16x128xf32, #tpu.memory_space<vmem>>
      %dma_start3A_129 = arith.constant 0 : i32
      %dma_start3A_130 = tpu.memref_slice %arg9[%add3A_109, %dma_start3A_129] : memref<10000x128xf32, #tpu.memory_space<vmem_shared>> -> memref<16x128xf32, #tpu.memory_space<vmem_shared>>
      tpu.enqueue_dma source(%dma_start3A_130 : memref<16x128xf32, #tpu.memory_space<vmem_shared>>) target(%dma_start3A_128 : memref<16x128xf32, #tpu.memory_space<vmem>>) target_semaphore(%run_scoped3A_120 : memref<!tpu.dma_semaphore, #tpu.memory_space<semaphore_mem>>)
      %dma_wait3A_131 = arith.constant 0 : i32
      %dma_wait3A_132 = arith.constant 0 : i32
      %dma_wait3A_133 = tpu.memref_slice %arg7[%dma_wait3A_131, %dma_wait3A_132] : memref<152x128xf32, #tpu.memory_space<vmem>> -> memref<16x128xf32, #tpu.memory_space<vmem>>
      %dma_wait3A_134 = arith.constant 0 : i32
      %dma_wait3A_135 = tpu.memref_slice %arg9[%add3A_109, %dma_wait3A_134] : memref<10000x128xf32, #tpu.memory_space<vmem_shared>> -> memref<16x128xf32, #tpu.memory_space<vmem_shared>>
      %dma_wait3A_136 = arith.constant 0 : i32
      %dma_wait3A_137 = arith.constant 0 : i32
      %dma_wait3A_138 = tpu.memref_slice %arg7[%dma_wait3A_136, %dma_wait3A_137] : memref<152x128xf32, #tpu.memory_space<vmem>> -> memref<16x128xf32, #tpu.memory_space<vmem>>
      %dma_wait3A_139 = arith.constant 0 : i32
      %dma_wait3A_140 = tpu.memref_slice %arg9[%add3A_109, %dma_wait3A_139] : memref<10000x128xf32, #tpu.memory_space<vmem_shared>> -> memref<16x128xf32, #tpu.memory_space<vmem_shared>>
      tpu.wait_dma2 semaphore(%run_scoped3A_120 : memref<!tpu.dma_semaphore, #tpu.memory_space<semaphore_mem>>) src(%dma_wait3A_140 : memref<16x128xf32, #tpu.memory_space<vmem_shared>>) dst(%dma_wait3A_138 : memref<16x128xf32, #tpu.memory_space<vmem>>)
      tpu.yield
    }) : () -> ()
    %mul3A_110 = arith.constant 10000 : i32
    %mul3A_111 = arith.muli %arg0, %mul3A_110 : i32
    %add3A_112 = arith.addi %mul3A_111, %mul3A_79 : i32
    %add3A_113 = arith.constant 608 : i32
    %add3A_114 = arith.addi %add3A_112, %add3A_113 : i32
    "tpu.region"() ({
      %run_scoped3A_120 = tpu.sem_alloc : memref<!tpu.dma_semaphore, #tpu.memory_space<semaphore_mem>>
      %dma_start3A_121 = arith.constant 0 : i32
      %dma_start3A_122 = arith.constant 0 : i32
      %dma_start3A_123 = tpu.memref_slice %arg7[%dma_start3A_121, %dma_start3A_122] : memref<152x128xf32, #tpu.memory_space<vmem>> -> memref<16x128xf32, #tpu.memory_space<vmem>>
      %dma_start3A_124 = arith.constant 0 : i32
      %dma_start3A_125 = tpu.memref_slice %arg4[%add3A_114, %dma_start3A_124] : memref<20000x128xf32, #tpu.memory_space<hbm>> -> memref<16x128xf32, #tpu.memory_space<hbm>>
      %dma_start3A_126 = arith.constant 0 : i32
      %dma_start3A_127 = tpu.memref_slice %arg4[%add3A_114, %dma_start3A_126] : memref<20000x128xf32, #tpu.memory_space<hbm>> -> memref<16x128xf32, #tpu.memory_space<hbm>>
      %dma_start3A_128 = arith.constant 0 : i32
      %dma_start3A_129 = arith.constant 0 : i32
      %dma_start3A_130 = tpu.memref_slice %arg7[%dma_start3A_128, %dma_start3A_129] : memref<152x128xf32, #tpu.memory_space<vmem>> -> memref<16x128xf32, #tpu.memory_space<vmem>>
      tpu.enqueue_dma source(%dma_start3A_130 : memref<16x128xf32, #tpu.memory_space<vmem>>) target(%dma_start3A_127 : memref<16x128xf32, #tpu.memory_space<hbm>>) target_semaphore(%run_scoped3A_120 : memref<!tpu.dma_semaphore, #tpu.memory_space<semaphore_mem>>)
      %dma_wait3A_131 = arith.constant 0 : i32
      %dma_wait3A_132 = arith.constant 0 : i32
      %dma_wait3A_133 = tpu.memref_slice %arg7[%dma_wait3A_131, %dma_wait3A_132] : memref<152x128xf32, #tpu.memory_space<vmem>> -> memref<16x128xf32, #tpu.memory_space<vmem>>
      %dma_wait3A_134 = arith.constant 0 : i32
      %dma_wait3A_135 = tpu.memref_slice %arg4[%add3A_114, %dma_wait3A_134] : memref<20000x128xf32, #tpu.memory_space<hbm>> -> memref<16x128xf32, #tpu.memory_space<hbm>>
      %dma_wait3A_136 = arith.constant 0 : i32
      %dma_wait3A_137 = tpu.memref_slice %arg4[%add3A_114, %dma_wait3A_136] : memref<20000x128xf32, #tpu.memory_space<hbm>> -> memref<16x128xf32, #tpu.memory_space<hbm>>
      %dma_wait3A_138 = arith.constant 0 : i32
      %dma_wait3A_139 = arith.constant 0 : i32
      %dma_wait3A_140 = tpu.memref_slice %arg7[%dma_wait3A_138, %dma_wait3A_139] : memref<152x128xf32, #tpu.memory_space<vmem>> -> memref<16x128xf32, #tpu.memory_space<vmem>>
      tpu.wait_dma2 semaphore(%run_scoped3A_120 : memref<!tpu.dma_semaphore, #tpu.memory_space<semaphore_mem>>) src(%dma_wait3A_140 : memref<16x128xf32, #tpu.memory_space<vmem>>) dst(%dma_wait3A_137 : memref<16x128xf32, #tpu.memory_space<hbm>>)
      tpu.yield
    }) : () -> ()
    %eq3A_115 = arith.constant 15 : i32
    %eq3A_116 = arith.cmpi eq, %arg1, %eq3A_115 : i32
    %convert_element_type3A_117 = arith.extui %eq3A_116 : i1 to i32
    %cond3A_118 = arith.constant 0 : i32
    %cond3A_119 = arith.cmpi ne, %convert_element_type3A_117, %cond3A_118 : i32
    scf.if %cond3A_119 {
      "tpu.region"() ({
        %run_scoped3A_124 = tpu.sem_alloc : memref<!tpu.dma_semaphore, #tpu.memory_space<semaphore_mem>>
        %dma_start3A_125 = arith.constant 0 : i32
        %dma_start3A_126 = arith.constant 0 : i32
        %dma_start3A_127 = tpu.memref_slice %arg7[%dma_start3A_125, %dma_start3A_126] : memref<152x128xf32, #tpu.memory_space<vmem>> -> memref<16x128xf32, #tpu.memory_space<vmem>>
        %dma_start3A_128 = arith.constant 9984 : i32
        %dma_start3A_129 = arith.constant 0 : i32
        %dma_start3A_130 = tpu.memref_slice %arg9[%dma_start3A_128, %dma_start3A_129] : memref<10000x128xf32, #tpu.memory_space<vmem_shared>> -> memref<16x128xf32, #tpu.memory_space<vmem_shared>>
        %dma_start3A_131 = arith.constant 0 : i32
        %dma_start3A_132 = arith.constant 0 : i32
        %dma_start3A_133 = tpu.memref_slice %arg7[%dma_start3A_131, %dma_start3A_132] : memref<152x128xf32, #tpu.memory_space<vmem>> -> memref<16x128xf32, #tpu.memory_space<vmem>>
        %dma_start3A_134 = arith.constant 9984 : i32
        %dma_start3A_135 = arith.constant 0 : i32
        %dma_start3A_136 = tpu.memref_slice %arg9[%dma_start3A_134, %dma_start3A_135] : memref<10000x128xf32, #tpu.memory_space<vmem_shared>> -> memref<16x128xf32, #tpu.memory_space<vmem_shared>>
        tpu.enqueue_dma source(%dma_start3A_136 : memref<16x128xf32, #tpu.memory_space<vmem_shared>>) target(%dma_start3A_133 : memref<16x128xf32, #tpu.memory_space<vmem>>) target_semaphore(%run_scoped3A_124 : memref<!tpu.dma_semaphore, #tpu.memory_space<semaphore_mem>>)
        %dma_wait3A_137 = arith.constant 0 : i32
        %dma_wait3A_138 = arith.constant 0 : i32
        %dma_wait3A_139 = tpu.memref_slice %arg7[%dma_wait3A_137, %dma_wait3A_138] : memref<152x128xf32, #tpu.memory_space<vmem>> -> memref<16x128xf32, #tpu.memory_space<vmem>>
        %dma_wait3A_140 = arith.constant 9984 : i32
        %dma_wait3A_141 = arith.constant 0 : i32
        %dma_wait3A_142 = tpu.memref_slice %arg9[%dma_wait3A_140, %dma_wait3A_141] : memref<10000x128xf32, #tpu.memory_space<vmem_shared>> -> memref<16x128xf32, #tpu.memory_space<vmem_shared>>
        %dma_wait3A_143 = arith.constant 0 : i32
        %dma_wait3A_144 = arith.constant 0 : i32
        %dma_wait3A_145 = tpu.memref_slice %arg7[%dma_wait3A_143, %dma_wait3A_144] : memref<152x128xf32, #tpu.memory_space<vmem>> -> memref<16x128xf32, #tpu.memory_space<vmem>>
        %dma_wait3A_146 = arith.constant 9984 : i32
        %dma_wait3A_147 = arith.constant 0 : i32
        %dma_wait3A_148 = tpu.memref_slice %arg9[%dma_wait3A_146, %dma_wait3A_147] : memref<10000x128xf32, #tpu.memory_space<vmem_shared>> -> memref<16x128xf32, #tpu.memory_space<vmem_shared>>
        tpu.wait_dma2 semaphore(%run_scoped3A_124 : memref<!tpu.dma_semaphore, #tpu.memory_space<semaphore_mem>>) src(%dma_wait3A_148 : memref<16x128xf32, #tpu.memory_space<vmem_shared>>) dst(%dma_wait3A_145 : memref<16x128xf32, #tpu.memory_space<vmem>>)
        tpu.yield
      }) : () -> ()
      %mul3A_120 = arith.constant 10000 : i32
      %mul3A_121 = arith.muli %arg0, %mul3A_120 : i32
      %add3A_122 = arith.constant 9984 : i32
      %add3A_123 = arith.addi %mul3A_121, %add3A_122 : i32
      "tpu.region"() ({
        %run_scoped3A_124 = tpu.sem_alloc : memref<!tpu.dma_semaphore, #tpu.memory_space<semaphore_mem>>
        %dma_start3A_125 = arith.constant 0 : i32
        %dma_start3A_126 = arith.constant 0 : i32
        %dma_start3A_127 = tpu.memref_slice %arg7[%dma_start3A_125, %dma_start3A_126] : memref<152x128xf32, #tpu.memory_space<vmem>> -> memref<16x128xf32, #tpu.memory_space<vmem>>
        %dma_start3A_128 = arith.constant 0 : i32
        %dma_start3A_129 = tpu.memref_slice %arg4[%add3A_123, %dma_start3A_128] : memref<20000x128xf32, #tpu.memory_space<hbm>> -> memref<16x128xf32, #tpu.memory_space<hbm>>
        %dma_start3A_130 = arith.constant 0 : i32
        %dma_start3A_131 = tpu.memref_slice %arg4[%add3A_123, %dma_start3A_130] : memref<20000x128xf32, #tpu.memory_space<hbm>> -> memref<16x128xf32, #tpu.memory_space<hbm>>
        %dma_start3A_132 = arith.constant 0 : i32
        %dma_start3A_133 = arith.constant 0 : i32
        %dma_start3A_134 = tpu.memref_slice %arg7[%dma_start3A_132, %dma_start3A_133] : memref<152x128xf32, #tpu.memory_space<vmem>> -> memref<16x128xf32, #tpu.memory_space<vmem>>
        tpu.enqueue_dma source(%dma_start3A_134 : memref<16x128xf32, #tpu.memory_space<vmem>>) target(%dma_start3A_131 : memref<16x128xf32, #tpu.memory_space<hbm>>) target_semaphore(%run_scoped3A_124 : memref<!tpu.dma_semaphore, #tpu.memory_space<semaphore_mem>>)
        %dma_wait3A_135 = arith.constant 0 : i32
        %dma_wait3A_136 = arith.constant 0 : i32
        %dma_wait3A_137 = tpu.memref_slice %arg7[%dma_wait3A_135, %dma_wait3A_136] : memref<152x128xf32, #tpu.memory_space<vmem>> -> memref<16x128xf32, #tpu.memory_space<vmem>>
        %dma_wait3A_138 = arith.constant 0 : i32
        %dma_wait3A_139 = tpu.memref_slice %arg4[%add3A_123, %dma_wait3A_138] : memref<20000x128xf32, #tpu.memory_space<hbm>> -> memref<16x128xf32, #tpu.memory_space<hbm>>
        %dma_wait3A_140 = arith.constant 0 : i32
        %dma_wait3A_141 = tpu.memref_slice %arg4[%add3A_123, %dma_wait3A_140] : memref<20000x128xf32, #tpu.memory_space<hbm>> -> memref<16x128xf32, #tpu.memory_space<hbm>>
        %dma_wait3A_142 = arith.constant 0 : i32
        %dma_wait3A_143 = arith.constant 0 : i32
        %dma_wait3A_144 = tpu.memref_slice %arg7[%dma_wait3A_142, %dma_wait3A_143] : memref<152x128xf32, #tpu.memory_space<vmem>> -> memref<16x128xf32, #tpu.memory_space<vmem>>
        tpu.wait_dma2 semaphore(%run_scoped3A_124 : memref<!tpu.dma_semaphore, #tpu.memory_space<semaphore_mem>>) src(%dma_wait3A_144 : memref<16x128xf32, #tpu.memory_space<vmem>>) dst(%dma_wait3A_141 : memref<16x128xf32, #tpu.memory_space<hbm>>)
        tpu.yield
      }) : () -> ()
    } else {
    }
    return
  }
}

#map = affine_map<(d0, d1) -> (0)>
#map1 = affine_map<(d0, d1) -> (0, 0)>
module attributes {stable_mosaic.version = 14 : i64} {
  func.func @_sc2_body(%arg0: i32, %arg1: i32, %arg2: memref<160000xi32, #tpu.memory_space<hbm>>, %arg3: memref<160000xi32, #tpu.memory_space<hbm>>, %arg4: memref<10000x16xf32, #tpu.memory_space<hbm>>, %arg5: memref<160000x16xf32, #tpu.memory_space<hbm>>, %arg6: memref<160000x16xf32, #tpu.memory_space<hbm>>, %arg7: memref<5000xi32, #tpu.memory_space<vmem>>, %arg8: memref<2504x16xf32, #tpu.memory_space<vmem>>, %arg9: memref<2504x16xf32, #tpu.memory_space<vmem>>, %arg10: memref<!tpu.dma_semaphore, #tpu.memory_space<semaphore_mem>>, %arg11: memref<!tpu.dma_semaphore, #tpu.memory_space<semaphore_mem>>, %arg12: memref<!tpu.dma_semaphore, #tpu.memory_space<semaphore_mem>>, %arg13: memref<!tpu.dma_semaphore, #tpu.memory_space<semaphore_mem>>) attributes {dimension_semantics = [#tpu.dimension_semantics<core_parallel>, #tpu.dimension_semantics<subcore_parallel>], iteration_bounds = array<i64: 2, 16>, scalar_prefetch = 0 : i64, scratch_operands = 7 : i64, tpu.core_type = #tpu.core_type<sc_vector_subcore>, window_params = [{transform_indices = #map}, {transform_indices = #map}, {transform_indices = #map1}, {transform_indices = #map1}, {transform_indices = #map1}]} {
    %mul3A = arith.constant 16 : i32
    %mul3A_0 = arith.muli %arg0, %mul3A : i32
    %add3A = arith.addi %mul3A_0, %arg1 : i32
    %mul3A_1 = arith.constant 5000 : i32
    %mul3A_2 = arith.muli %add3A, %mul3A_1 : i32
    %multiple_of3A = tpu.assume_multiple %mul3A_2, 8 : i32
    "tpu.region"() ({
      %run_scoped3A = tpu.sem_alloc : memref<!tpu.dma_semaphore, #tpu.memory_space<semaphore_mem>>
      %dma_start3A_113 = tpu.memref_slice %arg2[%multiple_of3A] : memref<160000xi32, #tpu.memory_space<hbm>> -> memref<5000xi32, #tpu.memory_space<hbm>>
      %dma_start3A_114 = tpu.memref_slice %arg2[%multiple_of3A] : memref<160000xi32, #tpu.memory_space<hbm>> -> memref<5000xi32, #tpu.memory_space<hbm>>
      tpu.enqueue_dma source(%dma_start3A_114 : memref<5000xi32, #tpu.memory_space<hbm>>) target(%arg7 : memref<5000xi32, #tpu.memory_space<vmem>>) target_semaphore(%run_scoped3A : memref<!tpu.dma_semaphore, #tpu.memory_space<semaphore_mem>>)
      %dma_wait3A_115 = tpu.memref_slice %arg2[%multiple_of3A] : memref<160000xi32, #tpu.memory_space<hbm>> -> memref<5000xi32, #tpu.memory_space<hbm>>
      %dma_wait3A_116 = tpu.memref_slice %arg2[%multiple_of3A] : memref<160000xi32, #tpu.memory_space<hbm>> -> memref<5000xi32, #tpu.memory_space<hbm>>
      tpu.wait_dma2 semaphore(%run_scoped3A : memref<!tpu.dma_semaphore, #tpu.memory_space<semaphore_mem>>) src(%dma_wait3A_116 : memref<5000xi32, #tpu.memory_space<hbm>>) dst(%arg7 : memref<5000xi32, #tpu.memory_space<vmem>>)
      tpu.yield
    }) : () -> ()
    %dma_start3A = arith.constant 0 : i32
    %dma_start3A_3 = tpu.memref_slice %arg7[%dma_start3A] : memref<5000xi32, #tpu.memory_space<vmem>> -> memref<2504xi32, #tpu.memory_space<vmem>>
    %dma_start3A_4 = arith.constant 0 : i32
    %dma_start3A_5 = arith.constant 0 : i32
    %dma_start3A_6 = tpu.memref_slice %arg4[%dma_start3A_4, %dma_start3A_5] : memref<10000x16xf32, #tpu.memory_space<hbm>> -> memref<10000x16xf32, #tpu.memory_space<hbm>>
    tpu.enqueue_indirect_dma source(%dma_start3A_6 : memref<10000x16xf32, #tpu.memory_space<hbm>>) target(%arg8 : memref<2504x16xf32, #tpu.memory_space<vmem>>) offsets(%dma_start3A_3 : memref<2504xi32, #tpu.memory_space<vmem>>) semaphore(%arg10 : memref<!tpu.dma_semaphore, #tpu.memory_space<semaphore_mem>>)
    %dma_start3A_7 = arith.constant 0 : i32
    %dma_start3A_8 = arith.constant 0 : i32
    %dma_start3A_9 = tpu.memref_slice %arg9[%dma_start3A_7, %dma_start3A_8] : memref<2504x16xf32, #tpu.memory_space<vmem>> -> memref<2496x16xf32, #tpu.memory_space<vmem>>
    %dma_start3A_10 = arith.constant 2504 : i32
    %dma_start3A_11 = tpu.memref_slice %arg7[%dma_start3A_10] : memref<5000xi32, #tpu.memory_space<vmem>> -> memref<2496xi32, #tpu.memory_space<vmem>>
    %dma_start3A_12 = arith.constant 0 : i32
    %dma_start3A_13 = arith.constant 0 : i32
    %dma_start3A_14 = tpu.memref_slice %arg4[%dma_start3A_12, %dma_start3A_13] : memref<10000x16xf32, #tpu.memory_space<hbm>> -> memref<10000x16xf32, #tpu.memory_space<hbm>>
    tpu.enqueue_indirect_dma source(%dma_start3A_14 : memref<10000x16xf32, #tpu.memory_space<hbm>>) target(%dma_start3A_9 : memref<2496x16xf32, #tpu.memory_space<vmem>>) offsets(%dma_start3A_11 : memref<2496xi32, #tpu.memory_space<vmem>>) semaphore(%arg11 : memref<!tpu.dma_semaphore, #tpu.memory_space<semaphore_mem>>)
    %dma_wait3A = arith.constant 0 : i32
    %dma_wait3A_15 = tpu.memref_slice %arg7[%dma_wait3A] : memref<5000xi32, #tpu.memory_space<vmem>> -> memref<2504xi32, #tpu.memory_space<vmem>>
    %dma_wait3A_16 = arith.constant 0 : i32
    %dma_wait3A_17 = arith.constant 0 : i32
    %dma_wait3A_18 = tpu.memref_slice %arg4[%dma_wait3A_16, %dma_wait3A_17] : memref<10000x16xf32, #tpu.memory_space<hbm>> -> memref<10000x16xf32, #tpu.memory_space<hbm>>
    tpu.wait_indirect_dma semaphore(%arg10 : memref<!tpu.dma_semaphore, #tpu.memory_space<semaphore_mem>>) src(%dma_wait3A_18 : memref<10000x16xf32, #tpu.memory_space<hbm>>) dst(%arg8 : memref<2504x16xf32, #tpu.memory_space<vmem>>)
    %dma_start3A_19 = arith.constant 0 : i32
    %dma_start3A_20 = tpu.memref_slice %arg5[%multiple_of3A, %dma_start3A_19] : memref<160000x16xf32, #tpu.memory_space<hbm>> -> memref<2504x16xf32, #tpu.memory_space<hbm>>
    %dma_start3A_21 = arith.constant 0 : i32
    %dma_start3A_22 = tpu.memref_slice %arg5[%multiple_of3A, %dma_start3A_21] : memref<160000x16xf32, #tpu.memory_space<hbm>> -> memref<2504x16xf32, #tpu.memory_space<hbm>>
    tpu.enqueue_dma source(%arg8 : memref<2504x16xf32, #tpu.memory_space<vmem>>) target(%dma_start3A_22 : memref<2504x16xf32, #tpu.memory_space<hbm>>) target_semaphore(%arg12 : memref<!tpu.dma_semaphore, #tpu.memory_space<semaphore_mem>>)
    %dma_wait3A_23 = arith.constant 0 : i32
    %dma_wait3A_24 = arith.constant 0 : i32
    %dma_wait3A_25 = tpu.memref_slice %arg9[%dma_wait3A_23, %dma_wait3A_24] : memref<2504x16xf32, #tpu.memory_space<vmem>> -> memref<2496x16xf32, #tpu.memory_space<vmem>>
    %dma_wait3A_26 = arith.constant 2504 : i32
    %dma_wait3A_27 = tpu.memref_slice %arg7[%dma_wait3A_26] : memref<5000xi32, #tpu.memory_space<vmem>> -> memref<2496xi32, #tpu.memory_space<vmem>>
    %dma_wait3A_28 = arith.constant 0 : i32
    %dma_wait3A_29 = arith.constant 0 : i32
    %dma_wait3A_30 = tpu.memref_slice %arg4[%dma_wait3A_28, %dma_wait3A_29] : memref<10000x16xf32, #tpu.memory_space<hbm>> -> memref<10000x16xf32, #tpu.memory_space<hbm>>
    tpu.wait_indirect_dma semaphore(%arg11 : memref<!tpu.dma_semaphore, #tpu.memory_space<semaphore_mem>>) src(%dma_wait3A_30 : memref<10000x16xf32, #tpu.memory_space<hbm>>) dst(%dma_wait3A_25 : memref<2496x16xf32, #tpu.memory_space<vmem>>)
    %add3A_31 = arith.constant 2504 : i32
    %add3A_32 = arith.addi %multiple_of3A, %add3A_31 : i32
    %dma_start3A_33 = arith.constant 0 : i32
    %dma_start3A_34 = arith.constant 0 : i32
    %dma_start3A_35 = tpu.memref_slice %arg9[%dma_start3A_33, %dma_start3A_34] : memref<2504x16xf32, #tpu.memory_space<vmem>> -> memref<2496x16xf32, #tpu.memory_space<vmem>>
    %dma_start3A_36 = arith.constant 0 : i32
    %dma_start3A_37 = tpu.memref_slice %arg5[%add3A_32, %dma_start3A_36] : memref<160000x16xf32, #tpu.memory_space<hbm>> -> memref<2496x16xf32, #tpu.memory_space<hbm>>
    %dma_start3A_38 = arith.constant 0 : i32
    %dma_start3A_39 = tpu.memref_slice %arg5[%add3A_32, %dma_start3A_38] : memref<160000x16xf32, #tpu.memory_space<hbm>> -> memref<2496x16xf32, #tpu.memory_space<hbm>>
    %dma_start3A_40 = arith.constant 0 : i32
    %dma_start3A_41 = arith.constant 0 : i32
    %dma_start3A_42 = tpu.memref_slice %arg9[%dma_start3A_40, %dma_start3A_41] : memref<2504x16xf32, #tpu.memory_space<vmem>> -> memref<2496x16xf32, #tpu.memory_space<vmem>>
    tpu.enqueue_dma source(%dma_start3A_42 : memref<2496x16xf32, #tpu.memory_space<vmem>>) target(%dma_start3A_39 : memref<2496x16xf32, #tpu.memory_space<hbm>>) target_semaphore(%arg13 : memref<!tpu.dma_semaphore, #tpu.memory_space<semaphore_mem>>)
    "tpu.region"() ({
      %run_scoped3A = tpu.sem_alloc : memref<!tpu.dma_semaphore, #tpu.memory_space<semaphore_mem>>
      %dma_start3A_113 = tpu.memref_slice %arg3[%multiple_of3A] : memref<160000xi32, #tpu.memory_space<hbm>> -> memref<5000xi32, #tpu.memory_space<hbm>>
      %dma_start3A_114 = tpu.memref_slice %arg3[%multiple_of3A] : memref<160000xi32, #tpu.memory_space<hbm>> -> memref<5000xi32, #tpu.memory_space<hbm>>
      tpu.enqueue_dma source(%dma_start3A_114 : memref<5000xi32, #tpu.memory_space<hbm>>) target(%arg7 : memref<5000xi32, #tpu.memory_space<vmem>>) target_semaphore(%run_scoped3A : memref<!tpu.dma_semaphore, #tpu.memory_space<semaphore_mem>>)
      %dma_wait3A_115 = tpu.memref_slice %arg3[%multiple_of3A] : memref<160000xi32, #tpu.memory_space<hbm>> -> memref<5000xi32, #tpu.memory_space<hbm>>
      %dma_wait3A_116 = tpu.memref_slice %arg3[%multiple_of3A] : memref<160000xi32, #tpu.memory_space<hbm>> -> memref<5000xi32, #tpu.memory_space<hbm>>
      tpu.wait_dma2 semaphore(%run_scoped3A : memref<!tpu.dma_semaphore, #tpu.memory_space<semaphore_mem>>) src(%dma_wait3A_116 : memref<5000xi32, #tpu.memory_space<hbm>>) dst(%arg7 : memref<5000xi32, #tpu.memory_space<vmem>>)
      tpu.yield
    }) : () -> ()
    %dma_wait3A_43 = arith.constant 0 : i32
    %dma_wait3A_44 = tpu.memref_slice %arg5[%multiple_of3A, %dma_wait3A_43] : memref<160000x16xf32, #tpu.memory_space<hbm>> -> memref<2504x16xf32, #tpu.memory_space<hbm>>
    %dma_wait3A_45 = arith.constant 0 : i32
    %dma_wait3A_46 = tpu.memref_slice %arg5[%multiple_of3A, %dma_wait3A_45] : memref<160000x16xf32, #tpu.memory_space<hbm>> -> memref<2504x16xf32, #tpu.memory_space<hbm>>
    tpu.wait_dma2 semaphore(%arg12 : memref<!tpu.dma_semaphore, #tpu.memory_space<semaphore_mem>>) src(%arg8 : memref<2504x16xf32, #tpu.memory_space<vmem>>) dst(%dma_wait3A_46 : memref<2504x16xf32, #tpu.memory_space<hbm>>)
    %dma_start3A_47 = arith.constant 0 : i32
    %dma_start3A_48 = tpu.memref_slice %arg7[%dma_start3A_47] : memref<5000xi32, #tpu.memory_space<vmem>> -> memref<2504xi32, #tpu.memory_space<vmem>>
    %dma_start3A_49 = arith.constant 0 : i32
    %dma_start3A_50 = arith.constant 0 : i32
    %dma_start3A_51 = tpu.memref_slice %arg4[%dma_start3A_49, %dma_start3A_50] : memref<10000x16xf32, #tpu.memory_space<hbm>> -> memref<10000x16xf32, #tpu.memory_space<hbm>>
    tpu.enqueue_indirect_dma source(%dma_start3A_51 : memref<10000x16xf32, #tpu.memory_space<hbm>>) target(%arg8 : memref<2504x16xf32, #tpu.memory_space<vmem>>) offsets(%dma_start3A_48 : memref<2504xi32, #tpu.memory_space<vmem>>) semaphore(%arg10 : memref<!tpu.dma_semaphore, #tpu.memory_space<semaphore_mem>>)
    %dma_wait3A_52 = arith.constant 0 : i32
    %dma_wait3A_53 = arith.constant 0 : i32
    %dma_wait3A_54 = tpu.memref_slice %arg9[%dma_wait3A_52, %dma_wait3A_53] : memref<2504x16xf32, #tpu.memory_space<vmem>> -> memref<2496x16xf32, #tpu.memory_space<vmem>>
    %dma_wait3A_55 = arith.constant 0 : i32
    %dma_wait3A_56 = tpu.memref_slice %arg5[%add3A_32, %dma_wait3A_55] : memref<160000x16xf32, #tpu.memory_space<hbm>> -> memref<2496x16xf32, #tpu.memory_space<hbm>>
    %dma_wait3A_57 = arith.constant 0 : i32
    %dma_wait3A_58 = tpu.memref_slice %arg5[%add3A_32, %dma_wait3A_57] : memref<160000x16xf32, #tpu.memory_space<hbm>> -> memref<2496x16xf32, #tpu.memory_space<hbm>>
    %dma_wait3A_59 = arith.constant 0 : i32
    %dma_wait3A_60 = arith.constant 0 : i32
    %dma_wait3A_61 = tpu.memref_slice %arg9[%dma_wait3A_59, %dma_wait3A_60] : memref<2504x16xf32, #tpu.memory_space<vmem>> -> memref<2496x16xf32, #tpu.memory_space<vmem>>
    tpu.wait_dma2 semaphore(%arg13 : memref<!tpu.dma_semaphore, #tpu.memory_space<semaphore_mem>>) src(%dma_wait3A_61 : memref<2496x16xf32, #tpu.memory_space<vmem>>) dst(%dma_wait3A_58 : memref<2496x16xf32, #tpu.memory_space<hbm>>)
    %dma_start3A_62 = arith.constant 0 : i32
    %dma_start3A_63 = arith.constant 0 : i32
    %dma_start3A_64 = tpu.memref_slice %arg9[%dma_start3A_62, %dma_start3A_63] : memref<2504x16xf32, #tpu.memory_space<vmem>> -> memref<2496x16xf32, #tpu.memory_space<vmem>>
    %dma_start3A_65 = arith.constant 2504 : i32
    %dma_start3A_66 = tpu.memref_slice %arg7[%dma_start3A_65] : memref<5000xi32, #tpu.memory_space<vmem>> -> memref<2496xi32, #tpu.memory_space<vmem>>
    %dma_start3A_67 = arith.constant 0 : i32
    %dma_start3A_68 = arith.constant 0 : i32
    %dma_start3A_69 = tpu.memref_slice %arg4[%dma_start3A_67, %dma_start3A_68] : memref<10000x16xf32, #tpu.memory_space<hbm>> -> memref<10000x16xf32, #tpu.memory_space<hbm>>
    tpu.enqueue_indirect_dma source(%dma_start3A_69 : memref<10000x16xf32, #tpu.memory_space<hbm>>) target(%dma_start3A_64 : memref<2496x16xf32, #tpu.memory_space<vmem>>) offsets(%dma_start3A_66 : memref<2496xi32, #tpu.memory_space<vmem>>) semaphore(%arg11 : memref<!tpu.dma_semaphore, #tpu.memory_space<semaphore_mem>>)
    %dma_wait3A_70 = arith.constant 0 : i32
    %dma_wait3A_71 = tpu.memref_slice %arg7[%dma_wait3A_70] : memref<5000xi32, #tpu.memory_space<vmem>> -> memref<2504xi32, #tpu.memory_space<vmem>>
    %dma_wait3A_72 = arith.constant 0 : i32
    %dma_wait3A_73 = arith.constant 0 : i32
    %dma_wait3A_74 = tpu.memref_slice %arg4[%dma_wait3A_72, %dma_wait3A_73] : memref<10000x16xf32, #tpu.memory_space<hbm>> -> memref<10000x16xf32, #tpu.memory_space<hbm>>
    tpu.wait_indirect_dma semaphore(%arg10 : memref<!tpu.dma_semaphore, #tpu.memory_space<semaphore_mem>>) src(%dma_wait3A_74 : memref<10000x16xf32, #tpu.memory_space<hbm>>) dst(%arg8 : memref<2504x16xf32, #tpu.memory_space<vmem>>)
    %dma_start3A_75 = arith.constant 0 : i32
    %dma_start3A_76 = tpu.memref_slice %arg6[%multiple_of3A, %dma_start3A_75] : memref<160000x16xf32, #tpu.memory_space<hbm>> -> memref<2504x16xf32, #tpu.memory_space<hbm>>
    %dma_start3A_77 = arith.constant 0 : i32
    %dma_start3A_78 = tpu.memref_slice %arg6[%multiple_of3A, %dma_start3A_77] : memref<160000x16xf32, #tpu.memory_space<hbm>> -> memref<2504x16xf32, #tpu.memory_space<hbm>>
    tpu.enqueue_dma source(%arg8 : memref<2504x16xf32, #tpu.memory_space<vmem>>) target(%dma_start3A_78 : memref<2504x16xf32, #tpu.memory_space<hbm>>) target_semaphore(%arg12 : memref<!tpu.dma_semaphore, #tpu.memory_space<semaphore_mem>>)
    %dma_wait3A_79 = arith.constant 0 : i32
    %dma_wait3A_80 = arith.constant 0 : i32
    %dma_wait3A_81 = tpu.memref_slice %arg9[%dma_wait3A_79, %dma_wait3A_80] : memref<2504x16xf32, #tpu.memory_space<vmem>> -> memref<2496x16xf32, #tpu.memory_space<vmem>>
    %dma_wait3A_82 = arith.constant 2504 : i32
    %dma_wait3A_83 = tpu.memref_slice %arg7[%dma_wait3A_82] : memref<5000xi32, #tpu.memory_space<vmem>> -> memref<2496xi32, #tpu.memory_space<vmem>>
    %dma_wait3A_84 = arith.constant 0 : i32
    %dma_wait3A_85 = arith.constant 0 : i32
    %dma_wait3A_86 = tpu.memref_slice %arg4[%dma_wait3A_84, %dma_wait3A_85] : memref<10000x16xf32, #tpu.memory_space<hbm>> -> memref<10000x16xf32, #tpu.memory_space<hbm>>
    tpu.wait_indirect_dma semaphore(%arg11 : memref<!tpu.dma_semaphore, #tpu.memory_space<semaphore_mem>>) src(%dma_wait3A_86 : memref<10000x16xf32, #tpu.memory_space<hbm>>) dst(%dma_wait3A_81 : memref<2496x16xf32, #tpu.memory_space<vmem>>)
    %add3A_87 = arith.constant 2504 : i32
    %add3A_88 = arith.addi %multiple_of3A, %add3A_87 : i32
    %dma_start3A_89 = arith.constant 0 : i32
    %dma_start3A_90 = arith.constant 0 : i32
    %dma_start3A_91 = tpu.memref_slice %arg9[%dma_start3A_89, %dma_start3A_90] : memref<2504x16xf32, #tpu.memory_space<vmem>> -> memref<2496x16xf32, #tpu.memory_space<vmem>>
    %dma_start3A_92 = arith.constant 0 : i32
    %dma_start3A_93 = tpu.memref_slice %arg6[%add3A_88, %dma_start3A_92] : memref<160000x16xf32, #tpu.memory_space<hbm>> -> memref<2496x16xf32, #tpu.memory_space<hbm>>
    %dma_start3A_94 = arith.constant 0 : i32
    %dma_start3A_95 = tpu.memref_slice %arg6[%add3A_88, %dma_start3A_94] : memref<160000x16xf32, #tpu.memory_space<hbm>> -> memref<2496x16xf32, #tpu.memory_space<hbm>>
    %dma_start3A_96 = arith.constant 0 : i32
    %dma_start3A_97 = arith.constant 0 : i32
    %dma_start3A_98 = tpu.memref_slice %arg9[%dma_start3A_96, %dma_start3A_97] : memref<2504x16xf32, #tpu.memory_space<vmem>> -> memref<2496x16xf32, #tpu.memory_space<vmem>>
    tpu.enqueue_dma source(%dma_start3A_98 : memref<2496x16xf32, #tpu.memory_space<vmem>>) target(%dma_start3A_95 : memref<2496x16xf32, #tpu.memory_space<hbm>>) target_semaphore(%arg13 : memref<!tpu.dma_semaphore, #tpu.memory_space<semaphore_mem>>)
    %dma_wait3A_99 = arith.constant 0 : i32
    %dma_wait3A_100 = tpu.memref_slice %arg6[%multiple_of3A, %dma_wait3A_99] : memref<160000x16xf32, #tpu.memory_space<hbm>> -> memref<2504x16xf32, #tpu.memory_space<hbm>>
    %dma_wait3A_101 = arith.constant 0 : i32
    %dma_wait3A_102 = tpu.memref_slice %arg6[%multiple_of3A, %dma_wait3A_101] : memref<160000x16xf32, #tpu.memory_space<hbm>> -> memref<2504x16xf32, #tpu.memory_space<hbm>>
    tpu.wait_dma2 semaphore(%arg12 : memref<!tpu.dma_semaphore, #tpu.memory_space<semaphore_mem>>) src(%arg8 : memref<2504x16xf32, #tpu.memory_space<vmem>>) dst(%dma_wait3A_102 : memref<2504x16xf32, #tpu.memory_space<hbm>>)
    %dma_wait3A_103 = arith.constant 0 : i32
    %dma_wait3A_104 = arith.constant 0 : i32
    %dma_wait3A_105 = tpu.memref_slice %arg9[%dma_wait3A_103, %dma_wait3A_104] : memref<2504x16xf32, #tpu.memory_space<vmem>> -> memref<2496x16xf32, #tpu.memory_space<vmem>>
    %dma_wait3A_106 = arith.constant 0 : i32
    %dma_wait3A_107 = tpu.memref_slice %arg6[%add3A_88, %dma_wait3A_106] : memref<160000x16xf32, #tpu.memory_space<hbm>> -> memref<2496x16xf32, #tpu.memory_space<hbm>>
    %dma_wait3A_108 = arith.constant 0 : i32
    %dma_wait3A_109 = tpu.memref_slice %arg6[%add3A_88, %dma_wait3A_108] : memref<160000x16xf32, #tpu.memory_space<hbm>> -> memref<2496x16xf32, #tpu.memory_space<hbm>>
    %dma_wait3A_110 = arith.constant 0 : i32
    %dma_wait3A_111 = arith.constant 0 : i32
    %dma_wait3A_112 = tpu.memref_slice %arg9[%dma_wait3A_110, %dma_wait3A_111] : memref<2504x16xf32, #tpu.memory_space<vmem>> -> memref<2496x16xf32, #tpu.memory_space<vmem>>
    tpu.wait_dma2 semaphore(%arg13 : memref<!tpu.dma_semaphore, #tpu.memory_space<semaphore_mem>>) src(%dma_wait3A_112 : memref<2496x16xf32, #tpu.memory_space<vmem>>) dst(%dma_wait3A_109 : memref<2496x16xf32, #tpu.memory_space<hbm>>)
    return
  }
}

#map = affine_map<(d0, d1) -> (0)>
module attributes {stable_mosaic.version = 14 : i64} {
  func.func @_sc3_body(%arg0: i32, %arg1: i32, %arg2: memref<160000xi32, #tpu.memory_space<hbm>>, %arg3: memref<160000xi32, #tpu.memory_space<hbm>>, %arg4: memref<16xi32, #tpu.memory_space<hbm>>, %arg5: memref<10000xf32, #tpu.memory_space<hbm>>, %arg6: memref<10656xf32, #tpu.memory_space<hbm>>, %arg7: memref<16xi32, #tpu.memory_space<hbm>>, %arg8: memref<16xf32, #tpu.memory_space<hbm>>, %arg9: memref<10000xi32, #tpu.memory_space<vmem>>, %arg10: memref<10000xi32, #tpu.memory_space<vmem>>, %arg11: memref<10000xi32, #tpu.memory_space<vmem>>, %arg12: memref<640xi32, #tpu.memory_space<vmem>>, %arg13: memref<640xf32, #tpu.memory_space<vmem>>, %arg14: memref<648xf32, #tpu.memory_space<vmem>>, %arg15: memref<16xi32, #tpu.memory_space<vmem>>, %arg16: memref<16xi32, #tpu.memory_space<vmem>>, %arg17: memref<16xi32, #tpu.memory_space<vmem>>, %arg18: memref<16xi32, #tpu.memory_space<vmem>>, %arg19: memref<16xf32, #tpu.memory_space<vmem>>, %arg20: memref<16xf32, #tpu.memory_space<vmem>>, %arg21: memref<16x16xi32, #tpu.memory_space<vmem>>, %arg22: memref<16x16xf32, #tpu.memory_space<vmem>>, %arg23: memref<10000xi32, #tpu.memory_space<vmem_shared>>, %arg24: memref<16x16xi32, #tpu.memory_space<vmem_shared>>, %arg25: memref<16x16xf32, #tpu.memory_space<vmem_shared>>, %arg26: memref<16x16xi32, #tpu.memory_space<vmem_shared>>, %arg27: memref<!tpu.dma_semaphore, #tpu.memory_space<semaphore_mem>>) attributes {dimension_semantics = [#tpu.dimension_semantics<core_parallel>, #tpu.dimension_semantics<subcore_parallel>], iteration_bounds = array<i64: 2, 16>, scalar_prefetch = 0 : i64, scratch_operands = 19 : i64, tpu.core_type = #tpu.core_type<sc_vector_subcore>, window_params = [{transform_indices = #map}, {transform_indices = #map}, {transform_indices = #map}, {transform_indices = #map}, {transform_indices = #map}, {transform_indices = #map}, {transform_indices = #map}]} {
    %eq3A = arith.constant 0 : i32
    %eq3A_0 = arith.cmpi eq, %arg0, %eq3A : i32
    %iota3A = tpu.iota {dimensions = array<i32: 0>} : vector<16xi32>
    %eq3A_1 = arith.constant 0 : i32
    %eq3A_2 = arith.cmpi eq, %arg1, %eq3A_1 : i32
    %and3A = arith.andi %eq3A_0, %eq3A_2 : i1
    %convert_element_type3A = arith.extui %and3A : i1 to i32
    %cond3A = arith.constant 0 : i32
    %cond3A_3 = arith.cmpi ne, %convert_element_type3A, %cond3A : i32
    scf.if %cond3A_3 {
      %scan3A = arith.constant 0 : i32
      %scan3A_24 = arith.constant 0 : i32
      %scan3A_25 = arith.constant 625 : i32
      %scan3A_26 = arith.addi %scan3A_24, %scan3A_25 : i32
      %scan3A_27 = arith.constant 1 : i32
      scf.for %scan3A_29 = %scan3A_24 to %scan3A_26 step %scan3A_27  : i32 {
        %broadcast_in_dim3A = arith.constant 0 : i32
        %broadcast_in_dim3A_30 = vector.broadcast %broadcast_in_dim3A : i32 to vector<16xi32>
        %mul3A = arith.constant 16 : i32
        %mul3A_31 = arith.muli %scan3A_29, %mul3A : i32
        %swap3A = arith.index_cast %mul3A_31 : i32 to index
        %swap3A_32 = tpu.vector_load %arg11[%swap3A] {strides = array<i32>} : memref<10000xi32, #tpu.memory_space<vmem>>, vector<16xi32>,
        tpu.vector_store %arg11[%swap3A], %broadcast_in_dim3A_30 {strides = array<i32>} : memref<10000xi32, #tpu.memory_space<vmem>>, vector<16xi32>,
      }
      %scan3A_28 = arith.constant 625 : i32
      "tpu.region"() ({
        %run_scoped3A = tpu.sem_alloc : memref<!tpu.dma_semaphore, #tpu.memory_space<semaphore_mem>>
        %dma_start3A = arith.constant 0 : i32
        %dma_start3A_29 = tpu.memref_slice %arg11[%dma_start3A] : memref<10000xi32, #tpu.memory_space<vmem>> -> memref<10000xi32, #tpu.memory_space<vmem>>
        %dma_start3A_30 = arith.constant 0 : i32
        %dma_start3A_31 = tpu.memref_slice %arg11[%dma_start3A_30] : memref<10000xi32, #tpu.memory_space<vmem>> -> memref<10000xi32, #tpu.memory_space<vmem>>
        tpu.enqueue_dma source(%dma_start3A_31 : memref<10000xi32, #tpu.memory_space<vmem>>) target(%arg23 : memref<10000xi32, #tpu.memory_space<vmem_shared>>) target_semaphore(%run_scoped3A : memref<!tpu.dma_semaphore, #tpu.memory_space<semaphore_mem>>)
        %dma_wait3A = arith.constant 0 : i32
        %dma_wait3A_32 = tpu.memref_slice %arg11[%dma_wait3A] : memref<10000xi32, #tpu.memory_space<vmem>> -> memref<10000xi32, #tpu.memory_space<vmem>>
        %dma_wait3A_33 = arith.constant 0 : i32
        %dma_wait3A_34 = tpu.memref_slice %arg11[%dma_wait3A_33] : memref<10000xi32, #tpu.memory_space<vmem>> -> memref<10000xi32, #tpu.memory_space<vmem>>
        tpu.wait_dma2 semaphore(%run_scoped3A : memref<!tpu.dma_semaphore, #tpu.memory_space<semaphore_mem>>) src(%dma_wait3A_34 : memref<10000xi32, #tpu.memory_space<vmem>>) dst(%arg23 : memref<10000xi32, #tpu.memory_space<vmem_shared>>)
        tpu.yield
      }) : () -> ()
    } else {
    }
    %barrier3A = arith.constant 0 : index
    tpu.barrier barrier_id(%barrier3A)
    %convert_element_type3A_4 = arith.extui %eq3A_0 : i1 to i32
    %cond3A_5 = arith.constant 0 : i32
    %cond3A_6 = arith.cmpi ne, %convert_element_type3A_4, %cond3A_5 : i32
    scf.if %cond3A_6 {
      "tpu.region"() ({
        %run_scoped3A = tpu.sem_alloc : memref<!tpu.dma_semaphore, #tpu.memory_space<semaphore_mem>>
        tpu.enqueue_dma source(%arg4 : memref<16xi32, #tpu.memory_space<hbm>>) target(%arg15 : memref<16xi32, #tpu.memory_space<vmem>>) target_semaphore(%run_scoped3A : memref<!tpu.dma_semaphore, #tpu.memory_space<semaphore_mem>>)
        tpu.wait_dma2 semaphore(%run_scoped3A : memref<!tpu.dma_semaphore, #tpu.memory_space<semaphore_mem>>) src(%arg4 : memref<16xi32, #tpu.memory_space<hbm>>) dst(%arg15 : memref<16xi32, #tpu.memory_space<vmem>>)
        tpu.yield
      }) : () -> ()
      %get3A = arith.constant 0 : index
      %get3A_24 = tpu.vector_load %arg15[%get3A] {strides = array<i32>} : memref<16xi32, #tpu.memory_space<vmem>>, vector<16xi32>,
      %mul3A = arith.constant 10000 : i32
      %mul3A_25 = arith.muli %arg1, %mul3A : i32
      %multiple_of3A = tpu.assume_multiple %mul3A_25, 8 : i32
      "tpu.region"() ({
        %run_scoped3A = tpu.sem_alloc : memref<!tpu.dma_semaphore, #tpu.memory_space<semaphore_mem>>
        %dma_start3A = tpu.memref_slice %arg3[%multiple_of3A] : memref<160000xi32, #tpu.memory_space<hbm>> -> memref<10000xi32, #tpu.memory_space<hbm>>
        %dma_start3A_36 = tpu.memref_slice %arg3[%multiple_of3A] : memref<160000xi32, #tpu.memory_space<hbm>> -> memref<10000xi32, #tpu.memory_space<hbm>>
        tpu.enqueue_dma source(%dma_start3A_36 : memref<10000xi32, #tpu.memory_space<hbm>>) target(%arg9 : memref<10000xi32, #tpu.memory_space<vmem>>) target_semaphore(%run_scoped3A : memref<!tpu.dma_semaphore, #tpu.memory_space<semaphore_mem>>)
        %dma_wait3A = tpu.memref_slice %arg3[%multiple_of3A] : memref<160000xi32, #tpu.memory_space<hbm>> -> memref<10000xi32, #tpu.memory_space<hbm>>
        %dma_wait3A_37 = tpu.memref_slice %arg3[%multiple_of3A] : memref<160000xi32, #tpu.memory_space<hbm>> -> memref<10000xi32, #tpu.memory_space<hbm>>
        tpu.wait_dma2 semaphore(%run_scoped3A : memref<!tpu.dma_semaphore, #tpu.memory_space<semaphore_mem>>) src(%dma_wait3A_37 : memref<10000xi32, #tpu.memory_space<hbm>>) dst(%arg9 : memref<10000xi32, #tpu.memory_space<vmem>>)
        tpu.yield
      }) : () -> ()
      "tpu.region"() ({
        %run_scoped3A = tpu.sem_alloc : memref<!tpu.dma_semaphore, #tpu.memory_space<semaphore_mem>>
        %dma_start3A = tpu.memref_slice %arg2[%multiple_of3A] : memref<160000xi32, #tpu.memory_space<hbm>> -> memref<10000xi32, #tpu.memory_space<hbm>>
        %dma_start3A_36 = tpu.memref_slice %arg2[%multiple_of3A] : memref<160000xi32, #tpu.memory_space<hbm>> -> memref<10000xi32, #tpu.memory_space<hbm>>
        tpu.enqueue_dma source(%dma_start3A_36 : memref<10000xi32, #tpu.memory_space<hbm>>) target(%arg10 : memref<10000xi32, #tpu.memory_space<vmem>>) target_semaphore(%run_scoped3A : memref<!tpu.dma_semaphore, #tpu.memory_space<semaphore_mem>>)
        %dma_wait3A = tpu.memref_slice %arg2[%multiple_of3A] : memref<160000xi32, #tpu.memory_space<hbm>> -> memref<10000xi32, #tpu.memory_space<hbm>>
        %dma_wait3A_37 = tpu.memref_slice %arg2[%multiple_of3A] : memref<160000xi32, #tpu.memory_space<hbm>> -> memref<10000xi32, #tpu.memory_space<hbm>>
        tpu.wait_dma2 semaphore(%run_scoped3A : memref<!tpu.dma_semaphore, #tpu.memory_space<semaphore_mem>>) src(%dma_wait3A_37 : memref<10000xi32, #tpu.memory_space<hbm>>) dst(%arg10 : memref<10000xi32, #tpu.memory_space<vmem>>)
        tpu.yield
      }) : () -> ()
      %scan3A = arith.constant 0 : i32
      %scan3A_26 = arith.constant 0 : i32
      %scan3A_27 = arith.constant 625 : i32
      %scan3A_28 = arith.addi %scan3A_26, %scan3A_27 : i32
      %scan3A_29 = arith.constant 1 : i32
      scf.for %scan3A_36 = %scan3A_26 to %scan3A_28 step %scan3A_29  : i32 {
        %mul3A_37 = arith.constant 16 : i32
        %mul3A_38 = arith.muli %scan3A_36, %mul3A_37 : i32
        %get3A_39 = arith.index_cast %mul3A_38 : i32 to index
        %get3A_40 = tpu.vector_load %arg9[%get3A_39] {strides = array<i32>} : memref<10000xi32, #tpu.memory_space<vmem>>, vector<16xi32>,
        %eq3A_41 = arith.cmpi eq, %get3A_40, %get3A_24 : vector<16xi32>
        %jit3A = arith.constant 1 : i32
        %jit3A_42 = arith.constant 0 : i32
        %broadcast_in_dim3A = vector.broadcast %jit3A : i32 to vector<16xi32>
        %broadcast_in_dim3A_43 = vector.broadcast %jit3A_42 : i32 to vector<16xi32>
        %select_n3A = arith.select %eq3A_41, %broadcast_in_dim3A, %broadcast_in_dim3A_43 : vector<16xi1>, vector<16xi32>
        %mul3A_44 = arith.constant 16 : i32
        %mul3A_45 = arith.muli %scan3A_36, %mul3A_44 : i32
        %swap3A = arith.index_cast %mul3A_45 : i32 to index
        %swap3A_46 = tpu.vector_load %arg11[%swap3A] {strides = array<i32>} : memref<10000xi32, #tpu.memory_space<vmem>>, vector<16xi32>,
        tpu.vector_store %arg11[%swap3A], %select_n3A {strides = array<i32>} : memref<10000xi32, #tpu.memory_space<vmem>>, vector<16xi32>,
      }
      %scan3A_30 = arith.constant 625 : i32
      "tpu.region"() ({
        %run_scoped3A = tpu.sem_alloc : memref<!tpu.dma_semaphore, #tpu.memory_space<semaphore_mem>>
        %dma_start3A = arith.constant 0 : i32
        %dma_start3A_36 = tpu.memref_slice %arg23[%dma_start3A] : memref<10000xi32, #tpu.memory_space<vmem_shared>> -> memref<10000xi32, #tpu.memory_space<vmem_shared>>
        tpu.enqueue_indirect_dma source(%arg11 : memref<10000xi32, #tpu.memory_space<vmem>>) target(%dma_start3A_36 : memref<10000xi32, #tpu.memory_space<vmem_shared>>) offsets(%arg10 : memref<10000xi32, #tpu.memory_space<vmem>>) semaphore(%run_scoped3A : memref<!tpu.dma_semaphore, #tpu.memory_space<semaphore_mem>>) {add = true}
        %dma_wait3A = arith.constant 0 : i32
        %dma_wait3A_37 = tpu.memref_slice %arg23[%dma_wait3A] : memref<10000xi32, #tpu.memory_space<vmem_shared>> -> memref<10000xi32, #tpu.memory_space<vmem_shared>>
        tpu.wait_indirect_dma semaphore(%run_scoped3A : memref<!tpu.dma_semaphore, #tpu.memory_space<semaphore_mem>>) src(%arg11 : memref<10000xi32, #tpu.memory_space<vmem>>) dst(%dma_wait3A_37 : memref<10000xi32, #tpu.memory_space<vmem_shared>>)
        tpu.yield
      }) : () -> ()
      %eq3A_31 = arith.constant 0 : i32
      %eq3A_32 = arith.cmpi eq, %arg1, %eq3A_31 : i32
      %convert_element_type3A_33 = arith.extui %eq3A_32 : i1 to i32
      %cond3A_34 = arith.constant 0 : i32
      %cond3A_35 = arith.cmpi ne, %convert_element_type3A_33, %cond3A_34 : i32
      scf.if %cond3A_35 {
        %eq3A_36 = arith.constant 0 : i32
        %eq3A_37 = vector.broadcast %eq3A_36 : i32 to vector<16xi32>
        %eq3A_38 = arith.cmpi eq, %iota3A, %eq3A_37 : vector<16xi32>
        %jit3A = arith.constant 1 : i32
        %jit3A_39 = arith.constant 0 : i32
        %broadcast_in_dim3A = vector.broadcast %jit3A : i32 to vector<16xi32>
        %broadcast_in_dim3A_40 = vector.broadcast %jit3A_39 : i32 to vector<16xi32>
        %select_n3A = arith.select %eq3A_38, %broadcast_in_dim3A, %broadcast_in_dim3A_40 : vector<16xi1>, vector<16xi32>
        %swap3A = arith.constant 0 : index
        %swap3A_41 = tpu.vector_load %arg16[%swap3A] {strides = array<i32>} : memref<16xi32, #tpu.memory_space<vmem>>, vector<16xi32>,
        tpu.vector_store %arg16[%swap3A], %select_n3A {strides = array<i32>} : memref<16xi32, #tpu.memory_space<vmem>>, vector<16xi32>,
        %swap3A_42 = arith.constant 0 : index
        %swap3A_43 = tpu.vector_load %arg17[%swap3A_42] {strides = array<i32>} : memref<16xi32, #tpu.memory_space<vmem>>, vector<16xi32>,
        tpu.vector_store %arg17[%swap3A_42], %get3A_24 {strides = array<i32>} : memref<16xi32, #tpu.memory_space<vmem>>, vector<16xi32>,
        "tpu.region"() ({
          %run_scoped3A = tpu.sem_alloc : memref<!tpu.dma_semaphore, #tpu.memory_space<semaphore_mem>>
          %dma_start3A = arith.constant 0 : i32
          %dma_start3A_44 = tpu.memref_slice %arg23[%dma_start3A] : memref<10000xi32, #tpu.memory_space<vmem_shared>> -> memref<10000xi32, #tpu.memory_space<vmem_shared>>
          tpu.enqueue_indirect_dma source(%arg16 : memref<16xi32, #tpu.memory_space<vmem>>) target(%dma_start3A_44 : memref<10000xi32, #tpu.memory_space<vmem_shared>>) offsets(%arg17 : memref<16xi32, #tpu.memory_space<vmem>>) semaphore(%run_scoped3A : memref<!tpu.dma_semaphore, #tpu.memory_space<semaphore_mem>>) {add = true}
          %dma_wait3A = arith.constant 0 : i32
          %dma_wait3A_45 = tpu.memref_slice %arg23[%dma_wait3A] : memref<10000xi32, #tpu.memory_space<vmem_shared>> -> memref<10000xi32, #tpu.memory_space<vmem_shared>>
          tpu.wait_indirect_dma semaphore(%run_scoped3A : memref<!tpu.dma_semaphore, #tpu.memory_space<semaphore_mem>>) src(%arg16 : memref<16xi32, #tpu.memory_space<vmem>>) dst(%dma_wait3A_45 : memref<10000xi32, #tpu.memory_space<vmem_shared>>)
          tpu.yield
        }) : () -> ()
      } else {
      }
    } else {
    }
    %barrier3A_7 = arith.constant 0 : index
    tpu.barrier barrier_id(%barrier3A_7)
    %convert_element_type3A_8 = arith.extui %eq3A_0 : i1 to i32
    %cond3A_9 = arith.constant 0 : i32
    %cond3A_10 = arith.cmpi ne, %convert_element_type3A_8, %cond3A_9 : i32
    scf.if %cond3A_10 {
      %mul3A = arith.constant 624 : i32
      %mul3A_24 = arith.muli %arg1, %mul3A : i32
      %eq3A_25 = arith.constant 15 : i32
      %eq3A_26 = arith.cmpi eq, %arg1, %eq3A_25 : i32
      %jit3A = arith.constant 40 : i32
      %jit3A_27 = arith.constant 39 : i32
      %select_n3A = arith.select %eq3A_26, %jit3A, %jit3A_27 : i32
      "tpu.region"() ({
        %run_scoped3A = tpu.sem_alloc : memref<!tpu.dma_semaphore, #tpu.memory_space<semaphore_mem>>
        %dma_start3A = tpu.memref_slice %arg23[%mul3A_24] : memref<10000xi32, #tpu.memory_space<vmem_shared>> -> memref<640xi32, #tpu.memory_space<vmem_shared>>
        %dma_start3A_40 = tpu.memref_slice %arg23[%mul3A_24] : memref<10000xi32, #tpu.memory_space<vmem_shared>> -> memref<640xi32, #tpu.memory_space<vmem_shared>>
        tpu.enqueue_dma source(%dma_start3A_40 : memref<640xi32, #tpu.memory_space<vmem_shared>>) target(%arg12 : memref<640xi32, #tpu.memory_space<vmem>>) target_semaphore(%run_scoped3A : memref<!tpu.dma_semaphore, #tpu.memory_space<semaphore_mem>>)
        %dma_wait3A = tpu.memref_slice %arg23[%mul3A_24] : memref<10000xi32, #tpu.memory_space<vmem_shared>> -> memref<640xi32, #tpu.memory_space<vmem_shared>>
        %dma_wait3A_41 = tpu.memref_slice %arg23[%mul3A_24] : memref<10000xi32, #tpu.memory_space<vmem_shared>> -> memref<640xi32, #tpu.memory_space<vmem_shared>>
        tpu.wait_dma2 semaphore(%run_scoped3A : memref<!tpu.dma_semaphore, #tpu.memory_space<semaphore_mem>>) src(%dma_wait3A_41 : memref<640xi32, #tpu.memory_space<vmem_shared>>) dst(%arg12 : memref<640xi32, #tpu.memory_space<vmem>>)
        tpu.yield
      }) : () -> ()
      "tpu.region"() ({
        %run_scoped3A = tpu.sem_alloc : memref<!tpu.dma_semaphore, #tpu.memory_space<semaphore_mem>>
        %dma_start3A = tpu.memref_slice %arg5[%mul3A_24] : memref<10000xf32, #tpu.memory_space<hbm>> -> memref<640xf32, #tpu.memory_space<hbm>>
        %dma_start3A_40 = tpu.memref_slice %arg5[%mul3A_24] : memref<10000xf32, #tpu.memory_space<hbm>> -> memref<640xf32, #tpu.memory_space<hbm>>
        tpu.enqueue_dma source(%dma_start3A_40 : memref<640xf32, #tpu.memory_space<hbm>>) target(%arg13 : memref<640xf32, #tpu.memory_space<vmem>>) target_semaphore(%run_scoped3A : memref<!tpu.dma_semaphore, #tpu.memory_space<semaphore_mem>>)
        %dma_wait3A = tpu.memref_slice %arg5[%mul3A_24] : memref<10000xf32, #tpu.memory_space<hbm>> -> memref<640xf32, #tpu.memory_space<hbm>>
        %dma_wait3A_41 = tpu.memref_slice %arg5[%mul3A_24] : memref<10000xf32, #tpu.memory_space<hbm>> -> memref<640xf32, #tpu.memory_space<hbm>>
        tpu.wait_dma2 semaphore(%run_scoped3A : memref<!tpu.dma_semaphore, #tpu.memory_space<semaphore_mem>>) src(%dma_wait3A_41 : memref<640xf32, #tpu.memory_space<hbm>>) dst(%arg13 : memref<640xf32, #tpu.memory_space<vmem>>)
        tpu.yield
      }) : () -> ()
      %broadcast_in_dim3A = arith.constant 0 : i32
      %broadcast_in_dim3A_28 = vector.broadcast %broadcast_in_dim3A : i32 to vector<16xi32>
      %while3A = arith.constant 0 : i32
      %while3A_29 = arith.subi %select_n3A, %while3A : i32
      %while3A_30 = arith.addi %while3A, %while3A_29 : i32
      %while3A_31 = arith.constant 1 : i32
      %while3A_32 = arith.divsi %while3A_29, %while3A_31 : i32
      %while3A_33 = arith.muli %while3A_32, %while3A_31 : i32
      %while3A_34 = arith.addi %while3A, %while3A_33 : i32
      %while3A_35 = arith.constant 1 : i32
      %while3A_36 = scf.for %while3A_40 = %while3A to %while3A_34 step %while3A_35 iter_args(%while3A_41 = %broadcast_in_dim3A_28) -> (vector<16xi32>)  : i32 {
        %mul3A_42 = arith.constant 16 : i32
        %mul3A_43 = arith.muli %while3A_40, %mul3A_42 : i32
        %get3A = arith.index_cast %mul3A_43 : i32 to index
        %get3A_44 = tpu.vector_load %arg12[%get3A] {strides = array<i32>} : memref<640xi32, #tpu.memory_space<vmem>>, vector<16xi32>,
        %eq3A_45 = arith.constant 0 : i32
        %eq3A_46 = vector.broadcast %eq3A_45 : i32 to vector<16xi32>
        %eq3A_47 = arith.cmpi eq, %get3A_44, %eq3A_46 : vector<16xi32>
        %all_reduce_population_count3A = tpu.all_reduce %eq3A_47 {dim = 0 : i64, kind = #tpu.reduction_kind<sum>} : vector<16xi1> -> vector<16xi32>
        %add3A = arith.addi %while3A_41, %all_reduce_population_count3A : vector<16xi32>
        scf.yield %add3A : vector<16xi32>
      }
      %while3A_37 = arith.constant 1 : i32
      %while3A_38 = scf.for %while3A_40 = %while3A_34 to %while3A_30 step %while3A_37 iter_args(%while3A_41 = %while3A_36) -> (vector<16xi32>)  : i32 {
        %mul3A_42 = arith.constant 16 : i32
        %mul3A_43 = arith.muli %while3A_40, %mul3A_42 : i32
        %get3A = arith.index_cast %mul3A_43 : i32 to index
        %get3A_44 = tpu.vector_load %arg12[%get3A] {strides = array<i32>} : memref<640xi32, #tpu.memory_space<vmem>>, vector<16xi32>,
        %eq3A_45 = arith.constant 0 : i32
        %eq3A_46 = vector.broadcast %eq3A_45 : i32 to vector<16xi32>
        %eq3A_47 = arith.cmpi eq, %get3A_44, %eq3A_46 : vector<16xi32>
        %all_reduce_population_count3A = tpu.all_reduce %eq3A_47 {dim = 0 : i64, kind = #tpu.reduction_kind<sum>} : vector<16xi1> -> vector<16xi32>
        %add3A = arith.addi %while3A_41, %all_reduce_population_count3A : vector<16xi32>
        scf.yield %add3A : vector<16xi32>
      }
      %swap3A = arith.constant 0 : index
      %swap3A_39 = tpu.vector_load %arg16[%swap3A] {strides = array<i32>} : memref<16xi32, #tpu.memory_space<vmem>>, vector<16xi32>,
      tpu.vector_store %arg16[%swap3A], %while3A_38 {strides = array<i32>} : memref<16xi32, #tpu.memory_space<vmem>>, vector<16xi32>,
      "tpu.region"() ({
        %run_scoped3A = tpu.sem_alloc : memref<!tpu.dma_semaphore, #tpu.memory_space<semaphore_mem>>
        %dma_start3A = arith.constant 0 : i32
        %dma_start3A_40 = tpu.memref_slice %arg24[%arg1, %dma_start3A] : memref<16x16xi32, #tpu.memory_space<vmem_shared>> -> memref<1x16xi32, #tpu.memory_space<vmem_shared>>
        %dma_start3A_41 = tpu.memref_squeeze %dma_start3A_40 : memref<1x16xi32, #tpu.memory_space<vmem_shared>> -> memref<16xi32, #tpu.memory_space<vmem_shared>>
        %dma_start3A_42 = arith.constant 0 : i32
        %dma_start3A_43 = tpu.memref_slice %arg24[%arg1, %dma_start3A_42] : memref<16x16xi32, #tpu.memory_space<vmem_shared>> -> memref<1x16xi32, #tpu.memory_space<vmem_shared>>
        %dma_start3A_44 = tpu.memref_squeeze %dma_start3A_43 : memref<1x16xi32, #tpu.memory_space<vmem_shared>> -> memref<16xi32, #tpu.memory_space<vmem_shared>>
        tpu.enqueue_dma source(%arg16 : memref<16xi32, #tpu.memory_space<vmem>>) target(%dma_start3A_44 : memref<16xi32, #tpu.memory_space<vmem_shared>>) target_semaphore(%run_scoped3A : memref<!tpu.dma_semaphore, #tpu.memory_space<semaphore_mem>>)
        %dma_wait3A = arith.constant 0 : i32
        %dma_wait3A_45 = tpu.memref_slice %arg24[%arg1, %dma_wait3A] : memref<16x16xi32, #tpu.memory_space<vmem_shared>> -> memref<1x16xi32, #tpu.memory_space<vmem_shared>>
        %dma_wait3A_46 = tpu.memref_squeeze %dma_wait3A_45 : memref<1x16xi32, #tpu.memory_space<vmem_shared>> -> memref<16xi32, #tpu.memory_space<vmem_shared>>
        %dma_wait3A_47 = arith.constant 0 : i32
        %dma_wait3A_48 = tpu.memref_slice %arg24[%arg1, %dma_wait3A_47] : memref<16x16xi32, #tpu.memory_space<vmem_shared>> -> memref<1x16xi32, #tpu.memory_space<vmem_shared>>
        %dma_wait3A_49 = tpu.memref_squeeze %dma_wait3A_48 : memref<1x16xi32, #tpu.memory_space<vmem_shared>> -> memref<16xi32, #tpu.memory_space<vmem_shared>>
        tpu.wait_dma2 semaphore(%run_scoped3A : memref<!tpu.dma_semaphore, #tpu.memory_space<semaphore_mem>>) src(%arg16 : memref<16xi32, #tpu.memory_space<vmem>>) dst(%dma_wait3A_49 : memref<16xi32, #tpu.memory_space<vmem_shared>>)
        tpu.yield
      }) : () -> ()
    } else {
    }
    %barrier3A_11 = arith.constant 0 : index
    tpu.barrier barrier_id(%barrier3A_11)
    %convert_element_type3A_12 = arith.extui %eq3A_0 : i1 to i32
    %cond3A_13 = arith.constant 2147483647 : i32
    %cond3A_14 = arith.constant 0 : i32
    %cond3A_15 = arith.cmpi ne, %convert_element_type3A_12, %cond3A_14 : i32
    scf.if %cond3A_15 {
      %mul3A = arith.constant 624 : i32
      %mul3A_24 = arith.muli %arg1, %mul3A : i32
      %eq3A_25 = arith.constant 15 : i32
      %eq3A_26 = arith.cmpi eq, %arg1, %eq3A_25 : i32
      %jit3A = arith.constant 40 : i32
      %jit3A_27 = arith.constant 39 : i32
      %select_n3A = arith.select %eq3A_26, %jit3A, %jit3A_27 : i32
      "tpu.region"() ({
        %run_scoped3A = tpu.sem_alloc : memref<!tpu.dma_semaphore, #tpu.memory_space<semaphore_mem>>
        tpu.enqueue_dma source(%arg24 : memref<16x16xi32, #tpu.memory_space<vmem_shared>>) target(%arg21 : memref<16x16xi32, #tpu.memory_space<vmem>>) target_semaphore(%run_scoped3A : memref<!tpu.dma_semaphore, #tpu.memory_space<semaphore_mem>>)
        tpu.wait_dma2 semaphore(%run_scoped3A : memref<!tpu.dma_semaphore, #tpu.memory_space<semaphore_mem>>) src(%arg24 : memref<16x16xi32, #tpu.memory_space<vmem_shared>>) dst(%arg21 : memref<16x16xi32, #tpu.memory_space<vmem>>)
        tpu.yield
      }) : () -> ()
      %gather3A = tpu.vector_load_idx %arg21[%iota3A, %iota3A] : memref<16x16xi32, #tpu.memory_space<vmem>>[vector<16xi32>, vector<16xi32>], vector<16xi32>,
      %broadcast_in_dim3A = arith.constant true
      %broadcast_in_dim3A_28 = vector.broadcast %broadcast_in_dim3A : i1 to vector<16xi1>
      %masked_cumsum3A = tpu.scan <sum>, %gather3A masked %broadcast_in_dim3A_28 : vector<16xi32>, vector<16xi1> -> vector<16xi32>
      %sub3A = arith.subi %masked_cumsum3A, %gather3A : vector<16xi32>
      %eq3A_29 = vector.broadcast %arg1 : i32 to vector<16xi32>
      %eq3A_30 = arith.cmpi eq, %iota3A, %eq3A_29 : vector<16xi32>
      %jit3A_31 = arith.constant 0 : i32
      %broadcast_in_dim3A_32 = vector.broadcast %jit3A_31 : i32 to vector<16xi32>
      %select_n3A_33 = arith.select %eq3A_30, %sub3A, %broadcast_in_dim3A_32 : vector<16xi1>, vector<16xi32>
      %reduce_sum3A = arith.constant true
      %reduce_sum3A_34 = vector.broadcast %reduce_sum3A : i1 to vector<16xi1>
      %reduce_sum3A_35 = tpu.scan <sum>, %select_n3A_33 masked %reduce_sum3A_34 : vector<16xi32>, vector<16xi1> -> vector<16xi32>
      %reduce_sum3A_36 = vector.extract %reduce_sum3A_35[15] : i32 from vector<16xi32>
      %jit3A_37 = arith.constant 8 : i32
      %div3A = arith.divsi %reduce_sum3A_36, %jit3A_37 : i32
      %sign3A = arith.constant 0 : i32
      %sign3A_38 = arith.cmpi sgt, %reduce_sum3A_36, %sign3A : i32
      %sign3A_39 = arith.extui %sign3A_38 : i1 to i32
      %sign3A_40 = arith.constant 0 : i32
      %sign3A_41 = arith.cmpi slt, %reduce_sum3A_36, %sign3A_40 : i32
      %sign3A_42 = arith.extui %sign3A_41 : i1 to i32
      %sign3A_43 = arith.subi %sign3A_39, %sign3A_42 : i32
      %sign3A_44 = arith.constant 0 : i32
      %sign3A_45 = arith.cmpi sgt, %jit3A_37, %sign3A_44 : i32
      %sign3A_46 = arith.extui %sign3A_45 : i1 to i32
      %sign3A_47 = arith.constant 0 : i32
      %sign3A_48 = arith.cmpi slt, %jit3A_37, %sign3A_47 : i32
      %sign3A_49 = arith.extui %sign3A_48 : i1 to i32
      %sign3A_50 = arith.subi %sign3A_46, %sign3A_49 : i32
      %ne3A = arith.cmpi ne, %sign3A_43, %sign3A_50 : i32
      %rem3A = arith.remsi %reduce_sum3A_36, %jit3A_37 : i32
      %ne3A_51 = arith.constant 0 : i32
      %ne3A_52 = arith.cmpi ne, %rem3A, %ne3A_51 : i32
      %and3A_53 = arith.andi %ne3A, %ne3A_52 : i1
      %sub3A_54 = arith.constant 1 : i32
      %sub3A_55 = arith.subi %div3A, %sub3A_54 : i32
      %select_n3A_56 = arith.select %and3A_53, %sub3A_55, %div3A : i32
      %mul3A_57 = arith.constant 8 : i32
      %mul3A_58 = arith.muli %select_n3A_56, %mul3A_57 : i32
      %sub3A_59 = arith.subi %reduce_sum3A_36, %mul3A_58 : i32
      %broadcast_in_dim3A_60 = vector.broadcast %sub3A_59 : i32 to vector<16xi32>
      %multiple_of3A = tpu.assume_multiple %mul3A_58, 8 : i32
      "tpu.region"() ({
        %run_scoped3A = tpu.sem_alloc : memref<!tpu.dma_semaphore, #tpu.memory_space<semaphore_mem>>
        %dma_start3A = tpu.memref_slice %arg6[%multiple_of3A] : memref<10656xf32, #tpu.memory_space<hbm>> -> memref<648xf32, #tpu.memory_space<hbm>>
        %dma_start3A_143 = tpu.memref_slice %arg6[%multiple_of3A] : memref<10656xf32, #tpu.memory_space<hbm>> -> memref<648xf32, #tpu.memory_space<hbm>>
        tpu.enqueue_dma source(%dma_start3A_143 : memref<648xf32, #tpu.memory_space<hbm>>) target(%arg14 : memref<648xf32, #tpu.memory_space<vmem>>) target_semaphore(%run_scoped3A : memref<!tpu.dma_semaphore, #tpu.memory_space<semaphore_mem>>)
        %dma_wait3A = tpu.memref_slice %arg6[%multiple_of3A] : memref<10656xf32, #tpu.memory_space<hbm>> -> memref<648xf32, #tpu.memory_space<hbm>>
        %dma_wait3A_144 = tpu.memref_slice %arg6[%multiple_of3A] : memref<10656xf32, #tpu.memory_space<hbm>> -> memref<648xf32, #tpu.memory_space<hbm>>
        tpu.wait_dma2 semaphore(%run_scoped3A : memref<!tpu.dma_semaphore, #tpu.memory_space<semaphore_mem>>) src(%dma_wait3A_144 : memref<648xf32, #tpu.memory_space<hbm>>) dst(%arg14 : memref<648xf32, #tpu.memory_space<vmem>>)
        tpu.yield
      }) : () -> ()
      %broadcast_in_dim3A_61 = arith.constant 0xFF800000 : f32
      %broadcast_in_dim3A_62 = vector.broadcast %broadcast_in_dim3A_61 : f32 to vector<16xf32>
      %while3A = arith.constant 0 : i32
      %while3A_63 = arith.subi %select_n3A, %while3A : i32
      %while3A_64 = arith.addi %while3A, %while3A_63 : i32
      %while3A_65 = arith.constant 1 : i32
      %while3A_66 = arith.divsi %while3A_63, %while3A_65 : i32
      %while3A_67 = arith.muli %while3A_66, %while3A_65 : i32
      %while3A_68 = arith.addi %while3A, %while3A_67 : i32
      %while3A_69 = arith.constant 1 : i32
      %while3A_70 = scf.for %while3A_143 = %while3A to %while3A_68 step %while3A_69 iter_args(%while3A_144 = %broadcast_in_dim3A_62) -> (vector<16xf32>)  : i32 {
        %mul3A_145 = arith.constant 16 : i32
        %mul3A_146 = arith.muli %while3A_143, %mul3A_145 : i32
        %get3A = arith.index_cast %mul3A_146 : i32 to index
        %get3A_147 = tpu.vector_load %arg13[%get3A] {strides = array<i32>} : memref<640xf32, #tpu.memory_space<vmem>>, vector<16xf32>,
        %mul3A_148 = arith.constant 16 : i32
        %mul3A_149 = arith.muli %while3A_143, %mul3A_148 : i32
        %get3A_150 = arith.index_cast %mul3A_149 : i32 to index
        %get3A_151 = tpu.vector_load %arg12[%get3A_150] {strides = array<i32>} : memref<640xi32, #tpu.memory_space<vmem>>, vector<16xi32>,
        %gt3A = arith.constant 0 : i32
        %gt3A_152 = vector.broadcast %gt3A : i32 to vector<16xi32>
        %gt3A_153 = arith.cmpi sgt, %get3A_151, %gt3A_152 : vector<16xi32>
        %jit3A_154 = arith.constant 0xFF800000 : f32
        %broadcast_in_dim3A_155 = vector.broadcast %jit3A_154 : f32 to vector<16xf32>
        %select_n3A_156 = arith.select %gt3A_153, %broadcast_in_dim3A_155, %get3A_147 : vector<16xi1>, vector<16xf32>
        %max3A = arith.maximumf %while3A_144, %select_n3A_156 : vector<16xf32>
        scf.yield %max3A : vector<16xf32>
      }
      %while3A_71 = arith.constant 1 : i32
      %while3A_72 = scf.for %while3A_143 = %while3A_68 to %while3A_64 step %while3A_71 iter_args(%while3A_144 = %while3A_70) -> (vector<16xf32>)  : i32 {
        %mul3A_145 = arith.constant 16 : i32
        %mul3A_146 = arith.muli %while3A_143, %mul3A_145 : i32
        %get3A = arith.index_cast %mul3A_146 : i32 to index
        %get3A_147 = tpu.vector_load %arg13[%get3A] {strides = array<i32>} : memref<640xf32, #tpu.memory_space<vmem>>, vector<16xf32>,
        %mul3A_148 = arith.constant 16 : i32
        %mul3A_149 = arith.muli %while3A_143, %mul3A_148 : i32
        %get3A_150 = arith.index_cast %mul3A_149 : i32 to index
        %get3A_151 = tpu.vector_load %arg12[%get3A_150] {strides = array<i32>} : memref<640xi32, #tpu.memory_space<vmem>>, vector<16xi32>,
        %gt3A = arith.constant 0 : i32
        %gt3A_152 = vector.broadcast %gt3A : i32 to vector<16xi32>
        %gt3A_153 = arith.cmpi sgt, %get3A_151, %gt3A_152 : vector<16xi32>
        %jit3A_154 = arith.constant 0xFF800000 : f32
        %broadcast_in_dim3A_155 = vector.broadcast %jit3A_154 : f32 to vector<16xf32>
        %select_n3A_156 = arith.select %gt3A_153, %broadcast_in_dim3A_155, %get3A_147 : vector<16xi1>, vector<16xf32>
        %max3A = arith.maximumf %while3A_144, %select_n3A_156 : vector<16xf32>
        scf.yield %max3A : vector<16xf32>
      }
      %reduce_max3A = arith.constant true
      %reduce_max3A_73 = vector.broadcast %reduce_max3A : i1 to vector<16xi1>
      %reduce_max3A_74 = tpu.scan <max>, %while3A_72 masked %reduce_max3A_73 : vector<16xf32>, vector<16xi1> -> vector<16xf32>
      %reduce_max3A_75 = vector.extract %reduce_max3A_74[15] : f32 from vector<16xf32>
      %broadcast_in_dim3A_76 = vector.broadcast %reduce_max3A_75 : f32 to vector<16xf32>
      %broadcast_in_dim3A_77 = arith.constant 0 : i32
      %broadcast_in_dim3A_78 = vector.broadcast %broadcast_in_dim3A_77 : i32 to vector<16xi32>
      %broadcast_in_dim3A_79 = arith.constant 0.000000e+00 : f32
      %broadcast_in_dim3A_80 = vector.broadcast %broadcast_in_dim3A_79 : f32 to vector<16xf32>
      %broadcast_in_dim3A_81 = arith.constant 0xFF800000 : f32
      %broadcast_in_dim3A_82 = vector.broadcast %broadcast_in_dim3A_81 : f32 to vector<16xf32>
      %broadcast_in_dim3A_83 = arith.constant 0.000000e+00 : f32
      %broadcast_in_dim3A_84 = vector.broadcast %broadcast_in_dim3A_83 : f32 to vector<16xf32>
      %while3A_85 = arith.constant 0 : i32
      %while3A_86 = arith.subi %select_n3A, %while3A_85 : i32
      %while3A_87 = arith.addi %while3A_85, %while3A_86 : i32
      %while3A_88 = arith.constant 1 : i32
      %while3A_89 = arith.divsi %while3A_86, %while3A_88 : i32
      %while3A_90 = arith.muli %while3A_89, %while3A_88 : i32
      %while3A_91 = arith.addi %while3A_85, %while3A_90 : i32
      %while3A_92 = arith.constant 1 : i32
      %while3A_93:5 = scf.for %while3A_143 = %while3A_85 to %while3A_91 step %while3A_92 iter_args(%while3A_144 = %broadcast_in_dim3A_60, %while3A_145 = %broadcast_in_dim3A_80, %while3A_146 = %broadcast_in_dim3A_82, %while3A_147 = %broadcast_in_dim3A_78, %while3A_148 = %broadcast_in_dim3A_84) -> (vector<16xi32>, vector<16xf32>, vector<16xf32>, vector<16xi32>, vector<16xf32>)  : i32 {
        %mul3A_149 = arith.constant 16 : i32
        %mul3A_150 = arith.muli %while3A_143, %mul3A_149 : i32
        %get3A = arith.index_cast %mul3A_150 : i32 to index
        %get3A_151 = tpu.vector_load %arg13[%get3A] {strides = array<i32>} : memref<640xf32, #tpu.memory_space<vmem>>, vector<16xf32>,
        %mul3A_152 = arith.constant 16 : i32
        %mul3A_153 = arith.muli %while3A_143, %mul3A_152 : i32
        %get3A_154 = arith.index_cast %mul3A_153 : i32 to index
        %get3A_155 = tpu.vector_load %arg12[%get3A_154] {strides = array<i32>} : memref<640xi32, #tpu.memory_space<vmem>>, vector<16xi32>,
        %eq3A_156 = arith.constant 0 : i32
        %eq3A_157 = vector.broadcast %eq3A_156 : i32 to vector<16xi32>
        %eq3A_158 = arith.cmpi eq, %get3A_155, %eq3A_157 : vector<16xi32>
        %jit3A_159 = arith.constant 1 : i32
        %jit3A_160 = arith.constant 0 : i32
        %broadcast_in_dim3A_161 = vector.broadcast %jit3A_159 : i32 to vector<16xi32>
        %broadcast_in_dim3A_162 = vector.broadcast %jit3A_160 : i32 to vector<16xi32>
        %select_n3A_163 = arith.select %eq3A_158, %broadcast_in_dim3A_161, %broadcast_in_dim3A_162 : vector<16xi1>, vector<16xi32>
        %broadcast_in_dim3A_164 = arith.constant true
        %broadcast_in_dim3A_165 = vector.broadcast %broadcast_in_dim3A_164 : i1 to vector<16xi1>
        %masked_cumsum3A_166 = tpu.scan <sum>, %select_n3A_163 masked %broadcast_in_dim3A_165 : vector<16xi32>, vector<16xi1> -> vector<16xi32>
        %add3A = arith.addi %while3A_144, %masked_cumsum3A_166 : vector<16xi32>
        %sub3A_167 = arith.subi %add3A, %select_n3A_163 : vector<16xi32>
        %gather3A_168 = tpu.vector_load_idx %arg14[%sub3A_167] : memref<648xf32, #tpu.memory_space<vmem>>[vector<16xi32>], vector<16xf32>,
        %add3A_169 = arith.addf %get3A_151, %gather3A_168 : vector<16xf32>
        %jit3A_170 = arith.constant 0xFF800000 : f32
        %broadcast_in_dim3A_171 = vector.broadcast %jit3A_170 : f32 to vector<16xf32>
        %select_n3A_172 = arith.select %eq3A_158, %add3A_169, %broadcast_in_dim3A_171 : vector<16xi1>, vector<16xf32>
        %gt3A = arith.cmpf ogt, %select_n3A_172, %while3A_146 : vector<16xf32>
        %select_n3A_173 = arith.select %gt3A, %select_n3A_172, %while3A_146 : vector<16xi1>, vector<16xf32>
        %add3A_174 = vector.broadcast %mul3A_24 : i32 to vector<16xi32>
        %add3A_175 = arith.addi %iota3A, %add3A_174 : vector<16xi32>
        %mul3A_176 = arith.constant 16 : i32
        %mul3A_177 = arith.muli %while3A_143, %mul3A_176 : i32
        %add3A_178 = vector.broadcast %mul3A_177 : i32 to vector<16xi32>
        %add3A_179 = arith.addi %add3A_175, %add3A_178 : vector<16xi32>
        %select_n3A_180 = arith.select %gt3A, %add3A_179, %while3A_147 : vector<16xi1>, vector<16xi32>
        %select_n3A_181 = arith.select %gt3A, %get3A_151, %while3A_148 : vector<16xi1>, vector<16xf32>
        %sub3A_182 = arith.subf %get3A_151, %broadcast_in_dim3A_76 : vector<16xf32>
        %exp3A = math.exp %sub3A_182 : vector<16xf32>
        %jit3A_183 = arith.constant 0.000000e+00 : f32
        %broadcast_in_dim3A_184 = vector.broadcast %jit3A_183 : f32 to vector<16xf32>
        %select_n3A_185 = arith.select %eq3A_158, %exp3A, %broadcast_in_dim3A_184 : vector<16xi1>, vector<16xf32>
        %add3A_186 = arith.addf %while3A_145, %select_n3A_185 : vector<16xf32>
        %all_reduce_population_count3A = tpu.all_reduce %eq3A_158 {dim = 0 : i64, kind = #tpu.reduction_kind<sum>} : vector<16xi1> -> vector<16xi32>
        %add3A_187 = arith.addi %while3A_144, %all_reduce_population_count3A : vector<16xi32>
        scf.yield %add3A_187, %add3A_186, %select_n3A_173, %select_n3A_180, %select_n3A_181 : vector<16xi32>, vector<16xf32>, vector<16xf32>, vector<16xi32>, vector<16xf32>
      }
      %while3A_94 = arith.constant 1 : i32
      %while3A_95:5 = scf.for %while3A_143 = %while3A_91 to %while3A_87 step %while3A_94 iter_args(%while3A_144 = %while3A_93#0, %while3A_145 = %while3A_93#1, %while3A_146 = %while3A_93#2, %while3A_147 = %while3A_93#3, %while3A_148 = %while3A_93#4) -> (vector<16xi32>, vector<16xf32>, vector<16xf32>, vector<16xi32>, vector<16xf32>)  : i32 {
        %mul3A_149 = arith.constant 16 : i32
        %mul3A_150 = arith.muli %while3A_143, %mul3A_149 : i32
        %get3A = arith.index_cast %mul3A_150 : i32 to index
        %get3A_151 = tpu.vector_load %arg13[%get3A] {strides = array<i32>} : memref<640xf32, #tpu.memory_space<vmem>>, vector<16xf32>,
        %mul3A_152 = arith.constant 16 : i32
        %mul3A_153 = arith.muli %while3A_143, %mul3A_152 : i32
        %get3A_154 = arith.index_cast %mul3A_153 : i32 to index
        %get3A_155 = tpu.vector_load %arg12[%get3A_154] {strides = array<i32>} : memref<640xi32, #tpu.memory_space<vmem>>, vector<16xi32>,
        %eq3A_156 = arith.constant 0 : i32
        %eq3A_157 = vector.broadcast %eq3A_156 : i32 to vector<16xi32>
        %eq3A_158 = arith.cmpi eq, %get3A_155, %eq3A_157 : vector<16xi32>
        %jit3A_159 = arith.constant 1 : i32
        %jit3A_160 = arith.constant 0 : i32
        %broadcast_in_dim3A_161 = vector.broadcast %jit3A_159 : i32 to vector<16xi32>
        %broadcast_in_dim3A_162 = vector.broadcast %jit3A_160 : i32 to vector<16xi32>
        %select_n3A_163 = arith.select %eq3A_158, %broadcast_in_dim3A_161, %broadcast_in_dim3A_162 : vector<16xi1>, vector<16xi32>
        %broadcast_in_dim3A_164 = arith.constant true
        %broadcast_in_dim3A_165 = vector.broadcast %broadcast_in_dim3A_164 : i1 to vector<16xi1>
        %masked_cumsum3A_166 = tpu.scan <sum>, %select_n3A_163 masked %broadcast_in_dim3A_165 : vector<16xi32>, vector<16xi1> -> vector<16xi32>
        %add3A = arith.addi %while3A_144, %masked_cumsum3A_166 : vector<16xi32>
        %sub3A_167 = arith.subi %add3A, %select_n3A_163 : vector<16xi32>
        %gather3A_168 = tpu.vector_load_idx %arg14[%sub3A_167] : memref<648xf32, #tpu.memory_space<vmem>>[vector<16xi32>], vector<16xf32>,
        %add3A_169 = arith.addf %get3A_151, %gather3A_168 : vector<16xf32>
        %jit3A_170 = arith.constant 0xFF800000 : f32
        %broadcast_in_dim3A_171 = vector.broadcast %jit3A_170 : f32 to vector<16xf32>
        %select_n3A_172 = arith.select %eq3A_158, %add3A_169, %broadcast_in_dim3A_171 : vector<16xi1>, vector<16xf32>
        %gt3A = arith.cmpf ogt, %select_n3A_172, %while3A_146 : vector<16xf32>
        %select_n3A_173 = arith.select %gt3A, %select_n3A_172, %while3A_146 : vector<16xi1>, vector<16xf32>
        %add3A_174 = vector.broadcast %mul3A_24 : i32 to vector<16xi32>
        %add3A_175 = arith.addi %iota3A, %add3A_174 : vector<16xi32>
        %mul3A_176 = arith.constant 16 : i32
        %mul3A_177 = arith.muli %while3A_143, %mul3A_176 : i32
        %add3A_178 = vector.broadcast %mul3A_177 : i32 to vector<16xi32>
        %add3A_179 = arith.addi %add3A_175, %add3A_178 : vector<16xi32>
        %select_n3A_180 = arith.select %gt3A, %add3A_179, %while3A_147 : vector<16xi1>, vector<16xi32>
        %select_n3A_181 = arith.select %gt3A, %get3A_151, %while3A_148 : vector<16xi1>, vector<16xf32>
        %sub3A_182 = arith.subf %get3A_151, %broadcast_in_dim3A_76 : vector<16xf32>
        %exp3A = math.exp %sub3A_182 : vector<16xf32>
        %jit3A_183 = arith.constant 0.000000e+00 : f32
        %broadcast_in_dim3A_184 = vector.broadcast %jit3A_183 : f32 to vector<16xf32>
        %select_n3A_185 = arith.select %eq3A_158, %exp3A, %broadcast_in_dim3A_184 : vector<16xi1>, vector<16xf32>
        %add3A_186 = arith.addf %while3A_145, %select_n3A_185 : vector<16xf32>
        %all_reduce_population_count3A = tpu.all_reduce %eq3A_158 {dim = 0 : i64, kind = #tpu.reduction_kind<sum>} : vector<16xi1> -> vector<16xi32>
        %add3A_187 = arith.addi %while3A_144, %all_reduce_population_count3A : vector<16xi32>
        scf.yield %add3A_187, %add3A_186, %select_n3A_173, %select_n3A_180, %select_n3A_181 : vector<16xi32>, vector<16xf32>, vector<16xf32>, vector<16xi32>, vector<16xf32>
      }
      %reduce_max3A_96 = arith.constant true
      %reduce_max3A_97 = vector.broadcast %reduce_max3A_96 : i1 to vector<16xi1>
      %reduce_max3A_98 = tpu.scan <max>, %while3A_95#2 masked %reduce_max3A_97 : vector<16xf32>, vector<16xi1> -> vector<16xf32>
      %reduce_max3A_99 = vector.extract %reduce_max3A_98[15] : f32 from vector<16xf32>
      %broadcast_in_dim3A_100 = vector.broadcast %reduce_max3A_99 : f32 to vector<16xf32>
      %eq3A_101 = arith.cmpf oeq, %while3A_95#2, %broadcast_in_dim3A_100 : vector<16xf32>
      %broadcast_in_dim3A_102 = vector.broadcast %cond3A_13 : i32 to vector<16xi32>
      %select_n3A_103 = arith.select %eq3A_101, %while3A_95#3, %broadcast_in_dim3A_102 : vector<16xi1>, vector<16xi32>
      %reduce_min3A = arith.constant true
      %reduce_min3A_104 = vector.broadcast %reduce_min3A : i1 to vector<16xi1>
      %reduce_min3A_105 = arith.constant -2147483648 : i32
      %reduce_min3A_106 = vector.broadcast %reduce_min3A_105 : i32 to vector<16xi32>
      %reduce_min3A_107 = arith.xori %select_n3A_103, %reduce_min3A_106 : vector<16xi32>
      %reduce_min3A_108 = tpu.scan <min>, %reduce_min3A_107 masked %reduce_min3A_104 : vector<16xi32>, vector<16xi1> -> vector<16xi32>
      %reduce_min3A_109 = arith.xori %reduce_min3A_108, %reduce_min3A_106 : vector<16xi32>
      %reduce_min3A_110 = vector.extract %reduce_min3A_109[15] : i32 from vector<16xi32>
      %broadcast_in_dim3A_111 = vector.broadcast %reduce_min3A_110 : i32 to vector<16xi32>
      %eq3A_112 = arith.cmpi eq, %while3A_95#3, %broadcast_in_dim3A_111 : vector<16xi32>
      %and3A_113 = arith.andi %eq3A_101, %eq3A_112 : vector<16xi1>
      %jit3A_114 = arith.constant 0xFF800000 : f32
      %broadcast_in_dim3A_115 = vector.broadcast %jit3A_114 : f32 to vector<16xf32>
      %select_n3A_116 = arith.select %and3A_113, %while3A_95#4, %broadcast_in_dim3A_115 : vector<16xi1>, vector<16xf32>
      %reduce_max3A_117 = arith.constant true
      %reduce_max3A_118 = vector.broadcast %reduce_max3A_117 : i1 to vector<16xi1>
      %reduce_max3A_119 = tpu.scan <max>, %select_n3A_116 masked %reduce_max3A_118 : vector<16xf32>, vector<16xi1> -> vector<16xf32>
      %reduce_max3A_120 = vector.extract %reduce_max3A_119[15] : f32 from vector<16xf32>
      %reduce_sum3A_121 = arith.constant true
      %reduce_sum3A_122 = vector.broadcast %reduce_sum3A_121 : i1 to vector<16xi1>
      %reduce_sum3A_123 = tpu.scan <sum>, %while3A_95#1 masked %reduce_sum3A_122 : vector<16xf32>, vector<16xi1> -> vector<16xf32>
      %reduce_sum3A_124 = vector.extract %reduce_sum3A_123[15] : f32 from vector<16xf32>
      %eq3A_125 = arith.constant 0 : i32
      %eq3A_126 = vector.broadcast %eq3A_125 : i32 to vector<16xi32>
      %eq3A_127 = arith.cmpi eq, %iota3A, %eq3A_126 : vector<16xi32>
      %eq3A_128 = arith.constant 1 : i32
      %eq3A_129 = vector.broadcast %eq3A_128 : i32 to vector<16xi32>
      %eq3A_130 = arith.cmpi eq, %iota3A, %eq3A_129 : vector<16xi32>
      %broadcast_in_dim3A_131 = vector.broadcast %reduce_sum3A_124 : f32 to vector<16xf32>
      %eq3A_132 = arith.constant 2 : i32
      %eq3A_133 = vector.broadcast %eq3A_132 : i32 to vector<16xi32>
      %eq3A_134 = arith.cmpi eq, %iota3A, %eq3A_133 : vector<16xi32>
      %broadcast_in_dim3A_135 = vector.broadcast %reduce_max3A_99 : f32 to vector<16xf32>
      %broadcast_in_dim3A_136 = vector.broadcast %reduce_max3A_120 : f32 to vector<16xf32>
      %select_n3A_137 = arith.select %eq3A_134, %broadcast_in_dim3A_135, %broadcast_in_dim3A_136 : vector<16xi1>, vector<16xf32>
      %select_n3A_138 = arith.select %eq3A_130, %broadcast_in_dim3A_131, %select_n3A_137 : vector<16xi1>, vector<16xf32>
      %select_n3A_139 = arith.select %eq3A_127, %broadcast_in_dim3A_76, %select_n3A_138 : vector<16xi1>, vector<16xf32>
      %swap3A = arith.constant 0 : index
      %swap3A_140 = tpu.vector_load %arg20[%swap3A] {strides = array<i32>} : memref<16xf32, #tpu.memory_space<vmem>>, vector<16xf32>,
      tpu.vector_store %arg20[%swap3A], %select_n3A_139 {strides = array<i32>} : memref<16xf32, #tpu.memory_space<vmem>>, vector<16xf32>,
      "tpu.region"() ({
        %run_scoped3A = tpu.sem_alloc : memref<!tpu.dma_semaphore, #tpu.memory_space<semaphore_mem>>
        %dma_start3A = arith.constant 0 : i32
        %dma_start3A_143 = tpu.memref_slice %arg25[%arg1, %dma_start3A] : memref<16x16xf32, #tpu.memory_space<vmem_shared>> -> memref<1x16xf32, #tpu.memory_space<vmem_shared>>
        %dma_start3A_144 = tpu.memref_squeeze %dma_start3A_143 : memref<1x16xf32, #tpu.memory_space<vmem_shared>> -> memref<16xf32, #tpu.memory_space<vmem_shared>>
        %dma_start3A_145 = arith.constant 0 : i32
        %dma_start3A_146 = tpu.memref_slice %arg25[%arg1, %dma_start3A_145] : memref<16x16xf32, #tpu.memory_space<vmem_shared>> -> memref<1x16xf32, #tpu.memory_space<vmem_shared>>
        %dma_start3A_147 = tpu.memref_squeeze %dma_start3A_146 : memref<1x16xf32, #tpu.memory_space<vmem_shared>> -> memref<16xf32, #tpu.memory_space<vmem_shared>>
        tpu.enqueue_dma source(%arg20 : memref<16xf32, #tpu.memory_space<vmem>>) target(%dma_start3A_147 : memref<16xf32, #tpu.memory_space<vmem_shared>>) target_semaphore(%run_scoped3A : memref<!tpu.dma_semaphore, #tpu.memory_space<semaphore_mem>>)
        %dma_wait3A = arith.constant 0 : i32
        %dma_wait3A_148 = tpu.memref_slice %arg25[%arg1, %dma_wait3A] : memref<16x16xf32, #tpu.memory_space<vmem_shared>> -> memref<1x16xf32, #tpu.memory_space<vmem_shared>>
        %dma_wait3A_149 = tpu.memref_squeeze %dma_wait3A_148 : memref<1x16xf32, #tpu.memory_space<vmem_shared>> -> memref<16xf32, #tpu.memory_space<vmem_shared>>
        %dma_wait3A_150 = arith.constant 0 : i32
        %dma_wait3A_151 = tpu.memref_slice %arg25[%arg1, %dma_wait3A_150] : memref<16x16xf32, #tpu.memory_space<vmem_shared>> -> memref<1x16xf32, #tpu.memory_space<vmem_shared>>
        %dma_wait3A_152 = tpu.memref_squeeze %dma_wait3A_151 : memref<1x16xf32, #tpu.memory_space<vmem_shared>> -> memref<16xf32, #tpu.memory_space<vmem_shared>>
        tpu.wait_dma2 semaphore(%run_scoped3A : memref<!tpu.dma_semaphore, #tpu.memory_space<semaphore_mem>>) src(%arg20 : memref<16xf32, #tpu.memory_space<vmem>>) dst(%dma_wait3A_152 : memref<16xf32, #tpu.memory_space<vmem_shared>>)
        tpu.yield
      }) : () -> ()
      %swap3A_141 = arith.constant 0 : index
      %swap3A_142 = tpu.vector_load %arg17[%swap3A_141] {strides = array<i32>} : memref<16xi32, #tpu.memory_space<vmem>>, vector<16xi32>,
      tpu.vector_store %arg17[%swap3A_141], %broadcast_in_dim3A_111 {strides = array<i32>} : memref<16xi32, #tpu.memory_space<vmem>>, vector<16xi32>,
      "tpu.region"() ({
        %run_scoped3A = tpu.sem_alloc : memref<!tpu.dma_semaphore, #tpu.memory_space<semaphore_mem>>
        %dma_start3A = arith.constant 0 : i32
        %dma_start3A_143 = tpu.memref_slice %arg26[%arg1, %dma_start3A] : memref<16x16xi32, #tpu.memory_space<vmem_shared>> -> memref<1x16xi32, #tpu.memory_space<vmem_shared>>
        %dma_start3A_144 = tpu.memref_squeeze %dma_start3A_143 : memref<1x16xi32, #tpu.memory_space<vmem_shared>> -> memref<16xi32, #tpu.memory_space<vmem_shared>>
        %dma_start3A_145 = arith.constant 0 : i32
        %dma_start3A_146 = tpu.memref_slice %arg26[%arg1, %dma_start3A_145] : memref<16x16xi32, #tpu.memory_space<vmem_shared>> -> memref<1x16xi32, #tpu.memory_space<vmem_shared>>
        %dma_start3A_147 = tpu.memref_squeeze %dma_start3A_146 : memref<1x16xi32, #tpu.memory_space<vmem_shared>> -> memref<16xi32, #tpu.memory_space<vmem_shared>>
        tpu.enqueue_dma source(%arg17 : memref<16xi32, #tpu.memory_space<vmem>>) target(%dma_start3A_147 : memref<16xi32, #tpu.memory_space<vmem_shared>>) target_semaphore(%run_scoped3A : memref<!tpu.dma_semaphore, #tpu.memory_space<semaphore_mem>>)
        %dma_wait3A = arith.constant 0 : i32
        %dma_wait3A_148 = tpu.memref_slice %arg26[%arg1, %dma_wait3A] : memref<16x16xi32, #tpu.memory_space<vmem_shared>> -> memref<1x16xi32, #tpu.memory_space<vmem_shared>>
        %dma_wait3A_149 = tpu.memref_squeeze %dma_wait3A_148 : memref<1x16xi32, #tpu.memory_space<vmem_shared>> -> memref<16xi32, #tpu.memory_space<vmem_shared>>
        %dma_wait3A_150 = arith.constant 0 : i32
        %dma_wait3A_151 = tpu.memref_slice %arg26[%arg1, %dma_wait3A_150] : memref<16x16xi32, #tpu.memory_space<vmem_shared>> -> memref<1x16xi32, #tpu.memory_space<vmem_shared>>
        %dma_wait3A_152 = tpu.memref_squeeze %dma_wait3A_151 : memref<1x16xi32, #tpu.memory_space<vmem_shared>> -> memref<16xi32, #tpu.memory_space<vmem_shared>>
        tpu.wait_dma2 semaphore(%run_scoped3A : memref<!tpu.dma_semaphore, #tpu.memory_space<semaphore_mem>>) src(%arg17 : memref<16xi32, #tpu.memory_space<vmem>>) dst(%dma_wait3A_152 : memref<16xi32, #tpu.memory_space<vmem_shared>>)
        tpu.yield
      }) : () -> ()
    } else {
    }
    %barrier3A_16 = arith.constant 0 : index
    tpu.barrier barrier_id(%barrier3A_16)
    %eq3A_17 = arith.constant 0 : i32
    %eq3A_18 = arith.cmpi eq, %arg1, %eq3A_17 : i32
    %and3A_19 = arith.andi %eq3A_0, %eq3A_18 : i1
    %convert_element_type3A_20 = arith.extui %and3A_19 : i1 to i32
    %cond3A_21 = arith.constant 2147483647 : i32
    %cond3A_22 = arith.constant 0 : i32
    %cond3A_23 = arith.cmpi ne, %convert_element_type3A_20, %cond3A_22 : i32
    scf.if %cond3A_23 {
      "tpu.region"() ({
        %run_scoped3A = tpu.sem_alloc : memref<!tpu.dma_semaphore, #tpu.memory_space<semaphore_mem>>
        tpu.enqueue_dma source(%arg25 : memref<16x16xf32, #tpu.memory_space<vmem_shared>>) target(%arg22 : memref<16x16xf32, #tpu.memory_space<vmem>>) target_semaphore(%run_scoped3A : memref<!tpu.dma_semaphore, #tpu.memory_space<semaphore_mem>>)
        tpu.wait_dma2 semaphore(%run_scoped3A : memref<!tpu.dma_semaphore, #tpu.memory_space<semaphore_mem>>) src(%arg25 : memref<16x16xf32, #tpu.memory_space<vmem_shared>>) dst(%arg22 : memref<16x16xf32, #tpu.memory_space<vmem>>)
        tpu.yield
      }) : () -> ()
      "tpu.region"() ({
        %run_scoped3A = tpu.sem_alloc : memref<!tpu.dma_semaphore, #tpu.memory_space<semaphore_mem>>
        tpu.enqueue_dma source(%arg26 : memref<16x16xi32, #tpu.memory_space<vmem_shared>>) target(%arg21 : memref<16x16xi32, #tpu.memory_space<vmem>>) target_semaphore(%run_scoped3A : memref<!tpu.dma_semaphore, #tpu.memory_space<semaphore_mem>>)
        tpu.wait_dma2 semaphore(%run_scoped3A : memref<!tpu.dma_semaphore, #tpu.memory_space<semaphore_mem>>) src(%arg26 : memref<16x16xi32, #tpu.memory_space<vmem_shared>>) dst(%arg21 : memref<16x16xi32, #tpu.memory_space<vmem>>)
        tpu.yield
      }) : () -> ()
      %broadcast_in_dim3A = arith.constant 0 : i32
      %broadcast_in_dim3A_24 = vector.broadcast %broadcast_in_dim3A : i32 to vector<16xi32>
      %gather3A = tpu.vector_load_idx %arg22[%iota3A, %broadcast_in_dim3A_24] : memref<16x16xf32, #tpu.memory_space<vmem>>[vector<16xi32>, vector<16xi32>], vector<16xf32>,
      %add3A = arith.constant 1 : i32
      %add3A_25 = vector.broadcast %add3A : i32 to vector<16xi32>
      %add3A_26 = arith.addi %broadcast_in_dim3A_24, %add3A_25 : vector<16xi32>
      %gather3A_27 = tpu.vector_load_idx %arg22[%iota3A, %add3A_26] : memref<16x16xf32, #tpu.memory_space<vmem>>[vector<16xi32>, vector<16xi32>], vector<16xf32>,
      %add3A_28 = arith.constant 2 : i32
      %add3A_29 = vector.broadcast %add3A_28 : i32 to vector<16xi32>
      %add3A_30 = arith.addi %broadcast_in_dim3A_24, %add3A_29 : vector<16xi32>
      %gather3A_31 = tpu.vector_load_idx %arg22[%iota3A, %add3A_30] : memref<16x16xf32, #tpu.memory_space<vmem>>[vector<16xi32>, vector<16xi32>], vector<16xf32>,
      %add3A_32 = arith.constant 3 : i32
      %add3A_33 = vector.broadcast %add3A_32 : i32 to vector<16xi32>
      %add3A_34 = arith.addi %broadcast_in_dim3A_24, %add3A_33 : vector<16xi32>
      %gather3A_35 = tpu.vector_load_idx %arg22[%iota3A, %add3A_34] : memref<16x16xf32, #tpu.memory_space<vmem>>[vector<16xi32>, vector<16xi32>], vector<16xf32>,
      %gather3A_36 = tpu.vector_load_idx %arg21[%iota3A, %broadcast_in_dim3A_24] : memref<16x16xi32, #tpu.memory_space<vmem>>[vector<16xi32>, vector<16xi32>], vector<16xi32>,
      %reduce_max3A = arith.constant true
      %reduce_max3A_37 = vector.broadcast %reduce_max3A : i1 to vector<16xi1>
      %reduce_max3A_38 = tpu.scan <max>, %gather3A masked %reduce_max3A_37 : vector<16xf32>, vector<16xi1> -> vector<16xf32>
      %reduce_max3A_39 = vector.extract %reduce_max3A_38[15] : f32 from vector<16xf32>
      %broadcast_in_dim3A_40 = vector.broadcast %reduce_max3A_39 : f32 to vector<16xf32>
      %sub3A = arith.subf %gather3A, %broadcast_in_dim3A_40 : vector<16xf32>
      %exp3A = math.exp %sub3A : vector<16xf32>
      %mul3A = arith.mulf %gather3A_27, %exp3A : vector<16xf32>
      %reduce_sum3A = arith.constant true
      %reduce_sum3A_41 = vector.broadcast %reduce_sum3A : i1 to vector<16xi1>
      %reduce_sum3A_42 = tpu.scan <sum>, %mul3A masked %reduce_sum3A_41 : vector<16xf32>, vector<16xi1> -> vector<16xf32>
      %reduce_sum3A_43 = vector.extract %reduce_sum3A_42[15] : f32 from vector<16xf32>
      %reduce_max3A_44 = arith.constant true
      %reduce_max3A_45 = vector.broadcast %reduce_max3A_44 : i1 to vector<16xi1>
      %reduce_max3A_46 = tpu.scan <max>, %gather3A_31 masked %reduce_max3A_45 : vector<16xf32>, vector<16xi1> -> vector<16xf32>
      %reduce_max3A_47 = vector.extract %reduce_max3A_46[15] : f32 from vector<16xf32>
      %broadcast_in_dim3A_48 = vector.broadcast %reduce_max3A_47 : f32 to vector<16xf32>
      %eq3A_49 = arith.cmpf oeq, %gather3A_31, %broadcast_in_dim3A_48 : vector<16xf32>
      %broadcast_in_dim3A_50 = vector.broadcast %cond3A_21 : i32 to vector<16xi32>
      %select_n3A = arith.select %eq3A_49, %gather3A_36, %broadcast_in_dim3A_50 : vector<16xi1>, vector<16xi32>
      %reduce_min3A = arith.constant true
      %reduce_min3A_51 = vector.broadcast %reduce_min3A : i1 to vector<16xi1>
      %reduce_min3A_52 = arith.constant -2147483648 : i32
      %reduce_min3A_53 = vector.broadcast %reduce_min3A_52 : i32 to vector<16xi32>
      %reduce_min3A_54 = arith.xori %select_n3A, %reduce_min3A_53 : vector<16xi32>
      %reduce_min3A_55 = tpu.scan <min>, %reduce_min3A_54 masked %reduce_min3A_51 : vector<16xi32>, vector<16xi1> -> vector<16xi32>
      %reduce_min3A_56 = arith.xori %reduce_min3A_55, %reduce_min3A_53 : vector<16xi32>
      %reduce_min3A_57 = vector.extract %reduce_min3A_56[15] : i32 from vector<16xi32>
      %broadcast_in_dim3A_58 = vector.broadcast %reduce_min3A_57 : i32 to vector<16xi32>
      %eq3A_59 = arith.cmpi eq, %gather3A_36, %broadcast_in_dim3A_58 : vector<16xi32>
      %and3A_60 = arith.andi %eq3A_49, %eq3A_59 : vector<16xi1>
      %jit3A = arith.constant 0xFF800000 : f32
      %broadcast_in_dim3A_61 = vector.broadcast %jit3A : f32 to vector<16xf32>
      %select_n3A_62 = arith.select %and3A_60, %gather3A_35, %broadcast_in_dim3A_61 : vector<16xi1>, vector<16xf32>
      %reduce_max3A_63 = arith.constant true
      %reduce_max3A_64 = vector.broadcast %reduce_max3A_63 : i1 to vector<16xi1>
      %reduce_max3A_65 = tpu.scan <max>, %select_n3A_62 masked %reduce_max3A_64 : vector<16xf32>, vector<16xi1> -> vector<16xf32>
      %reduce_max3A_66 = vector.extract %reduce_max3A_65[15] : f32 from vector<16xf32>
      %swap3A = arith.constant 0 : index
      %swap3A_67 = tpu.vector_load %arg18[%swap3A] {strides = array<i32>} : memref<16xi32, #tpu.memory_space<vmem>>, vector<16xi32>,
      tpu.vector_store %arg18[%swap3A], %broadcast_in_dim3A_58 {strides = array<i32>} : memref<16xi32, #tpu.memory_space<vmem>>, vector<16xi32>,
      %eq3A_68 = arith.constant 0 : i32
      %eq3A_69 = vector.broadcast %eq3A_68 : i32 to vector<16xi32>
      %eq3A_70 = arith.cmpi eq, %iota3A, %eq3A_69 : vector<16xi32>
      %broadcast_in_dim3A_71 = vector.broadcast %reduce_max3A_66 : f32 to vector<16xf32>
      %eq3A_72 = arith.constant 1 : i32
      %eq3A_73 = vector.broadcast %eq3A_72 : i32 to vector<16xi32>
      %eq3A_74 = arith.cmpi eq, %iota3A, %eq3A_73 : vector<16xi32>
      %broadcast_in_dim3A_75 = vector.broadcast %reduce_sum3A_43 : f32 to vector<16xf32>
      %select_n3A_76 = arith.select %eq3A_74, %broadcast_in_dim3A_40, %broadcast_in_dim3A_75 : vector<16xi1>, vector<16xf32>
      %select_n3A_77 = arith.select %eq3A_70, %broadcast_in_dim3A_71, %select_n3A_76 : vector<16xi1>, vector<16xf32>
      %swap3A_78 = arith.constant 0 : index
      %swap3A_79 = tpu.vector_load %arg19[%swap3A_78] {strides = array<i32>} : memref<16xf32, #tpu.memory_space<vmem>>, vector<16xf32>,
      tpu.vector_store %arg19[%swap3A_78], %select_n3A_77 {strides = array<i32>} : memref<16xf32, #tpu.memory_space<vmem>>, vector<16xf32>,
      "tpu.region"() ({
        %run_scoped3A = tpu.sem_alloc : memref<!tpu.dma_semaphore, #tpu.memory_space<semaphore_mem>>
        tpu.enqueue_dma source(%arg18 : memref<16xi32, #tpu.memory_space<vmem>>) target(%arg7 : memref<16xi32, #tpu.memory_space<hbm>>) target_semaphore(%run_scoped3A : memref<!tpu.dma_semaphore, #tpu.memory_space<semaphore_mem>>)
        tpu.wait_dma2 semaphore(%run_scoped3A : memref<!tpu.dma_semaphore, #tpu.memory_space<semaphore_mem>>) src(%arg18 : memref<16xi32, #tpu.memory_space<vmem>>) dst(%arg7 : memref<16xi32, #tpu.memory_space<hbm>>)
        tpu.yield
      }) : () -> ()
      "tpu.region"() ({
        %run_scoped3A = tpu.sem_alloc : memref<!tpu.dma_semaphore, #tpu.memory_space<semaphore_mem>>
        tpu.enqueue_dma source(%arg19 : memref<16xf32, #tpu.memory_space<vmem>>) target(%arg8 : memref<16xf32, #tpu.memory_space<hbm>>) target_semaphore(%run_scoped3A : memref<!tpu.dma_semaphore, #tpu.memory_space<semaphore_mem>>)
        tpu.wait_dma2 semaphore(%run_scoped3A : memref<!tpu.dma_semaphore, #tpu.memory_space<semaphore_mem>>) src(%arg19 : memref<16xf32, #tpu.memory_space<vmem>>) dst(%arg8 : memref<16xf32, #tpu.memory_space<hbm>>)
        tpu.yield
      }) : () -> ()
    } else {
    }
    return
  }
}

module attributes {stable_mosaic.version = 14 : i64} {
  func.func @_tc1_body(%arg0: i32, %arg1: memref<2000x128xf32, #tpu.memory_space<vmem>>, %arg2: memref<2000x128xf32, #tpu.memory_space<vmem>>, %arg3: memref<2000x128xf32, #tpu.memory_space<vmem>>, %arg4: memref<128x128xf32, #tpu.memory_space<vmem>>, %arg5: memref<1x128xf32, #tpu.memory_space<vmem>>, %arg6: memref<128x16xf32, #tpu.memory_space<vmem>>, %arg7: memref<128x16xf32, #tpu.memory_space<vmem>>, %arg8: memref<4000x8xf32, #tpu.memory_space<vmem>>, %arg9: memref<2000x128xf32, #tpu.memory_space<vmem>>, %arg10: memref<2000x16xf32, #tpu.memory_space<vmem>>, %arg11: memref<2000x16xf32, #tpu.memory_space<vmem>>, %arg12: memref<1x128xf32, #tpu.memory_space<vmem>>, %arg13: memref<4000x8xf32, #tpu.memory_space<vmem>>) attributes {dimension_semantics = [#tpu.dimension_semantics<arbitrary>], iteration_bounds = array<i64: 5>, scalar_prefetch = 0 : i64, scratch_operands = 0 : i64, tpu.core_type = #tpu.core_type<tc>, window_params = [{transform_indices = @transform_0, window_bounds = array<i64: 2000, 128>}, {transform_indices = @transform_1, window_bounds = array<i64: 2000, 128>}, {transform_indices = @transform_2, window_bounds = array<i64: 2000, 128>}, {pipeline_mode = #tpu.pipeline_mode<synchronous>, transform_indices = @transform_3, window_bounds = array<i64: 128, 128>}, {pipeline_mode = #tpu.pipeline_mode<synchronous>, transform_indices = @transform_4, window_bounds = array<i64: 1, 128>}, {pipeline_mode = #tpu.pipeline_mode<synchronous>, transform_indices = @transform_5, window_bounds = array<i64: 128, 16>}, {pipeline_mode = #tpu.pipeline_mode<synchronous>, transform_indices = @transform_6, window_bounds = array<i64: 128, 16>}, {transform_indices = @transform_7, window_bounds = array<i64: 4000, 8>}, {transform_indices = @transform_8, window_bounds = array<i64: 2000, 128>}, {transform_indices = @transform_9, window_bounds = array<i64: 2000, 16>}, {transform_indices = @transform_10, window_bounds = array<i64: 2000, 16>}, {pipeline_mode = #tpu.pipeline_mode<synchronous>, transform_indices = @transform_11, window_bounds = array<i64: 1, 128>}, {transform_indices = @transform_12, window_bounds = array<i64: 4000, 8>}]} {
    %get3A = arith.constant 0 : index
    %get3A_0 = arith.constant 0 : index
    %get3A_1 = vector.load %arg8[%get3A, %get3A_0] : memref<4000x8xf32, #tpu.memory_space<vmem>>, vector<4000x8xf32>
    %swap3A = arith.constant 0 : index
    %swap3A_2 = arith.constant 0 : index
    %swap3A_3 = vector.load %arg13[%swap3A, %swap3A_2] : memref<4000x8xf32, #tpu.memory_space<vmem>>, vector<4000x8xf32>
    tpu.vector_store %arg13[%swap3A, %swap3A_2], %get3A_1 {strides = array<i32>} : memref<4000x8xf32, #tpu.memory_space<vmem>>, vector<4000x8xf32>,
    %get3A_4 = arith.constant 0 : index
    %get3A_5 = arith.constant 0 : index
    %get3A_6 = vector.load %arg1[%get3A_4, %get3A_5] : memref<2000x128xf32, #tpu.memory_space<vmem>>, vector<2000x128xf32>
    %get3A_7 = arith.constant 0 : index
    %get3A_8 = arith.constant 0 : index
    %get3A_9 = vector.load %arg2[%get3A_7, %get3A_8] : memref<2000x128xf32, #tpu.memory_space<vmem>>, vector<2000x128xf32>
    %add3A = arith.addf %get3A_6, %get3A_9 : vector<2000x128xf32>
    %get3A_10 = arith.constant 0 : index
    %get3A_11 = arith.constant 0 : index
    %get3A_12 = vector.load %arg3[%get3A_10, %get3A_11] : memref<2000x128xf32, #tpu.memory_space<vmem>>, vector<2000x128xf32>
    %add3A_13 = arith.addf %add3A, %get3A_12 : vector<2000x128xf32>
    %get3A_14 = arith.constant 0 : index
    %get3A_15 = arith.constant 0 : index
    %get3A_16 = vector.load %arg4[%get3A_14, %get3A_15] : memref<128x128xf32, #tpu.memory_space<vmem>>, vector<128x128xf32>
    %dot_general3A = arith.constant dense<0.000000e+00> : vector<2000x128xf32>
    %dot_general3A_17 = tpu.matmul %add3A_13, %get3A_16, %dot_general3A {dimension_numbers = #tpu.dot_dimension_numbers<[1], [0], [0], [1], [0, 0, 1, 1], [], []>, transpose_lhs_hint = false} : vector<2000x128xf32>, vector<128x128xf32>, vector<2000x128xf32> -> vector<2000x128xf32>
    %get3A_18 = arith.constant 0 : index
    %get3A_19 = arith.constant 0 : index
    %get3A_20 = vector.load %arg5[%get3A_18, %get3A_19] : memref<1x128xf32, #tpu.memory_space<vmem>>, vector<1x128xf32>
    %add3A_21 = vector.broadcast %get3A_20 : vector<1x128xf32> to vector<2000x128xf32>
    %add3A_22 = arith.addf %dot_general3A_17, %add3A_21 : vector<2000x128xf32>
    %max3A = arith.constant 0.000000e+00 : f32
    %max3A_23 = vector.broadcast %max3A : f32 to vector<2000x128xf32>
    %max3A_24 = arith.maximumf %add3A_22, %max3A_23 : vector<2000x128xf32>
    %swap3A_25 = arith.constant 0 : index
    %swap3A_26 = arith.constant 0 : index
    %swap3A_27 = vector.load %arg9[%swap3A_25, %swap3A_26] : memref<2000x128xf32, #tpu.memory_space<vmem>>, vector<2000x128xf32>
    tpu.vector_store %arg9[%swap3A_25, %swap3A_26], %max3A_24 {strides = array<i32>} : memref<2000x128xf32, #tpu.memory_space<vmem>>, vector<2000x128xf32>,
    %get3A_28 = arith.constant 0 : index
    %get3A_29 = arith.constant 0 : index
    %get3A_30 = vector.load %arg6[%get3A_28, %get3A_29] : memref<128x16xf32, #tpu.memory_space<vmem>>, vector<128x16xf32>
    %dot_general3A_31 = arith.constant dense<0.000000e+00> : vector<2000x16xf32>
    %dot_general3A_32 = tpu.matmul %max3A_24, %get3A_30, %dot_general3A_31 {dimension_numbers = #tpu.dot_dimension_numbers<[1], [0], [0], [1], [0, 0, 1, 1], [], []>, transpose_lhs_hint = false} : vector<2000x128xf32>, vector<128x16xf32>, vector<2000x16xf32> -> vector<2000x16xf32>
    %swap3A_33 = arith.constant 0 : index
    %swap3A_34 = arith.constant 0 : index
    %swap3A_35 = vector.load %arg10[%swap3A_33, %swap3A_34] : memref<2000x16xf32, #tpu.memory_space<vmem>>, vector<2000x16xf32>
    tpu.vector_store %arg10[%swap3A_33, %swap3A_34], %dot_general3A_32 {strides = array<i32>} : memref<2000x16xf32, #tpu.memory_space<vmem>>, vector<2000x16xf32>,
    %get3A_36 = arith.constant 0 : index
    %get3A_37 = arith.constant 0 : index
    %get3A_38 = vector.load %arg7[%get3A_36, %get3A_37] : memref<128x16xf32, #tpu.memory_space<vmem>>, vector<128x16xf32>
    %dot_general3A_39 = arith.constant dense<0.000000e+00> : vector<2000x16xf32>
    %dot_general3A_40 = tpu.matmul %max3A_24, %get3A_38, %dot_general3A_39 {dimension_numbers = #tpu.dot_dimension_numbers<[1], [0], [0], [1], [0, 0, 1, 1], [], []>, transpose_lhs_hint = false} : vector<2000x128xf32>, vector<128x16xf32>, vector<2000x16xf32> -> vector<2000x16xf32>
    %swap3A_41 = arith.constant 0 : index
    %swap3A_42 = arith.constant 0 : index
    %swap3A_43 = vector.load %arg11[%swap3A_41, %swap3A_42] : memref<2000x16xf32, #tpu.memory_space<vmem>>, vector<2000x16xf32>
    tpu.vector_store %arg11[%swap3A_41, %swap3A_42], %dot_general3A_40 {strides = array<i32>} : memref<2000x16xf32, #tpu.memory_space<vmem>>, vector<2000x16xf32>,
    %reduce_sum3A = arith.constant dense<0.000000e+00> : vector<128xf32>
    %reduce_sum3A_44 = vector.multi_reduction <add>, %max3A_24, %reduce_sum3A [0] : vector<2000x128xf32> to vector<128xf32>
    %broadcast_in_dim3A = vector.shape_cast %reduce_sum3A_44 : vector<128xf32> to vector<1x128xf32>
    %eq3A = arith.constant 0 : i32
    %eq3A_45 = arith.cmpi eq, %arg0, %eq3A : i32
    %convert_element_type3A = arith.extui %eq3A_45 : i1 to i32
    %cond3A = arith.constant 0 : i32
    %cond3A_46 = arith.cmpi ne, %convert_element_type3A, %cond3A : i32
    scf.if %cond3A_46 {
      %swap3A_51 = arith.constant 0 : index
      %swap3A_52 = arith.constant 0 : index
      %swap3A_53 = vector.load %arg12[%swap3A_51, %swap3A_52] : memref<1x128xf32, #tpu.memory_space<vmem>>, vector<1x128xf32>
      tpu.vector_store %arg12[%swap3A_51, %swap3A_52], %broadcast_in_dim3A {strides = array<i32>} : memref<1x128xf32, #tpu.memory_space<vmem>>, vector<1x128xf32>,
    } else {
    }
    %ne3A = arith.constant 0 : i32
    %ne3A_47 = arith.cmpi ne, %arg0, %ne3A : i32
    %convert_element_type3A_48 = arith.extui %ne3A_47 : i1 to i32
    %cond3A_49 = arith.constant 0 : i32
    %cond3A_50 = arith.cmpi ne, %convert_element_type3A_48, %cond3A_49 : i32
    scf.if %cond3A_50 {
      %get3A_51 = arith.constant 0 : index
      %get3A_52 = arith.constant 0 : index
      %get3A_53 = vector.load %arg12[%get3A_51, %get3A_52] : memref<1x128xf32, #tpu.memory_space<vmem>>, vector<1x128xf32>
      %add3A_54 = arith.addf %get3A_53, %broadcast_in_dim3A : vector<1x128xf32>
      %swap3A_55 = arith.constant 0 : index
      %swap3A_56 = arith.constant 0 : index
      %swap3A_57 = vector.load %arg12[%swap3A_55, %swap3A_56] : memref<1x128xf32, #tpu.memory_space<vmem>>, vector<1x128xf32>
      tpu.vector_store %arg12[%swap3A_55, %swap3A_56], %add3A_54 {strides = array<i32>} : memref<1x128xf32, #tpu.memory_space<vmem>>, vector<1x128xf32>,
    } else {
    }
    return
  }
  func.func @transform_0(%arg0: i32) -> (i32, i32) {
    %c0_i32 = arith.constant 0 : i32
    %c0_i32_0 = arith.constant 0 : i32
    return %arg0, %c0_i32 : i32, i32
  }
  func.func @transform_1(%arg0: i32) -> (i32, i32) {
    %c0_i32 = arith.constant 0 : i32
    %c0_i32_0 = arith.constant 0 : i32
    return %arg0, %c0_i32 : i32, i32
  }
  func.func @transform_2(%arg0: i32) -> (i32, i32) {
    %add3A = arith.constant 5 : i32
    %add3A_0 = arith.addi %arg0, %add3A : i32
    %c0_i32 = arith.constant 0 : i32
    %c0_i32_1 = arith.constant 0 : i32
    return %add3A_0, %c0_i32 : i32, i32
  }
  func.func @transform_3(%arg0: i32) -> (i32, i32) {
    %c0_i32 = arith.constant 0 : i32
    %c0_i32_0 = arith.constant 0 : i32
    %c0_i32_1 = arith.constant 0 : i32
    return %c0_i32, %c0_i32_0 : i32, i32
  }
  func.func @transform_4(%arg0: i32) -> (i32, i32) {
    %c0_i32 = arith.constant 0 : i32
    %c0_i32_0 = arith.constant 0 : i32
    %c0_i32_1 = arith.constant 0 : i32
    return %c0_i32, %c0_i32_0 : i32, i32
  }
  func.func @transform_5(%arg0: i32) -> (i32, i32) {
    %c0_i32 = arith.constant 0 : i32
    %c0_i32_0 = arith.constant 0 : i32
    %c0_i32_1 = arith.constant 0 : i32
    return %c0_i32, %c0_i32_0 : i32, i32
  }
  func.func @transform_6(%arg0: i32) -> (i32, i32) {
    %c0_i32 = arith.constant 0 : i32
    %c0_i32_0 = arith.constant 0 : i32
    %c0_i32_1 = arith.constant 0 : i32
    return %c0_i32, %c0_i32_0 : i32, i32
  }
  func.func @transform_7(%arg0: i32) -> (i32, i32) {
    %c0_i32 = arith.constant 0 : i32
    %c0_i32_0 = arith.constant 0 : i32
    return %arg0, %c0_i32 : i32, i32
  }
  func.func @transform_8(%arg0: i32) -> (i32, i32) {
    %c0_i32 = arith.constant 0 : i32
    %c0_i32_0 = arith.constant 0 : i32
    return %arg0, %c0_i32 : i32, i32
  }
  func.func @transform_9(%arg0: i32) -> (i32, i32) {
    %c0_i32 = arith.constant 0 : i32
    %c0_i32_0 = arith.constant 0 : i32
    return %arg0, %c0_i32 : i32, i32
  }
  func.func @transform_10(%arg0: i32) -> (i32, i32) {
    %c0_i32 = arith.constant 0 : i32
    %c0_i32_0 = arith.constant 0 : i32
    return %arg0, %c0_i32 : i32, i32
  }
  func.func @transform_11(%arg0: i32) -> (i32, i32) {
    %c0_i32 = arith.constant 0 : i32
    %c0_i32_0 = arith.constant 0 : i32
    %c0_i32_1 = arith.constant 0 : i32
    return %c0_i32, %c0_i32_0 : i32, i32
  }
  func.func @transform_12(%arg0: i32) -> (i32, i32) {
    %c0_i32 = arith.constant 0 : i32
    %c0_i32_0 = arith.constant 0 : i32
    return %arg0, %c0_i32 : i32, i32
  }
}

module attributes {stable_mosaic.version = 14 : i64} {
  func.func @_tc3_body(%arg0: memref<1250x128xf32, #tpu.memory_space<vmem>>, %arg1: memref<10000x128xf32, #tpu.memory_space<vmem>>, %arg2: memref<1x128xf32, #tpu.memory_space<vmem>>, %arg3: memref<1xi32, #tpu.memory_space<smem>>, %arg4: memref<1xi32, #tpu.memory_space<smem>>, %arg5: memref<128x128xf32, #tpu.memory_space<vmem>>, %arg6: memref<128x128xf32, #tpu.memory_space<vmem>>, %arg7: memref<128x128xf32, #tpu.memory_space<vmem>>, %arg8: memref<1x128xf32, #tpu.memory_space<vmem>>, %arg9: memref<128x8xf32, #tpu.memory_space<vmem>>, %arg10: memref<1x8xf32, #tpu.memory_space<vmem>>, %arg11: memref<1250x8xf32, #tpu.memory_space<vmem>>) attributes {dimension_semantics = [], scalar_prefetch = 0 : i64, scratch_operands = 0 : i64, tpu.core_type = #tpu.core_type<tc>} {
    %get3A = arith.constant 0 : index
    %get3A_0 = memref.load %arg3[%get3A] : memref<1xi32, #tpu.memory_space<smem>>
    %get3A_1 = arith.constant 0 : index
    %get3A_2 = memref.load %arg4[%get3A_1] : memref<1xi32, #tpu.memory_space<smem>>
    %get3A_3 = arith.index_cast %get3A_0 : i32 to index
    %get3A_4 = arith.constant 0 : index
    %get3A_5 = vector.load %arg1[%get3A_3, %get3A_4] : memref<10000x128xf32, #tpu.memory_space<vmem>>, vector<1x128xf32>
    %get3A_6 = arith.index_cast %get3A_2 : i32 to index
    %get3A_7 = arith.constant 0 : index
    %get3A_8 = vector.load %arg1[%get3A_6, %get3A_7] : memref<10000x128xf32, #tpu.memory_space<vmem>>, vector<1x128xf32>
    %get3A_9 = arith.constant 0 : index
    %get3A_10 = arith.constant 0 : index
    %get3A_11 = vector.load %arg2[%get3A_9, %get3A_10] : memref<1x128xf32, #tpu.memory_space<vmem>>, vector<1x128xf32>
    %div3A = arith.constant 1.000000e+04 : f32
    %div3A_12 = vector.broadcast %div3A : f32 to vector<1x128xf32>
    %div3A_13 = arith.divf %get3A_11, %div3A_12 : vector<1x128xf32>
    %get3A_14 = arith.constant 0 : index
    %get3A_15 = arith.constant 0 : index
    %get3A_16 = vector.load %arg5[%get3A_14, %get3A_15] : memref<128x128xf32, #tpu.memory_space<vmem>>, vector<128x128xf32>
    %dot_general3A = arith.constant dense<0.000000e+00> : vector<1x128xf32>
    %dot_general3A_17 = tpu.matmul %div3A_13, %get3A_16, %dot_general3A {dimension_numbers = #tpu.dot_dimension_numbers<[1], [0], [0], [1], [0, 0, 1, 1], [], []>, transpose_lhs_hint = false} : vector<1x128xf32>, vector<128x128xf32>, vector<1x128xf32> -> vector<1x128xf32>
    %add3A = arith.addf %get3A_5, %get3A_8 : vector<1x128xf32>
    %get3A_18 = arith.constant 0 : index
    %get3A_19 = arith.constant 0 : index
    %get3A_20 = vector.load %arg6[%get3A_18, %get3A_19] : memref<128x128xf32, #tpu.memory_space<vmem>>, vector<128x128xf32>
    %dot_general3A_21 = arith.constant dense<0.000000e+00> : vector<1x128xf32>
    %dot_general3A_22 = tpu.matmul %add3A, %get3A_20, %dot_general3A_21 {dimension_numbers = #tpu.dot_dimension_numbers<[1], [0], [0], [1], [0, 0, 1, 1], [], []>, transpose_lhs_hint = false} : vector<1x128xf32>, vector<128x128xf32>, vector<1x128xf32> -> vector<1x128xf32>
    %add3A_23 = arith.addf %dot_general3A_17, %dot_general3A_22 : vector<1x128xf32>
    %get3A_24 = arith.constant 0 : index
    %get3A_25 = arith.constant 0 : index
    %get3A_26 = vector.load %arg7[%get3A_24, %get3A_25] : memref<128x128xf32, #tpu.memory_space<vmem>>, vector<128x128xf32>
    %dot_general3A_27 = arith.constant dense<0.000000e+00> : vector<1x128xf32>
    %dot_general3A_28 = tpu.matmul %get3A_5, %get3A_26, %dot_general3A_27 {dimension_numbers = #tpu.dot_dimension_numbers<[1], [0], [0], [1], [0, 0, 1, 1], [], []>, transpose_lhs_hint = false} : vector<1x128xf32>, vector<128x128xf32>, vector<1x128xf32> -> vector<1x128xf32>
    %add3A_29 = arith.addf %add3A_23, %dot_general3A_28 : vector<1x128xf32>
    %get3A_30 = arith.constant 0 : index
    %get3A_31 = arith.constant 0 : index
    %get3A_32 = vector.load %arg8[%get3A_30, %get3A_31] : memref<1x128xf32, #tpu.memory_space<vmem>>, vector<1x128xf32>
    %add3A_33 = arith.addf %add3A_29, %get3A_32 : vector<1x128xf32>
    %get3A_34 = arith.constant 0 : index
    %get3A_35 = arith.constant 0 : index
    %get3A_36 = vector.load %arg0[%get3A_34, %get3A_35] : memref<1250x128xf32, #tpu.memory_space<vmem>>, vector<1250x128xf32>
    %add3A_37 = vector.broadcast %add3A_33 : vector<1x128xf32> to vector<1250x128xf32>
    %add3A_38 = arith.addf %get3A_36, %add3A_37 : vector<1250x128xf32>
    %logistic3A = arith.negf %add3A_38 : vector<1250x128xf32>
    %logistic3A_39 = math.exp %logistic3A : vector<1250x128xf32>
    %logistic3A_40 = arith.constant 1.000000e+00 : f32
    %logistic3A_41 = vector.broadcast %logistic3A_40 : f32 to vector<1250x128xf32>
    %logistic3A_42 = arith.addf %logistic3A_41, %logistic3A_39 : vector<1250x128xf32>
    %logistic3A_43 = arith.divf %logistic3A_41, %logistic3A_42 : vector<1250x128xf32>
    %get3A_44 = arith.constant 0 : index
    %get3A_45 = arith.constant 0 : index
    %get3A_46 = vector.load %arg9[%get3A_44, %get3A_45] : memref<128x8xf32, #tpu.memory_space<vmem>>, vector<128x8xf32>
    %dot_general3A_47 = arith.constant dense<0.000000e+00> : vector<1250x8xf32>
    %dot_general3A_48 = tpu.matmul %logistic3A_43, %get3A_46, %dot_general3A_47 {dimension_numbers = #tpu.dot_dimension_numbers<[1], [0], [0], [1], [0, 0, 1, 1], [], []>, transpose_lhs_hint = false} : vector<1250x128xf32>, vector<128x8xf32>, vector<1250x8xf32> -> vector<1250x8xf32>
    %get3A_49 = arith.constant 0 : index
    %get3A_50 = arith.constant 0 : index
    %get3A_51 = vector.load %arg10[%get3A_49, %get3A_50] : memref<1x8xf32, #tpu.memory_space<vmem>>, vector<1x8xf32>
    %add3A_52 = vector.broadcast %get3A_51 : vector<1x8xf32> to vector<1250x8xf32>
    %add3A_53 = arith.addf %dot_general3A_48, %add3A_52 : vector<1250x8xf32>
    %swap3A = arith.constant 0 : index
    %swap3A_54 = arith.constant 0 : index
    %swap3A_55 = vector.load %arg11[%swap3A, %swap3A_54] : memref<1250x8xf32, #tpu.memory_space<vmem>>, vector<1250x8xf32>
    tpu.vector_store %arg11[%swap3A, %swap3A_54], %add3A_53 {strides = array<i32>} : memref<1250x8xf32, #tpu.memory_space<vmem>>, vector<1250x8xf32>,
    return
  }
}

module attributes {stable_mosaic.version = 14 : i64} {
  func.func @_tc2_body(%arg0: i32, %arg1: memref<2000x128xf32, #tpu.memory_space<vmem>>, %arg2: memref<2000x128xf32, #tpu.memory_space<vmem>>, %arg3: memref<2000x8xf32, #tpu.memory_space<vmem>>, %arg4: memref<2000x8xi32, #tpu.memory_space<vmem>>, %arg5: memref<2000x8xi32, #tpu.memory_space<vmem>>, %arg6: memref<1x128xf32, #tpu.memory_space<vmem>>, %arg7: memref<128x128xf32, #tpu.memory_space<vmem>>, %arg8: memref<1x128xf32, #tpu.memory_space<vmem>>, %arg9: memref<128x8xf32, #tpu.memory_space<vmem>>, %arg10: memref<1x8xf32, #tpu.memory_space<vmem>>, %arg11: memref<1xi32, #tpu.memory_space<smem>>, %arg12: memref<1xi32, #tpu.memory_space<smem>>, %arg13: memref<1xi32, #tpu.memory_space<smem>>, %arg14: memref<1xf32, #tpu.memory_space<smem>>, %arg15: memref<1xf32, #tpu.memory_space<smem>>, %arg16: memref<1xf32, #tpu.memory_space<smem>>, %arg17: memref<1xf32, #tpu.memory_space<smem>>, %arg18: memref<1xf32, #tpu.memory_space<smem>>, %arg19: memref<1xi32, #tpu.memory_space<smem>>, %arg20: memref<1xi32, #tpu.memory_space<smem>>, %arg21: memref<1xi32, #tpu.memory_space<smem>>) attributes {dimension_semantics = [#tpu.dimension_semantics<arbitrary>], iteration_bounds = array<i64: 10>, scalar_prefetch = 0 : i64, scratch_operands = 7 : i64, tpu.core_type = #tpu.core_type<tc>, window_params = [{transform_indices = @transform_0, window_bounds = array<i64: 2000, 128>}, {transform_indices = @transform_1, window_bounds = array<i64: 2000, 128>}, {transform_indices = @transform_2, window_bounds = array<i64: 2000, 8>}, {transform_indices = @transform_3, window_bounds = array<i64: 2000, 8>}, {transform_indices = @transform_4, window_bounds = array<i64: 2000, 8>}, {pipeline_mode = #tpu.pipeline_mode<synchronous>, transform_indices = @transform_5, window_bounds = array<i64: 1, 128>}, {pipeline_mode = #tpu.pipeline_mode<synchronous>, transform_indices = @transform_6, window_bounds = array<i64: 128, 128>}, {pipeline_mode = #tpu.pipeline_mode<synchronous>, transform_indices = @transform_7, window_bounds = array<i64: 1, 128>}, {pipeline_mode = #tpu.pipeline_mode<synchronous>, transform_indices = @transform_8, window_bounds = array<i64: 128, 8>}, {pipeline_mode = #tpu.pipeline_mode<synchronous>, transform_indices = @transform_9, window_bounds = array<i64: 1, 8>}, {transform_indices = @transform_10, window_bounds = array<i64: 1>}, {transform_indices = @transform_11, window_bounds = array<i64: 1>}, {transform_indices = @transform_12, window_bounds = array<i64: 1>}, {transform_indices = @transform_13, window_bounds = array<i64: 1>}]} {
    %eq3A = arith.constant 0 : i32
    %eq3A_0 = arith.cmpi eq, %arg0, %eq3A : i32
    %convert_element_type3A = arith.extui %eq3A_0 : i1 to i32
    %cond3A = arith.constant 0 : i32
    %cond3A_1 = arith.cmpi ne, %convert_element_type3A, %cond3A : i32
    scf.if %cond3A_1 {
      %swap3A_94 = arith.constant 0xFF800000 : f32
      %swap3A_95 = arith.constant 0 : index
      %swap3A_96 = memref.load %arg15[%swap3A_95] : memref<1xf32, #tpu.memory_space<smem>>
      memref.store %swap3A_94, %arg15[%swap3A_95] : memref<1xf32, #tpu.memory_space<smem>>
      %swap3A_97 = arith.constant 0.000000e+00 : f32
      %swap3A_98 = arith.constant 0 : index
      %swap3A_99 = memref.load %arg16[%swap3A_98] : memref<1xf32, #tpu.memory_space<smem>>
      memref.store %swap3A_97, %arg16[%swap3A_98] : memref<1xf32, #tpu.memory_space<smem>>
      %swap3A_100 = arith.constant 0xFF800000 : f32
      %swap3A_101 = arith.constant 0 : index
      %swap3A_102 = memref.load %arg17[%swap3A_101] : memref<1xf32, #tpu.memory_space<smem>>
      memref.store %swap3A_100, %arg17[%swap3A_101] : memref<1xf32, #tpu.memory_space<smem>>
      %swap3A_103 = arith.constant 0.000000e+00 : f32
      %swap3A_104 = arith.constant 0 : index
      %swap3A_105 = memref.load %arg18[%swap3A_104] : memref<1xf32, #tpu.memory_space<smem>>
      memref.store %swap3A_103, %arg18[%swap3A_104] : memref<1xf32, #tpu.memory_space<smem>>
      %swap3A_106 = arith.constant 0 : i32
      %swap3A_107 = arith.constant 0 : index
      %swap3A_108 = memref.load %arg19[%swap3A_107] : memref<1xi32, #tpu.memory_space<smem>>
      memref.store %swap3A_106, %arg19[%swap3A_107] : memref<1xi32, #tpu.memory_space<smem>>
      %swap3A_109 = arith.constant 0 : i32
      %swap3A_110 = arith.constant 0 : index
      %swap3A_111 = memref.load %arg20[%swap3A_110] : memref<1xi32, #tpu.memory_space<smem>>
      memref.store %swap3A_109, %arg20[%swap3A_110] : memref<1xi32, #tpu.memory_space<smem>>
      %swap3A_112 = arith.constant 0 : i32
      %swap3A_113 = arith.constant 0 : index
      %swap3A_114 = memref.load %arg21[%swap3A_113] : memref<1xi32, #tpu.memory_space<smem>>
      memref.store %swap3A_112, %arg21[%swap3A_113] : memref<1xi32, #tpu.memory_space<smem>>
    } else {
    }
    %get3A = arith.constant 0 : index
    %get3A_2 = arith.constant 0 : index
    %get3A_3 = vector.load %arg6[%get3A, %get3A_2] : memref<1x128xf32, #tpu.memory_space<vmem>>, vector<1x128xf32>
    %div3A = arith.constant 1.000000e+04 : f32
    %div3A_4 = vector.broadcast %div3A : f32 to vector<1x128xf32>
    %div3A_5 = arith.divf %get3A_3, %div3A_4 : vector<1x128xf32>
    %get3A_6 = arith.constant 0 : index
    %get3A_7 = arith.constant 0 : index
    %get3A_8 = vector.load %arg7[%get3A_6, %get3A_7] : memref<128x128xf32, #tpu.memory_space<vmem>>, vector<128x128xf32>
    %dot_general3A = arith.constant dense<0.000000e+00> : vector<1x128xf32>
    %dot_general3A_9 = tpu.matmul %div3A_5, %get3A_8, %dot_general3A {dimension_numbers = #tpu.dot_dimension_numbers<[1], [0], [0], [1], [0, 0, 1, 1], [], []>, transpose_lhs_hint = false} : vector<1x128xf32>, vector<128x128xf32>, vector<1x128xf32> -> vector<1x128xf32>
    %get3A_10 = arith.constant 0 : index
    %get3A_11 = arith.constant 0 : index
    %get3A_12 = vector.load %arg8[%get3A_10, %get3A_11] : memref<1x128xf32, #tpu.memory_space<vmem>>, vector<1x128xf32>
    %add3A = arith.addf %dot_general3A_9, %get3A_12 : vector<1x128xf32>
    %get3A_13 = arith.constant 0 : index
    %get3A_14 = arith.constant 0 : index
    %get3A_15 = vector.load %arg1[%get3A_13, %get3A_14] : memref<2000x128xf32, #tpu.memory_space<vmem>>, vector<2000x128xf32>
    %get3A_16 = arith.constant 0 : index
    %get3A_17 = arith.constant 0 : index
    %get3A_18 = vector.load %arg2[%get3A_16, %get3A_17] : memref<2000x128xf32, #tpu.memory_space<vmem>>, vector<2000x128xf32>
    %add3A_19 = arith.addf %get3A_15, %get3A_18 : vector<2000x128xf32>
    %add3A_20 = vector.broadcast %add3A : vector<1x128xf32> to vector<2000x128xf32>
    %add3A_21 = arith.addf %add3A_19, %add3A_20 : vector<2000x128xf32>
    %logistic3A = arith.negf %add3A_21 : vector<2000x128xf32>
    %logistic3A_22 = math.exp %logistic3A : vector<2000x128xf32>
    %logistic3A_23 = arith.constant 1.000000e+00 : f32
    %logistic3A_24 = vector.broadcast %logistic3A_23 : f32 to vector<2000x128xf32>
    %logistic3A_25 = arith.addf %logistic3A_24, %logistic3A_22 : vector<2000x128xf32>
    %logistic3A_26 = arith.divf %logistic3A_24, %logistic3A_25 : vector<2000x128xf32>
    %get3A_27 = arith.constant 0 : index
    %get3A_28 = arith.constant 0 : index
    %get3A_29 = vector.load %arg9[%get3A_27, %get3A_28] : memref<128x8xf32, #tpu.memory_space<vmem>>, vector<128x8xf32>
    %dot_general3A_30 = arith.constant dense<0.000000e+00> : vector<2000x8xf32>
    %dot_general3A_31 = tpu.matmul %logistic3A_26, %get3A_29, %dot_general3A_30 {dimension_numbers = #tpu.dot_dimension_numbers<[1], [0], [0], [1], [0, 0, 1, 1], [], []>, transpose_lhs_hint = false} : vector<2000x128xf32>, vector<128x8xf32>, vector<2000x8xf32> -> vector<2000x8xf32>
    %get3A_32 = arith.constant 0 : index
    %get3A_33 = arith.constant 0 : index
    %get3A_34 = vector.load %arg10[%get3A_32, %get3A_33] : memref<1x8xf32, #tpu.memory_space<vmem>>, vector<1x8xf32>
    %add3A_35 = vector.broadcast %get3A_34 : vector<1x8xf32> to vector<2000x8xf32>
    %add3A_36 = arith.addf %dot_general3A_31, %add3A_35 : vector<2000x8xf32>
    %get3A_37 = arith.constant 0 : index
    %get3A_38 = arith.constant 0 : index
    %get3A_39 = vector.load %arg3[%get3A_37, %get3A_38] : memref<2000x8xf32, #tpu.memory_space<vmem>>, vector<2000x8xf32>
    %add3A_40 = arith.addf %add3A_36, %get3A_39 : vector<2000x8xf32>
    %reduce_max3A = vector.shape_cast %add3A_40 : vector<2000x8xf32> to vector<1x2000x8xf32>
    %reduce_max3A_41 = arith.constant dense<0xFF800000> : vector<1xf32>
    %reduce_max3A_42 = vector.multi_reduction <maximumf>, %reduce_max3A, %reduce_max3A_41 [1, 2] : vector<1x2000x8xf32> to vector<1xf32>
    %reduce_max3A_43 = vector.shape_cast %reduce_max3A_42 : vector<1xf32> to vector<1x1x1xf32>
    %reduce_max3A_44 = vector.extract %reduce_max3A_43[0, 0, 0] : f32 from vector<1x1x1xf32>
    %reduce_max3A_45 = vector.shape_cast %add3A_36 : vector<2000x8xf32> to vector<1x2000x8xf32>
    %reduce_max3A_46 = arith.constant dense<0xFF800000> : vector<1xf32>
    %reduce_max3A_47 = vector.multi_reduction <maximumf>, %reduce_max3A_45, %reduce_max3A_46 [1, 2] : vector<1x2000x8xf32> to vector<1xf32>
    %reduce_max3A_48 = vector.shape_cast %reduce_max3A_47 : vector<1xf32> to vector<1x1x1xf32>
    %reduce_max3A_49 = vector.extract %reduce_max3A_48[0, 0, 0] : f32 from vector<1x1x1xf32>
    %get3A_50 = arith.constant 0 : index
    %get3A_51 = memref.load %arg15[%get3A_50] : memref<1xf32, #tpu.memory_space<smem>>
    %max3A = arith.maximumf %get3A_51, %reduce_max3A_49 : f32
    %get3A_52 = arith.constant 0 : index
    %get3A_53 = memref.load %arg16[%get3A_52] : memref<1xf32, #tpu.memory_space<smem>>
    %get3A_54 = arith.constant 0 : index
    %get3A_55 = memref.load %arg15[%get3A_54] : memref<1xf32, #tpu.memory_space<smem>>
    %sub3A = arith.subf %get3A_55, %max3A : f32
    %exp3A = math.exp %sub3A : f32
    %mul3A = arith.mulf %get3A_53, %exp3A : f32
    %sub3A_56 = vector.broadcast %max3A : f32 to vector<2000x8xf32>
    %sub3A_57 = arith.subf %add3A_36, %sub3A_56 : vector<2000x8xf32>
    %exp3A_58 = math.exp %sub3A_57 : vector<2000x8xf32>
    %reduce_sum3A = vector.shape_cast %exp3A_58 : vector<2000x8xf32> to vector<1x2000x8xf32>
    %reduce_sum3A_59 = arith.constant dense<0.000000e+00> : vector<1xf32>
    %reduce_sum3A_60 = vector.multi_reduction <add>, %reduce_sum3A, %reduce_sum3A_59 [1, 2] : vector<1x2000x8xf32> to vector<1xf32>
    %reduce_sum3A_61 = vector.shape_cast %reduce_sum3A_60 : vector<1xf32> to vector<1x1x1xf32>
    %reduce_sum3A_62 = vector.extract %reduce_sum3A_61[0, 0, 0] : f32 from vector<1x1x1xf32>
    %add3A_63 = arith.addf %mul3A, %reduce_sum3A_62 : f32
    %swap3A = arith.constant 0 : index
    %swap3A_64 = memref.load %arg16[%swap3A] : memref<1xf32, #tpu.memory_space<smem>>
    memref.store %add3A_63, %arg16[%swap3A] : memref<1xf32, #tpu.memory_space<smem>>
    %swap3A_65 = arith.constant 0 : index
    %swap3A_66 = memref.load %arg15[%swap3A_65] : memref<1xf32, #tpu.memory_space<smem>>
    memref.store %max3A, %arg15[%swap3A_65] : memref<1xf32, #tpu.memory_space<smem>>
    %get3A_67 = arith.constant 0 : index
    %get3A_68 = memref.load %arg17[%get3A_67] : memref<1xf32, #tpu.memory_space<smem>>
    %gt3A = arith.cmpf ogt, %reduce_max3A_44, %get3A_68 : f32
    %convert_element_type3A_69 = arith.extui %gt3A : i1 to i32
    %cond3A_70 = arith.constant 0 : i32
    %cond3A_71 = arith.cmpi ne, %convert_element_type3A_69, %cond3A_70 : i32
    scf.if %cond3A_71 {
      %iota3A = tpu.iota {dimensions = array<i32: 0>} : vector<2000x8xi32>
      %iota3A_94 = tpu.iota {dimensions = array<i32: 1>} : vector<2000x8xi32>
      %mul3A_95 = arith.constant 2000 : i32
      %mul3A_96 = arith.muli %arg0, %mul3A_95 : i32
      %add3A_97 = vector.broadcast %mul3A_96 : i32 to vector<2000x8xi32>
      %add3A_98 = arith.addi %add3A_97, %iota3A : vector<2000x8xi32>
      %mul3A_99 = arith.constant 8 : i32
      %mul3A_100 = vector.broadcast %mul3A_99 : i32 to vector<2000x8xi32>
      %mul3A_101 = arith.muli %add3A_98, %mul3A_100 : vector<2000x8xi32>
      %add3A_102 = arith.addi %mul3A_101, %iota3A_94 : vector<2000x8xi32>
      %eq3A_103 = vector.broadcast %reduce_max3A_44 : f32 to vector<2000x8xf32>
      %eq3A_104 = arith.cmpf oeq, %add3A_40, %eq3A_103 : vector<2000x8xf32>
      %jit3A = arith.constant 2147483647 : i32
      %broadcast_in_dim3A = vector.broadcast %jit3A : i32 to vector<2000x8xi32>
      %select_n3A = arith.select %eq3A_104, %add3A_102, %broadcast_in_dim3A : vector<2000x8xi1>, vector<2000x8xi32>
      %reduce_min3A = vector.shape_cast %select_n3A : vector<2000x8xi32> to vector<1x2000x8xi32>
      %reduce_min3A_105 = arith.constant dense<2147483647> : vector<1xi32>
      %reduce_min3A_106 = vector.multi_reduction <minsi>, %reduce_min3A, %reduce_min3A_105 [1, 2] : vector<1x2000x8xi32> to vector<1xi32>
      %reduce_min3A_107 = vector.shape_cast %reduce_min3A_106 : vector<1xi32> to vector<1x1x1xi32>
      %reduce_min3A_108 = vector.extract %reduce_min3A_107[0, 0, 0] : i32 from vector<1x1x1xi32>
      %eq3A_109 = vector.broadcast %reduce_min3A_108 : i32 to vector<2000x8xi32>
      %eq3A_110 = arith.cmpi eq, %add3A_102, %eq3A_109 : vector<2000x8xi32>
      %swap3A_111 = arith.constant 0 : index
      %swap3A_112 = memref.load %arg17[%swap3A_111] : memref<1xf32, #tpu.memory_space<smem>>
      memref.store %reduce_max3A_44, %arg17[%swap3A_111] : memref<1xf32, #tpu.memory_space<smem>>
      %swap3A_113 = arith.constant 0 : index
      %swap3A_114 = memref.load %arg19[%swap3A_113] : memref<1xi32, #tpu.memory_space<smem>>
      memref.store %reduce_min3A_108, %arg19[%swap3A_113] : memref<1xi32, #tpu.memory_space<smem>>
      %jit3A_115 = arith.constant 0xFF800000 : f32
      %broadcast_in_dim3A_116 = vector.broadcast %jit3A_115 : f32 to vector<2000x8xf32>
      %select_n3A_117 = arith.select %eq3A_110, %add3A_36, %broadcast_in_dim3A_116 : vector<2000x8xi1>, vector<2000x8xf32>
      %reduce_max3A_118 = vector.shape_cast %select_n3A_117 : vector<2000x8xf32> to vector<1x2000x8xf32>
      %reduce_max3A_119 = arith.constant dense<0xFF800000> : vector<1xf32>
      %reduce_max3A_120 = vector.multi_reduction <maximumf>, %reduce_max3A_118, %reduce_max3A_119 [1, 2] : vector<1x2000x8xf32> to vector<1xf32>
      %reduce_max3A_121 = vector.shape_cast %reduce_max3A_120 : vector<1xf32> to vector<1x1x1xf32>
      %reduce_max3A_122 = vector.extract %reduce_max3A_121[0, 0, 0] : f32 from vector<1x1x1xf32>
      %swap3A_123 = arith.constant 0 : index
      %swap3A_124 = memref.load %arg18[%swap3A_123] : memref<1xf32, #tpu.memory_space<smem>>
      memref.store %reduce_max3A_122, %arg18[%swap3A_123] : memref<1xf32, #tpu.memory_space<smem>>
      %get3A_125 = arith.constant 0 : index
      %get3A_126 = arith.constant 0 : index
      %get3A_127 = vector.load %arg4[%get3A_125, %get3A_126] : memref<2000x8xi32, #tpu.memory_space<vmem>>, vector<2000x8xi32>
      %jit3A_128 = arith.constant -1 : i32
      %broadcast_in_dim3A_129 = vector.broadcast %jit3A_128 : i32 to vector<2000x8xi32>
      %select_n3A_130 = arith.select %eq3A_110, %get3A_127, %broadcast_in_dim3A_129 : vector<2000x8xi1>, vector<2000x8xi32>
      %reduce_max3A_131 = vector.shape_cast %select_n3A_130 : vector<2000x8xi32> to vector<1x2000x8xi32>
      %reduce_max3A_132 = arith.constant dense<-2147483648> : vector<1xi32>
      %reduce_max3A_133 = vector.multi_reduction <maxsi>, %reduce_max3A_131, %reduce_max3A_132 [1, 2] : vector<1x2000x8xi32> to vector<1xi32>
      %reduce_max3A_134 = vector.shape_cast %reduce_max3A_133 : vector<1xi32> to vector<1x1x1xi32>
      %reduce_max3A_135 = vector.extract %reduce_max3A_134[0, 0, 0] : i32 from vector<1x1x1xi32>
      %swap3A_136 = arith.constant 0 : index
      %swap3A_137 = memref.load %arg20[%swap3A_136] : memref<1xi32, #tpu.memory_space<smem>>
      memref.store %reduce_max3A_135, %arg20[%swap3A_136] : memref<1xi32, #tpu.memory_space<smem>>
      %get3A_138 = arith.constant 0 : index
      %get3A_139 = arith.constant 0 : index
      %get3A_140 = vector.load %arg5[%get3A_138, %get3A_139] : memref<2000x8xi32, #tpu.memory_space<vmem>>, vector<2000x8xi32>
      %jit3A_141 = arith.constant -1 : i32
      %broadcast_in_dim3A_142 = vector.broadcast %jit3A_141 : i32 to vector<2000x8xi32>
      %select_n3A_143 = arith.select %eq3A_110, %get3A_140, %broadcast_in_dim3A_142 : vector<2000x8xi1>, vector<2000x8xi32>
      %reduce_max3A_144 = vector.shape_cast %select_n3A_143 : vector<2000x8xi32> to vector<1x2000x8xi32>
      %reduce_max3A_145 = arith.constant dense<-2147483648> : vector<1xi32>
      %reduce_max3A_146 = vector.multi_reduction <maxsi>, %reduce_max3A_144, %reduce_max3A_145 [1, 2] : vector<1x2000x8xi32> to vector<1xi32>
      %reduce_max3A_147 = vector.shape_cast %reduce_max3A_146 : vector<1xi32> to vector<1x1x1xi32>
      %reduce_max3A_148 = vector.extract %reduce_max3A_147[0, 0, 0] : i32 from vector<1x1x1xi32>
      %swap3A_149 = arith.constant 0 : index
      %swap3A_150 = memref.load %arg21[%swap3A_149] : memref<1xi32, #tpu.memory_space<smem>>
      memref.store %reduce_max3A_148, %arg21[%swap3A_149] : memref<1xi32, #tpu.memory_space<smem>>
    } else {
    }
    %get3A_72 = arith.constant 0 : index
    %get3A_73 = memref.load %arg19[%get3A_72] : memref<1xi32, #tpu.memory_space<smem>>
    %swap3A_74 = arith.constant 0 : index
    %swap3A_75 = memref.load %arg11[%swap3A_74] : memref<1xi32, #tpu.memory_space<smem>>
    memref.store %get3A_73, %arg11[%swap3A_74] : memref<1xi32, #tpu.memory_space<smem>>
    %get3A_76 = arith.constant 0 : index
    %get3A_77 = memref.load %arg21[%get3A_76] : memref<1xi32, #tpu.memory_space<smem>>
    %swap3A_78 = arith.constant 0 : index
    %swap3A_79 = memref.load %arg12[%swap3A_78] : memref<1xi32, #tpu.memory_space<smem>>
    memref.store %get3A_77, %arg12[%swap3A_78] : memref<1xi32, #tpu.memory_space<smem>>
    %get3A_80 = arith.constant 0 : index
    %get3A_81 = memref.load %arg20[%get3A_80] : memref<1xi32, #tpu.memory_space<smem>>
    %swap3A_82 = arith.constant 0 : index
    %swap3A_83 = memref.load %arg13[%swap3A_82] : memref<1xi32, #tpu.memory_space<smem>>
    memref.store %get3A_81, %arg13[%swap3A_82] : memref<1xi32, #tpu.memory_space<smem>>
    %get3A_84 = arith.constant 0 : index
    %get3A_85 = memref.load %arg18[%get3A_84] : memref<1xf32, #tpu.memory_space<smem>>
    %get3A_86 = arith.constant 0 : index
    %get3A_87 = memref.load %arg15[%get3A_86] : memref<1xf32, #tpu.memory_space<smem>>
    %sub3A_88 = arith.subf %get3A_85, %get3A_87 : f32
    %get3A_89 = arith.constant 0 : index
    %get3A_90 = memref.load %arg16[%get3A_89] : memref<1xf32, #tpu.memory_space<smem>>
    %log3A = math.log %get3A_90 : f32
    %sub3A_91 = arith.subf %sub3A_88, %log3A : f32
    %swap3A_92 = arith.constant 0 : index
    %swap3A_93 = memref.load %arg14[%swap3A_92] : memref<1xf32, #tpu.memory_space<smem>>
    memref.store %sub3A_91, %arg14[%swap3A_92] : memref<1xf32, #tpu.memory_space<smem>>
    return
  }
  func.func @transform_0(%arg0: i32) -> (i32, i32) {
    %c0_i32 = arith.constant 0 : i32
    %c0_i32_0 = arith.constant 0 : i32
    return %arg0, %c0_i32 : i32, i32
  }
  func.func @transform_1(%arg0: i32) -> (i32, i32) {
    %c0_i32 = arith.constant 0 : i32
    %c0_i32_0 = arith.constant 0 : i32
    return %arg0, %c0_i32 : i32, i32
  }
  func.func @transform_2(%arg0: i32) -> (i32, i32) {
    %c0_i32 = arith.constant 0 : i32
    %c0_i32_0 = arith.constant 0 : i32
    return %arg0, %c0_i32 : i32, i32
  }
  func.func @transform_3(%arg0: i32) -> (i32, i32) {
    %c0_i32 = arith.constant 0 : i32
    %c0_i32_0 = arith.constant 0 : i32
    return %arg0, %c0_i32 : i32, i32
  }
  func.func @transform_4(%arg0: i32) -> (i32, i32) {
    %c0_i32 = arith.constant 0 : i32
    %c0_i32_0 = arith.constant 0 : i32
    return %arg0, %c0_i32 : i32, i32
  }
  func.func @transform_5(%arg0: i32) -> (i32, i32) {
    %c0_i32 = arith.constant 0 : i32
    %c0_i32_0 = arith.constant 0 : i32
    %c0_i32_1 = arith.constant 0 : i32
    return %c0_i32, %c0_i32_0 : i32, i32
  }
  func.func @transform_6(%arg0: i32) -> (i32, i32) {
    %c0_i32 = arith.constant 0 : i32
    %c0_i32_0 = arith.constant 0 : i32
    %c0_i32_1 = arith.constant 0 : i32
    return %c0_i32, %c0_i32_0 : i32, i32
  }
  func.func @transform_7(%arg0: i32) -> (i32, i32) {
    %c0_i32 = arith.constant 0 : i32
    %c0_i32_0 = arith.constant 0 : i32
    %c0_i32_1 = arith.constant 0 : i32
    return %c0_i32, %c0_i32_0 : i32, i32
  }
  func.func @transform_8(%arg0: i32) -> (i32, i32) {
    %c0_i32 = arith.constant 0 : i32
    %c0_i32_0 = arith.constant 0 : i32
    %c0_i32_1 = arith.constant 0 : i32
    return %c0_i32, %c0_i32_0 : i32, i32
  }
  func.func @transform_9(%arg0: i32) -> (i32, i32) {
    %c0_i32 = arith.constant 0 : i32
    %c0_i32_0 = arith.constant 0 : i32
    %c0_i32_1 = arith.constant 0 : i32
    return %c0_i32, %c0_i32_0 : i32, i32
  }
  func.func @transform_10(%arg0: i32) -> i32 {
    %c0_i32 = arith.constant 0 : i32
    %c0_i32_0 = arith.constant 0 : i32
    return %c0_i32 : i32
  }
  func.func @transform_11(%arg0: i32) -> i32 {
    %c0_i32 = arith.constant 0 : i32
    %c0_i32_0 = arith.constant 0 : i32
    return %c0_i32 : i32
  }
  func.func @transform_12(%arg0: i32) -> i32 {
    %c0_i32 = arith.constant 0 : i32
    %c0_i32_0 = arith.constant 0 : i32
    return %c0_i32 : i32
  }
  func.func @transform_13(%arg0: i32) -> i32 {
    %c0_i32 = arith.constant 0 : i32
    %c0_i32_0 = arith.constant 0 : i32
    return %c0_i32 : i32
  }
}

</mosaic_0001>

<sc_bundles>
// kernel: kernel.11.cloned.1.call-start
scs
__scs_entry_jumppad:
0x0: {  	(pc) =	sbr.rel $0x88, $3  }
0x1: {  	(tag) =	ssettag $0x0;
	lr =	simm.s32 $0x1  }
0x2: {  	[smem:$0x3F95] =	sst lr;
	_ =	strace $0xD0000000  }
0x3: {  	_ = 	snop  }
0x4: {  	_ = 	snop  }
0x5: {  	_ = 	snop  }
0x6: {  	_ = 	snop  }
0x7: {  	_ = 	snop  }
__scs_overlays_trampoline_lowered:
0x8: {  	[smem:$0x3FA4] =	sst s0  }
0x9: {  	[smem:$0x3FA5] =	sst s1  }
0xa: {  	[smem:$0x3FA6] =	sst s2  }
0xb: {  	[smem:$0x3FA7] =	sst s3  }
0xc: {  	[smem:$0x3FA8] =	sst s4  }
0xd: {  	[smem:$0x3FA9] =	sst s5  }
0xe: {  	[smem:$0x3FAA] =	sst s6  }
0xf: {  	[smem:$0x3FAB] =	sst s7  }
0x10: {  	[smem:$0x3FAC] =	sst s8  }
0x11: {  	[smem:$0x3FAD] =	sst s9;
	s0 =	simm.s32 @!p0 $0x0  }
0x12: {  	s1 =	sld [smem:$0x3F93];
	s0 =	simm.s32 @p0 $0x1  }
0x13: {  	[smem:$0x3FAE] =	sst s0;
	s0 =	simm.s32 @!p1 $0x0  }
0x14: {  	s2 =	sld [smem:$0x3F92];
	s0 =	simm.s32 @p1 $0x1  }
0x15: {  	[smem:$0x3FAF] =	sst s0;
	s0 =	simm.s32 @!p2 $0x0  }
0x16: {  	s3 =	sld [smem:$0x3FDB];
	s0 =	simm.s32 @p2 $0x1  }
0x17: {  	s4 =	simm.s32 $0x1BF5;
	[smem:$0x3FB1] =	sst s0  }
0x18: {  	s0 =	sld [smem:$0x3F94];
	_ =	swait.ge [sflag:s4], $0x0  }
0x19: {  	s7 =	sld [smem:$0x3F95]  }
0x1a: {  	s8 =	sadd.s32 $0xFFFFE003, lr  }
0x1b: {  	s9 =	sadd.s32 $0xFFFFFEF7, lr;
	s5 =	simm.s32 $0xFFFFFFFF;
	p2 =	slt.u32 s8, $0xFFFFF086  }
0x1c: {  	p1 =	slt.u32 s9, $0xF7A;
	s5 =	simm.s32 @!p2 $0x0  }
0x1d: {  	s5 =	simm.s32 @p1 $0x1;
	p0 =	seq.s32 s7, s2  }
0x1e: {  	s7 =	smul.u32 @!p0 $0xF7A, s2;
	p2 =	seq.s32 @!p0 s5, $0x0  }
0x1f: {  	s9 =	smul.u32 $0xF7A, s1;
	s8 =	simm.s32 @!p0 $0x1BF5;
	p2 =	por !p2, p0  }
0x20: {  	[sflag:s8] =	ssyncset.s32 @!p0 $0xFFFFF086;
	s6 =	sadd.s32 @!p0 s3, s7;
	s7 =	simm.s32 @!p0 $0x108  }
0x21: {  	s3 =	sadd.s32 s3, s9;
	s6 =	sadd.s32 @!p0 $0x88, s6;
	s7 =	simm.s32 @p2 $0x1082  }
0x22: {  	[simem:s7], [sflag:s8] =	dma.local @!p0 [hbm:s6], $0xF7A  }
0x23: {  	s9 =	sor.u32 $0xD0000000, s2;
	s6 =	simm.s32 $0x108;
	_ =	swait.ge @!p0 [sflag:s8], $0x0  }
0x24: {  	s3 =	sadd.s32 $0x88, s3;
	s6 =	simm.s32 @!p1 $0x1082;
	[sflag:s4] =	ssyncset.s32 $0xFFFFF086  }
0x25: {  	[simem:s6], [sflag:s4] =	dma.local [hbm:s3], $0xF7A  }
0x26: {  	[smem:$0x3F95] =	sst s1;
	(tag) =	ssettag s2;
	_ =	strace s9  }
0x27: {  	s1 =	sld [smem:$0x3FA5]  }
0x28: {  	s2 =	sld [smem:$0x3FA6]  }
0x29: {  	s4 =	sld [smem:$0x3FA8]  }
0x2a: {  	p0 =	seq.s32 s5, $0x0;
	s5 =	sld [smem:$0x3FA9]  }
0x2b: {  	s6 =	sld [smem:$0x3FAA]  }
0x2c: {  	s7 =	sld [smem:$0x3FAB]  }
0x2d: {  	s3 =	simm.s32 $0x108;
	s8 =	sld [smem:$0x3FAC]  }
0x2e: {  	s3 =	simm.s32 @!p0 $0x1082;
	s9 =	sld [smem:$0x3FAD]  }
0x2f: {  	lr =	sadd.s32 s0, s3;
	s0 =	sld [smem:$0x3FA4]  }
0x30: {  	s3 =	sld [smem:$0x3FA7]  }
0x31: {  	[smem:$0x3FB0] =	sst s10  }
0x32: {  	s10 =	sld [smem:$0x3FAE];
	_ =	sdelay $0x3  }
0x33: {  	p0 =	seq.s32 s10, $0x1;
	s10 =	sld [smem:$0x3FB0];
	_ =	sdelay $0x3  }
0x34: {  	[smem:$0x3FB0] =	sst s10  }
0x35: {  	s10 =	sld [smem:$0x3FAF];
	_ =	sdelay $0x3  }
0x36: {  	p1 =	seq.s32 s10, $0x1;
	s10 =	sld [smem:$0x3FB0];
	_ =	sdelay $0x3  }
0x37: {  	[smem:$0x3FB0] =	sst s10  }
0x38: {  	s10 =	sld [smem:$0x3FB1]  }
0x39: {  	_ = 	snop;
	(pc) =	sbr.ind lr, $3  }
0x3a: {  	_ = 	snop  }
0x3b: {  	_ = 	snop  }
0x3c: {  	p2 =	seq.s32 s10, $0x1;
	s10 =	sld [smem:$0x3FB0]  }
0x3d: {  	_ =	shalt  }
0x3e: {  	_ =	shalt  }
0x3f: {  	_ =	shalt  }
0x40: {  	_ =	shalt  }
0x41: {  	_ =	shalt  }
0x42: {  	_ =	shalt  }
0x43: {  	_ =	shalt  }
0x44: {  	_ =	shalt  }
0x45: {  	_ =	shalt  }
0x46: {  	_ =	shalt  }
0x47: {  	_ =	shalt  }
0x48: {  	_ =	shalt  }
0x49: {  	_ =	shalt  }
0x4a: {  	_ =	shalt  }
0x4b: {  	_ =	shalt  }
0x4c: {  	_ =	shalt  }
0x4d: {  	_ =	shalt  }
0x4e: {  	_ =	shalt  }
0x4f: {  	_ =	shalt  }
0x50: {  	_ =	shalt  }
0x51: {  	_ =	shalt  }
0x52: {  	_ =	shalt  }
0x53: {  	_ =	shalt  }
0x54: {  	_ =	shalt  }
0x55: {  	_ =	shalt  }
0x56: {  	_ =	shalt  }
0x57: {  	_ =	shalt  }
0x58: {  	_ =	shalt  }
0x59: {  	_ =	shalt  }
0x5a: {  	_ =	shalt  }
0x5b: {  	_ =	shalt  }
0x5c: {  	_ =	shalt  }
0x5d: {  	_ =	shalt  }
0x5e: {  	_ =	shalt  }
0x5f: {  	_ =	shalt  }
0x60: {  	_ =	shalt  }
0x61: {  	_ =	shalt  }
0x62: {  	_ =	shalt  }
0x63: {  	_ =	shalt  }
0x64: {  	_ =	shalt  }
0x65: {  	_ =	shalt  }
0x66: {  	_ =	shalt  }
0x67: {  	_ =	shalt  }
0x68: {  	_ =	shalt  }
0x69: {  	_ =	shalt  }
0x6a: {  	_ =	shalt  }
0x6b: {  	_ =	shalt  }
0x6c: {  	_ =	shalt  }
0x6d: {  	_ =	shalt  }
0x6e: {  	_ =	shalt  }
0x6f: {  	_ =	shalt  }
0x70: {  	_ =	shalt  }
0x71: {  	_ =	shalt  }
0x72: {  	_ =	shalt  }
0x73: {  	_ =	shalt  }
0x74: {  	_ =	shalt  }
0x75: {  	_ =	shalt  }
0x76: {  	_ =	shalt  }
0x77: {  	_ =	shalt  }
0x78: {  	_ =	shalt  }
0x79: {  	_ =	shalt  }
0x7a: {  	_ =	shalt  }
0x7b: {  	_ =	shalt  }
0x7c: {  	_ =	shalt  }
0x7d: {  	_ =	shalt  }
0x7e: {  	_ =	shalt  }
0x7f: {  	_ =	shalt  }
0x80: {  	_ =	shalt  }
0x81: {  	_ =	shalt  }
0x82: {  	_ =	shalt  }
0x83: {  	_ =	shalt  }
0x84: {  	_ =	shalt  }
0x85: {  	_ =	shalt  }
0x86: {  	_ =	shalt  }
0x87: {  	_ =	shalt  }
.Lfunc_end0:
.L_simem_size_0:
called_computation.1_lowered:
.L_overlay_start_0:
0x88: {  	s2 =	sld [smem:$0x3FD9]  }
0x89: {  	s3 =	sld [smem:$0x3FFE];
	_ =	sdelay $0x1  }
0x8a: {  	s1 =	srdreg.scid  }
0x8b: {  	s0 =	sand.u32 $0x1, s1  }
0x8c: {  	s16 =	sshll.u32 s0, $0xA;
	s2 =	sadd.s32 s3, s2  }
0x8d: {  	s2 =	sadd.s32 s2, s16  }
0x8e: {  	[smem:$0x3FBC] =	sst s2  }
0x8f: {  	_ = 	snop  }
0x90: {  	(tm) =	ssettm $0x1  }
0x91: {  	s17 =	sld [smem:$0x3FFB];
	_ =	sdelay $0x3  }
0x92: {  	_ =	strace s17  }
0x93: {  	s2 =	sld [smem:$0x3FFC];
	_ =	sdelay $0x3  }
0x94: {  	_ =	strace s2  }
0x95: {  	s2 =	sld [smem:$0x3FFD];
	_ =	sdelay $0x3  }
0x96: {  	_ =	strace s2  }
0x97: {  	_ =	strace $0x8FFFFFFF  }
0x98: {  	s18 =	sld [smem:$0x3FDB];
	_ =	sdelay $0x1  }
0x99: {  	s19 =	simm.s32 $_scs_section_size  }
0x9a: {  	s4 =	simm.s32 $_size__tile_overlayer_lowered;
	s5 =	simm.s32 $_tile_overlayer_lowered  }
0x9b: {  	s22 =	simm.s32 $0x1BFF;
	s21 =	sshll.u32 s5, $0x1;
	s2 =	sadd.s32 s19, s18  }
0x9c: {  	s6 =	simm.s32 $0x0;
	s20 =	sshll.u32 s4, $0x1;
	s4 =	sadd.s32 s21, s2  }
0x9d: {  	[timem:s6], [sflag:s22] =	dma.local [hbm:s4], s20  }
0x9e: {  	_ =	swait.ge [sflag:s22], s20  }
0x9f: {  	s3 =	ssub.s32 $0x0, s20;
	[sflag:s22] =	ssyncset.done $0x0  }
0xa0: {  	[sflag:s22] =	ssyncadd.s32 s3;
	_ =	sdelay $0x1  }
0xa1: {  	s23 =	simm.s32 $0x1B8B  }
0xa2: {  	_ =	swait.ge [sflag:s23], $0x1  }
0xa3: {  	[sflag:s23] =	ssyncset.done $0x0  }
0xa4: {  	s25 =	simm.s32 $0x1B8E;
	s24 =	sld [smem:$0x3FFE];
	[sflag:s23] =	ssyncadd.s32 $0xFFFFFFFF  }
0xa5: {  	s26 =	simm.s32 $execute0_lowered;
	[smem:$0x3FD2] =	sst s25  }
0xa6: {  	s4 =	sshll.u32 s26, $0x1;
	_ =	strace $0x80000049;
	[dreg:$0x1] =	wrdreg $0xFFFFFFFF  }
0xa7: {  	s28 =	simm.s32 $_size_execute0_lowered;
	s2 =	sadd.s32 s2, s4;
	[dreg:$0x0] =	wrdreg $0x0  }
0xa8: {  	s4 =	sshll.u32 s28, $0x1;
	[dreg:$0x2] =	wrdreg s2  }
0xa9: {  	[dreg:$0x3] =	wrdreg s4  }
0xaa: {  	[dreg:$0x4] =	wrdreg $0xC0  }
0xab: {  	_ =	task [dreg:s6], $0x5FFFF  }
0xac: {  	[dreg:$0x1] =	wrdreg $0xFFFFFFFF  }
0xad: {  	[dreg:$0x0] =	wrdreg $0x60  }
0xae: {  	[dreg:$0x2] =	wrdreg s24  }
0xaf: {  	[dreg:$0x3] =	wrdreg $0x9  }
0xb0: {  	_ =	task.clear_ibuf [dreg:s6], $0x4FFFF;
	_ =	strace $0x90000049  }
0xb1: {  	s29 =	simm.s32 $0x9;
	_ =	strace $0x8000004B  }
0xb2: {  	_ =	swait.ge [sflag:s29], $0x1  }
0xb3: {  	[sflag:s29] =	ssyncadd.s32 $0xFFFFFFFF  }
0xb4: {  	_ =	strace $0x9000004B  }
0xb5: {  	_ =	sfence  }
0xb6: {  	s30 =	sld [smem:$0x0];
	_ =	sdelay $0x2  }
0xb7: {  	s31 =	sshll.u32 s1, $0xD;
	s1 =	sshrl.u32 s1, $0x2  }
0xb8: {  	s3 =	sand.u32 $0x4000, s31;
	s1 =	sadd.s32 s1, s30  }
0xb9: {  	s0 =	sor.u32 s3, s0;
	s1 =	sshll.u32 s1, $0x11  }
0xba: {  	s0 =	sor.u32 s1, s0  }
0xbb: {  	s0 =	sadd.s32 $0x8F2B, s0  }
0xbc: {  	[sflag:s0] =	ssyncadd.remote.s32 $0x1  }
0xbd: {  	_ =	sfence.sel $0xFFFF  }
0xbe: {  	[dreg:$0x0] =	wrdreg $0xFFFFFFFF;
	(pc) =	sbr.abs _section_cstart, $3  }
0xbf: {  	[dreg:$0x1] =	wrdreg $0xFFFFFFFF  }
0xc0: {  	_ =	task.clear_ibuf [dreg:s6], $0x2FFFF;
	_ =	strace $0x9FFFFFFF  }
0xc1: {  	(tm) =	ssettm $0x7FFFFFFF  }
tec
execute0_lowered:
.L_overlay_start_1:
0x0: {  	(tag) =	ssettag $0x1  }
0x1: {  	s0 =	srdreg.scid  }
0x2: {  	s18 =	sand.u32 $0x1, s0  }
0x3: {  	s0 =	stileid.u32;
	s1 =	sshll.u32 s18, $0x4  }
0x4: {  	s12 =	sor.u32 s0, s1  }
0x5: {  	s3 =	smul.u32 $0x271, s12  }
0x6: {  	s17 =	rddreg [dreg:$0x0];
	s2 =	simm.s32 $0x0  }
0x7: {  	s4 =	simm.s32 $0x5;
	[smem:$0x7FF] =	sst s2;
	s14 =	sadd.s32 s3, s17  }
0x8: {  	s1 =	rddreg [dreg:$0x1];
	_ =	strace $0x8000004A;
	s3 =	sadd.s32 $0x60A00, s14  }
0x9: {  	[tilespmem:s2], [sflag:$0x5] =	stream.linear.gather [hbm4b:s3+s2], $0x1388, $0x38;
	[tilespmem:$0x14C88] =	vst v63  }
0xa: {  	_ =	swait.ge [sflag:s4], $0x1388  }
0xb: {  	s6 =	simm.s32 $0x9C8;
	[sflag:s4] =	ssyncset.done $0x0  }
0xc: {  	s7 =	simm.s32 $0x1388;
	s5 =	sadd.s32 $0x65A00, s17;
	[sflag:s4] =	ssyncadd.s32 $0xFFFFEC78  }
0xd: {  	[tilespmem:s7], [sflag:$0x1] =	stream.indirect.gather [hbm4b:s5+s6], $0x10, s2, s6, $0xb8;
	[tilespmem:$0x14C88] =	vst v63  }
0xe: {  	s8 =	simm.s32 $0x9C0;
	s9 =	simm.s32 $0xB008;
	s10 =	simm.s32 $0x1  }
0xf: {  	[tilespmem:s9], [sflag:$0x2] =	stream.indirect.gather [hbm4b:s5+s8], $0x10, s6, s8, $0xb8;
	[tilespmem:$0x14C88] =	vst v63  }
0x10: {  	s19 =	smul.u32 $0x2710, s12;
	_ =	swait.ge [sflag:s10], $0x9C80  }
0x11: {  	s13 =	sadd.s32 $0x3A00, s17;
	s15 =	smul.u32 $0x13880, s12;
	[sflag:s10] =	ssyncset.done $0x0  }
0x12: {  	s12 =	simm.s32 $0x2;
	s11 =	sadd.s32 s13, s19;
	[sflag:s10] =	ssyncadd.s32 $0xFFFF6380  }
0x13: {  	[hbm4b:s11+s2] =	stream.linear.scatter [tilespmem:s7], [sflag:$0x3], $0x9C80, $0x38;
	[tilespmem:$0x14C88] =	vst v63  }
0x14: {  	s15 =	sshrl.u32 s15, $0x3;
	_ =	swait.ge [sflag:s12], $0x9C00  }
0x15: {  	s20 =	sadd.s32 $0x1390, s15;
	[sflag:s12] =	ssyncset.done $0x0  }
0x16: {  	s13 =	sadd.s32 s13, s20;
	[sflag:s12] =	ssyncadd.s32 $0xFFFF6400  }
0x17: {  	[hbm4b:s13+s2] =	stream.linear.scatter [tilespmem:s9], [sflag:$0x4], $0x9C00, $0x38;
	[tilespmem:$0x14C88] =	vst v63  }
0x18: {  	s14 =	sadd.s32 $0x5BA00, s14  }
0x19: {  	[tilespmem:s2], [sflag:$0x5] =	stream.linear.gather [hbm4b:s14+s2], $0x1388, $0x38;
	[tilespmem:$0x14C88] =	vst v63  }
0x1a: {  	_ =	swait.ge [sflag:s4], $0x1388  }
0x1b: {  	[sflag:s4] =	ssyncset.done $0x0  }
0x1c: {  	s15 =	simm.s32 $0x3;
	[sflag:s4] =	ssyncadd.s32 $0xFFFFEC78  }
0x1d: {  	_ =	swait.ge [sflag:s15], $0x9C80  }
0x1e: {  	[sflag:s15] =	ssyncset.done $0x0  }
0x1f: {  	s16 =	simm.s32 $0x4;
	[sflag:s15] =	ssyncadd.s32 $0xFFFF6380  }
0x20: {  	[tilespmem:s7], [sflag:$0x1] =	stream.indirect.gather [hbm4b:s5+s6], $0x10, s2, s6, $0xb8;
	[tilespmem:$0x14C88] =	vst v63  }
0x21: {  	_ =	swait.ge [sflag:s16], $0x9C00  }
0x22: {  	[sflag:s16] =	ssyncset.done $0x0  }
0x23: {  	[sflag:s16] =	ssyncadd.s32 $0xFFFF6400  }
0x24: {  	[tilespmem:s9], [sflag:$0x2] =	stream.indirect.gather [hbm4b:s5+s8], $0x10, s6, s8, $0xb8;
	[tilespmem:$0x14C88] =	vst v63  }
0x25: {  	_ =	swait.ge [sflag:s10], $0x9C80  }
0x26: {  	s21 =	sadd.s32 $0x101E00, s17;
	s30 =	ssub.s32 $0x2, s18;
	[sflag:s10] =	ssyncset.done $0x0  }
0x27: {  	s31 =	sshrl.u32 s30, $0x1;
	s17 =	sadd.s32 s21, s19;
	[sflag:s10] =	ssyncadd.s32 $0xFFFF6380  }
0x28: {  	[hbm4b:s17+s2] =	stream.linear.scatter [tilespmem:s7], [sflag:$0x3], $0x9C80, $0x38;
	[tilespmem:$0x14C88] =	vst v63  }
0x29: {  	s19 =	ssub.s32 s30, s31;
	_ =	swait.ge [sflag:s12], $0x9C00  }
0x2a: {  	s19 =	smax.u32 s19, $0x1;
	[sflag:s12] =	ssyncset.done $0x0  }
0x2b: {  	s18 =	sadd.s32 s21, s20;
	p0 =	sne.s32 s19, $0x1;
	[sflag:s12] =	ssyncadd.s32 $0xFFFF6400  }
0x2c: {  	[hbm4b:s18+s2] =	stream.linear.scatter [tilespmem:s9], [sflag:$0x4], $0x9C00, $0x38;
	[tilespmem:$0x14C88] =	vst v63  }
.Ltmp0:
0x2d: {  	_ =	swait.ge [sflag:s15], $0x9C80;
	(pc) =	sbr.rel @!p0 .LBB2_2-.Ltmp0, $4  }
0x2e: {  	[sflag:s15] =	ssyncset.done $0x0  }
0x2f: {  	[sflag:s15] =	ssyncadd.s32 $0xFFFF6380  }
0x30: {  	_ =	swait.ge [sflag:s16], $0x9C00  }
0x31: {  	s19 =	sadd.s32 $0xFFFFFFFF, s19;
	[sflag:s16] =	ssyncset.done $0x0  }
.LBB2_1:
0x32: {  	p0 =	sne.s32 s19, $0x1;
	s19 =	sadd.s32 $0xFFFFFFFF, s19;
	[sflag:s16] =	ssyncadd.s32 $0xFFFF6400  }
0x33: {  	[tilespmem:s2], [sflag:$0x5] =	stream.linear.gather [hbm4b:s3+s2], $0x1388, $0x38;
	[tilespmem:$0x14C88] =	vst v63  }
0x34: {  	_ =	swait.ge [sflag:s4], $0x1388  }
0x35: {  	[sflag:s4] =	ssyncset.done $0x0  }
0x36: {  	[sflag:s4] =	ssyncadd.s32 $0xFFFFEC78  }
0x37: {  	[tilespmem:s7], [sflag:$0x1] =	stream.indirect.gather [hbm4b:s5+s6], $0x10, s2, s6, $0xb8;
	[tilespmem:$0x14C88] =	vst v63  }
0x38: {  	_ = 	snop  }
0x39: {  	[tilespmem:s9], [sflag:$0x2] =	stream.indirect.gather [hbm4b:s5+s8], $0x10, s6, s8, $0xb8;
	[tilespmem:$0x14C88] =	vst v63  }
0x3a: {  	_ =	swait.ge [sflag:s10], $0x9C80  }
0x3b: {  	[sflag:s10] =	ssyncset.done $0x0  }
0x3c: {  	[sflag:s10] =	ssyncadd.s32 $0xFFFF6380  }
0x3d: {  	[hbm4b:s11+s2] =	stream.linear.scatter [tilespmem:s7], [sflag:$0x3], $0x9C80, $0x38;
	[tilespmem:$0x14C88] =	vst v63  }
0x3e: {  	_ =	swait.ge [sflag:s12], $0x9C00  }
0x3f: {  	[sflag:s12] =	ssyncset.done $0x0  }
0x40: {  	[sflag:s12] =	ssyncadd.s32 $0xFFFF6400  }
0x41: {  	[hbm4b:s13+s2] =	stream.linear.scatter [tilespmem:s9], [sflag:$0x4], $0x9C00, $0x38;
	[tilespmem:$0x14C88] =	vst v63  }
0x42: {  	_ = 	snop  }
0x43: {  	[tilespmem:s2], [sflag:$0x5] =	stream.linear.gather [hbm4b:s14+s2], $0x1388, $0x38;
	[tilespmem:$0x14C88] =	vst v63  }
0x44: {  	_ =	swait.ge [sflag:s4], $0x1388  }
0x45: {  	[sflag:s4] =	ssyncset.done $0x0  }
0x46: {  	[sflag:s4] =	ssyncadd.s32 $0xFFFFEC78  }
0x47: {  	_ =	swait.ge [sflag:s15], $0x9C80  }
0x48: {  	[sflag:s15] =	ssyncset.done $0x0  }
0x49: {  	[sflag:s15] =	ssyncadd.s32 $0xFFFF6380  }
0x4a: {  	[tilespmem:s7], [sflag:$0x1] =	stream.indirect.gather [hbm4b:s5+s6], $0x10, s2, s6, $0xb8;
	[tilespmem:$0x14C88] =	vst v63  }
0x4b: {  	_ =	swait.ge [sflag:s16], $0x9C00  }
0x4c: {  	[sflag:s16] =	ssyncset.done $0x0  }
0x4d: {  	[sflag:s16] =	ssyncadd.s32 $0xFFFF6400  }
0x4e: {  	[tilespmem:s9], [sflag:$0x2] =	stream.indirect.gather [hbm4b:s5+s8], $0x10, s6, s8, $0xb8;
	[tilespmem:$0x14C88] =	vst v63  }
0x4f: {  	_ =	swait.ge [sflag:s10], $0x9C80  }
0x50: {  	[sflag:s10] =	ssyncset.done $0x0  }
0x51: {  	[sflag:s10] =	ssyncadd.s32 $0xFFFF6380  }
0x52: {  	[hbm4b:s17+s2] =	stream.linear.scatter [tilespmem:s7], [sflag:$0x3], $0x9C80, $0x38;
	[tilespmem:$0x14C88] =	vst v63  }
0x53: {  	_ =	swait.ge [sflag:s12], $0x9C00  }
0x54: {  	[sflag:s12] =	ssyncset.done $0x0  }
0x55: {  	[sflag:s12] =	ssyncadd.s32 $0xFFFF6400  }
0x56: {  	[hbm4b:s18+s2] =	stream.linear.scatter [tilespmem:s9], [sflag:$0x4], $0x9C00, $0x38;
	[tilespmem:$0x14C88] =	vst v63  }
.Ltmp1:
0x57: {  	_ =	swait.ge [sflag:s15], $0x9C80;
	(pc) =	sbr.rel @p0 .LBB2_1-.Ltmp1, $4  }
0x58: {  	[sflag:s15] =	ssyncset.done $0x0  }
0x59: {  	[sflag:s15] =	ssyncadd.s32 $0xFFFF6380  }
0x5a: {  	_ =	swait.ge [sflag:s16], $0x9C00  }
0x5b: {  	[sflag:s16] =	ssyncset.done $0x0  }
.LBB2_2:
0x5c: {  	[sflag:s16] =	ssyncadd.s32 $0xFFFF6400  }
0x5d: {  	_ =	sfence.sel $0x180000  }
0x5e: {  	[bflag:$0x0] =	sbarrier.arrive $0xFFFF  }
0x5f: {  	p0 =	sne.s32 s0, $0x0;
	_ =	strace $0x9000004A  }
0x60: {  	s0 =	sadd.s32 @!p0 $0x100000, s1;
	[bflag:$0x2] =	sbarrier.arrive $0xFFFF  }
0x61: {  	[sflag:s0] =	ssyncadd.tile.s32 @!p0 $0x1;
	_ =	shalt  }
.Lfunc_end2:
_tile_overlayer_lowered:
.L_overlay_start_2:
0x62: {  	(tag) =	ssettag $0x2  }
0x63: {  	s0 =	rddreg [dreg:$0x0];
	s2 =	stileid.u32  }
0x64: {  	s1 =	rddreg [dreg:$0x1];
	p0 =	sne.s32 s2, $0x0  }
0x65: {  	s3 =	rddreg [dreg:$0x2];
	[bflag:$0x3] =	sbarrier.arrive $0xFFFF;
	s2 =	simm.s32 @!p0 $0x1C05  }
0x66: {  	[timem:s3], [sflag:s2] =	dma.local @!p0 [hbm:s0], s1  }
0x67: {  	s0 =	simm.s32 @!p0 $0x5  }
0x68: {  	_ =	swait.ge @!p0 [sflag:s0], s1  }
0x69: {  	s1 =	ssub.s32 @!p0 $0x0, s1;
	[sflag:s0] =	ssyncset.done @!p0 $0x0  }
0x6a: {  	[sflag:s0] =	ssyncadd.s32 @!p0 s1  }
0x6b: {  	[bflag:$0x3] =	sbarrier.arrive $0xFFFF  }
0x6c: {  	_ =	shalt  }

// kernel: kernel.14.cloned.1.call-start
scs
__scs_entry_jumppad:
0x0: {  	(pc) =	sbr.rel $0x88, $3  }
0x1: {  	(tag) =	ssettag $0x0;
	lr =	simm.s32 $0x1  }
0x2: {  	[smem:$0x3F95] =	sst lr;
	_ =	strace $0xD0000000  }
0x3: {  	_ = 	snop  }
0x4: {  	_ = 	snop  }
0x5: {  	_ = 	snop  }
0x6: {  	_ = 	snop  }
0x7: {  	_ = 	snop  }
__scs_overlays_trampoline_lowered:
0x8: {  	[smem:$0x3FA4] =	sst s0  }
0x9: {  	[smem:$0x3FA5] =	sst s1  }
0xa: {  	[smem:$0x3FA6] =	sst s2  }
0xb: {  	[smem:$0x3FA7] =	sst s3  }
0xc: {  	[smem:$0x3FA8] =	sst s4  }
0xd: {  	[smem:$0x3FA9] =	sst s5  }
0xe: {  	[smem:$0x3FAA] =	sst s6  }
0xf: {  	[smem:$0x3FAB] =	sst s7  }
0x10: {  	[smem:$0x3FAC] =	sst s8  }
0x11: {  	[smem:$0x3FAD] =	sst s9;
	s0 =	simm.s32 @!p0 $0x0  }
0x12: {  	s1 =	sld [smem:$0x3F93];
	s0 =	simm.s32 @p0 $0x1  }
0x13: {  	[smem:$0x3FAE] =	sst s0;
	s0 =	simm.s32 @!p1 $0x0  }
0x14: {  	s2 =	sld [smem:$0x3F92];
	s0 =	simm.s32 @p1 $0x1  }
0x15: {  	[smem:$0x3FAF] =	sst s0;
	s0 =	simm.s32 @!p2 $0x0  }
0x16: {  	s3 =	sld [smem:$0x3FDB];
	s0 =	simm.s32 @p2 $0x1  }
0x17: {  	s4 =	simm.s32 $0x1BF5;
	[smem:$0x3FB1] =	sst s0  }
0x18: {  	s0 =	sld [smem:$0x3F94];
	_ =	swait.ge [sflag:s4], $0x0  }
0x19: {  	s7 =	sld [smem:$0x3F95]  }
0x1a: {  	s8 =	sadd.s32 $0xFFFFE003, lr  }
0x1b: {  	s9 =	sadd.s32 $0xFFFFFEF7, lr;
	s5 =	simm.s32 $0xFFFFFFFF;
	p2 =	slt.u32 s8, $0xFFFFF086  }
0x1c: {  	p1 =	slt.u32 s9, $0xF7A;
	s5 =	simm.s32 @!p2 $0x0  }
0x1d: {  	s5 =	simm.s32 @p1 $0x1;
	p0 =	seq.s32 s7, s2  }
0x1e: {  	s7 =	smul.u32 @!p0 $0xF7A, s2;
	p2 =	seq.s32 @!p0 s5, $0x0  }
0x1f: {  	s9 =	smul.u32 $0xF7A, s1;
	s8 =	simm.s32 @!p0 $0x1BF5;
	p2 =	por !p2, p0  }
0x20: {  	[sflag:s8] =	ssyncset.s32 @!p0 $0xFFFFF086;
	s6 =	sadd.s32 @!p0 s3, s7;
	s7 =	simm.s32 @!p0 $0x108  }
0x21: {  	s3 =	sadd.s32 s3, s9;
	s6 =	sadd.s32 @!p0 $0x88, s6;
	s7 =	simm.s32 @p2 $0x1082  }
0x22: {  	[simem:s7], [sflag:s8] =	dma.local @!p0 [hbm:s6], $0xF7A  }
0x23: {  	s9 =	sor.u32 $0xD0000000, s2;
	s6 =	simm.s32 $0x108;
	_ =	swait.ge @!p0 [sflag:s8], $0x0  }
0x24: {  	s3 =	sadd.s32 $0x88, s3;
	s6 =	simm.s32 @!p1 $0x1082;
	[sflag:s4] =	ssyncset.s32 $0xFFFFF086  }
0x25: {  	[simem:s6], [sflag:s4] =	dma.local [hbm:s3], $0xF7A  }
0x26: {  	[smem:$0x3F95] =	sst s1;
	(tag) =	ssettag s2;
	_ =	strace s9  }
0x27: {  	s1 =	sld [smem:$0x3FA5]  }
0x28: {  	s2 =	sld [smem:$0x3FA6]  }
0x29: {  	s4 =	sld [smem:$0x3FA8]  }
0x2a: {  	p0 =	seq.s32 s5, $0x0;
	s5 =	sld [smem:$0x3FA9]  }
0x2b: {  	s6 =	sld [smem:$0x3FAA]  }
0x2c: {  	s7 =	sld [smem:$0x3FAB]  }
0x2d: {  	s3 =	simm.s32 $0x108;
	s8 =	sld [smem:$0x3FAC]  }
0x2e: {  	s3 =	simm.s32 @!p0 $0x1082;
	s9 =	sld [smem:$0x3FAD]  }
0x2f: {  	lr =	sadd.s32 s0, s3;
	s0 =	sld [smem:$0x3FA4]  }
0x30: {  	s3 =	sld [smem:$0x3FA7]  }
0x31: {  	[smem:$0x3FB0] =	sst s10  }
0x32: {  	s10 =	sld [smem:$0x3FAE];
	_ =	sdelay $0x3  }
0x33: {  	p0 =	seq.s32 s10, $0x1;
	s10 =	sld [smem:$0x3FB0];
	_ =	sdelay $0x3  }
0x34: {  	[smem:$0x3FB0] =	sst s10  }
0x35: {  	s10 =	sld [smem:$0x3FAF];
	_ =	sdelay $0x3  }
0x36: {  	p1 =	seq.s32 s10, $0x1;
	s10 =	sld [smem:$0x3FB0];
	_ =	sdelay $0x3  }
0x37: {  	[smem:$0x3FB0] =	sst s10  }
0x38: {  	s10 =	sld [smem:$0x3FB1]  }
0x39: {  	_ = 	snop;
	(pc) =	sbr.ind lr, $3  }
0x3a: {  	_ = 	snop  }
0x3b: {  	_ = 	snop  }
0x3c: {  	p2 =	seq.s32 s10, $0x1;
	s10 =	sld [smem:$0x3FB0]  }
0x3d: {  	_ =	shalt  }
0x3e: {  	_ =	shalt  }
0x3f: {  	_ =	shalt  }
0x40: {  	_ =	shalt  }
0x41: {  	_ =	shalt  }
0x42: {  	_ =	shalt  }
0x43: {  	_ =	shalt  }
0x44: {  	_ =	shalt  }
0x45: {  	_ =	shalt  }
0x46: {  	_ =	shalt  }
0x47: {  	_ =	shalt  }
0x48: {  	_ =	shalt  }
0x49: {  	_ =	shalt  }
0x4a: {  	_ =	shalt  }
0x4b: {  	_ =	shalt  }
0x4c: {  	_ =	shalt  }
0x4d: {  	_ =	shalt  }
0x4e: {  	_ =	shalt  }
0x4f: {  	_ =	shalt  }
0x50: {  	_ =	shalt  }
0x51: {  	_ =	shalt  }
0x52: {  	_ =	shalt  }
0x53: {  	_ =	shalt  }
0x54: {  	_ =	shalt  }
0x55: {  	_ =	shalt  }
0x56: {  	_ =	shalt  }
0x57: {  	_ =	shalt  }
0x58: {  	_ =	shalt  }
0x59: {  	_ =	shalt  }
0x5a: {  	_ =	shalt  }
0x5b: {  	_ =	shalt  }
0x5c: {  	_ =	shalt  }
0x5d: {  	_ =	shalt  }
0x5e: {  	_ =	shalt  }
0x5f: {  	_ =	shalt  }
0x60: {  	_ =	shalt  }
0x61: {  	_ =	shalt  }
0x62: {  	_ =	shalt  }
0x63: {  	_ =	shalt  }
0x64: {  	_ =	shalt  }
0x65: {  	_ =	shalt  }
0x66: {  	_ =	shalt  }
0x67: {  	_ =	shalt  }
0x68: {  	_ =	shalt  }
0x69: {  	_ =	shalt  }
0x6a: {  	_ =	shalt  }
0x6b: {  	_ =	shalt  }
0x6c: {  	_ =	shalt  }
0x6d: {  	_ =	shalt  }
0x6e: {  	_ =	shalt  }
0x6f: {  	_ =	shalt  }
0x70: {  	_ =	shalt  }
0x71: {  	_ =	shalt  }
0x72: {  	_ =	shalt  }
0x73: {  	_ =	shalt  }
0x74: {  	_ =	shalt  }
0x75: {  	_ =	shalt  }
0x76: {  	_ =	shalt  }
0x77: {  	_ =	shalt  }
0x78: {  	_ =	shalt  }
0x79: {  	_ =	shalt  }
0x7a: {  	_ =	shalt  }
0x7b: {  	_ =	shalt  }
0x7c: {  	_ =	shalt  }
0x7d: {  	_ =	shalt  }
0x7e: {  	_ =	shalt  }
0x7f: {  	_ =	shalt  }
0x80: {  	_ =	shalt  }
0x81: {  	_ =	shalt  }
0x82: {  	_ =	shalt  }
0x83: {  	_ =	shalt  }
0x84: {  	_ =	shalt  }
0x85: {  	_ =	shalt  }
0x86: {  	_ =	shalt  }
0x87: {  	_ =	shalt  }
.Lfunc_end0:
.L_simem_size_0:
called_computation.2_lowered:
.L_overlay_start_0:
0x88: {  	s2 =	sld [smem:$0x3FD9]  }
0x89: {  	s3 =	sld [smem:$0x3FFE];
	_ =	sdelay $0x1  }
0x8a: {  	s1 =	srdreg.scid  }
0x8b: {  	s0 =	sand.u32 $0x1, s1  }
0x8c: {  	s14 =	sshll.u32 s0, $0xA;
	s2 =	sadd.s32 s3, s2  }
0x8d: {  	s2 =	sadd.s32 s2, s14  }
0x8e: {  	[smem:$0x3FBC] =	sst s2  }
0x8f: {  	_ = 	snop  }
0x90: {  	s2 =	sld [smem:$0x3FD0];
	_ =	sdelay $0x2  }
0x91: {  	s15 =	simm.s32 $0xA;
	s4 =	simm.s32 $0x10  }
0x92: {  	[smem:s4], [sflag:s15] =	dma.local [hbm:s2], $0x1  }
0x93: {  	_ =	swait.eq [sflag:s15], $0x1  }
0x94: {  	[sflag:s15] =	ssyncset.done $0x0  }
0x95: {  	s16 =	sld [smem:$0x10];
	[sflag:s15] =	ssyncadd.s32 $0xFFFFFFFF  }
0x96: {  	s17 =	sld [smem:$0x11];
	(tm) =	ssettm $0x1  }
0x97: {  	s18 =	sld [smem:$0x3FFB];
	_ =	sdelay $0x3  }
0x98: {  	_ =	strace s18  }
0x99: {  	s4 =	sld [smem:$0x3FFC];
	_ =	sdelay $0x3  }
0x9a: {  	_ =	strace s4  }
0x9b: {  	s4 =	sld [smem:$0x3FFD];
	_ =	sdelay $0x3  }
0x9c: {  	_ =	strace s4  }
0x9d: {  	_ =	strace $0x8FFFFFFF  }
0x9e: {  	s19 =	sld [smem:$0x3FDB];
	_ =	sdelay $0x1  }
0x9f: {  	s5 =	simm.s32 $_scs_section_size  }
0xa0: {  	s6 =	simm.s32 $_size__tile_overlayer_lowered;
	s7 =	simm.s32 $_tile_overlayer_lowered  }
0xa1: {  	s22 =	simm.s32 $0x1BFF;
	s21 =	sshll.u32 s7, $0x1;
	s4 =	sadd.s32 s5, s19  }
0xa2: {  	s8 =	simm.s32 $0x0;
	s20 =	sshll.u32 s6, $0x1;
	s6 =	sadd.s32 s21, s4  }
0xa3: {  	[timem:s8], [sflag:s22] =	dma.local [hbm:s6], s20  }
0xa4: {  	_ =	swait.ge [sflag:s22], s20  }
0xa5: {  	s5 =	ssub.s32 $0x0, s20;
	[sflag:s22] =	ssyncset.done $0x0  }
0xa6: {  	[sflag:s22] =	ssyncadd.s32 s5;
	_ =	sdelay $0x1  }
0xa7: {  	s23 =	simm.s32 $0x1B8B  }
0xa8: {  	_ =	swait.ge [sflag:s23], $0x1  }
0xa9: {  	[sflag:s23] =	ssyncset.done $0x0  }
0xaa: {  	s25 =	simm.s32 $0x1B8E;
	s24 =	sld [smem:$0x3FFE];
	[sflag:s23] =	ssyncadd.s32 $0xFFFFFFFF  }
0xab: {  	s26 =	simm.s32 $execute0_lowered;
	[smem:$0x3FD2] =	sst s25  }
0xac: {  	s6 =	sshll.u32 s26, $0x1;
	_ =	strace $0x8000004C;
	[dreg:$0x1] =	wrdreg $0xFFFFFFFF  }
0xad: {  	s28 =	simm.s32 $_size_execute0_lowered;
	s4 =	sadd.s32 s4, s6;
	[dreg:$0x0] =	wrdreg $0x0  }
0xae: {  	s6 =	sshll.u32 s28, $0x1;
	[dreg:$0x2] =	wrdreg s4  }
0xaf: {  	[dreg:$0x3] =	wrdreg s6  }
0xb0: {  	[dreg:$0x4] =	wrdreg $0xC0  }
0xb1: {  	_ =	task [dreg:s8], $0x5FFFF  }
0xb2: {  	[dreg:$0x1] =	wrdreg $0xFFFFFFFF  }
0xb3: {  	[dreg:$0x0] =	wrdreg $0x60  }
0xb4: {  	[dreg:$0x2] =	wrdreg s24  }
0xb5: {  	[dreg:$0x3] =	wrdreg s17  }
0xb6: {  	[dreg:$0x4] =	wrdreg s16  }
0xb7: {  	[dreg:$0x5] =	wrdreg $0x7F180  }
0xb8: {  	[dreg:$0x6] =	wrdreg $0x81900  }
0xb9: {  	[dreg:$0x7] =	wrdreg $0x81A00  }
0xba: {  	[dreg:$0x8] =	wrdreg $0x81B00  }
0xbb: {  	[dreg:$0x9] =	wrdreg $0x9  }
0xbc: {  	_ =	task.clear_ibuf [dreg:s8], $0xAFFFF;
	_ =	strace $0x9000004C  }
0xbd: {  	s29 =	simm.s32 $0x9;
	_ =	strace $0x8000004E  }
0xbe: {  	_ =	swait.ge [sflag:s29], $0x1  }
0xbf: {  	[sflag:s29] =	ssyncadd.s32 $0xFFFFFFFF  }
0xc0: {  	_ =	strace $0x9000004E  }
0xc1: {  	_ =	sfence  }
0xc2: {  	s30 =	sld [smem:$0x0];
	_ =	sdelay $0x2  }
0xc3: {  	s31 =	sshll.u32 s1, $0xD;
	s1 =	sshrl.u32 s1, $0x2  }
0xc4: {  	s3 =	sand.u32 $0x4000, s31;
	s1 =	sadd.s32 s1, s30  }
0xc5: {  	s0 =	sor.u32 s3, s0;
	s1 =	sshll.u32 s1, $0x11  }
0xc6: {  	s0 =	sor.u32 s1, s0  }
0xc7: {  	s0 =	sadd.s32 $0x8F2B, s0  }
0xc8: {  	[sflag:s0] =	ssyncadd.remote.s32 $0x1  }
0xc9: {  	_ =	sfence.sel $0xFFFF  }
0xca: {  	[dreg:$0x0] =	wrdreg $0xFFFFFFFF;
	(pc) =	sbr.abs _section_cstart, $3  }
0xcb: {  	[dreg:$0x1] =	wrdreg $0xFFFFFFFF  }
0xcc: {  	_ =	task.clear_ibuf [dreg:s8], $0x2FFFF;
	_ =	strace $0x9FFFFFFF  }
0xcd: {  	(tm) =	ssettm $0x7FFFFFFF  }
tec
execute0_lowered:
.L_overlay_start_1:
0x0: {  	(tag) =	ssettag $0x1  }
0x1: {  	s0 =	rddreg [dreg:$0x0]  }
0x2: {  	s3 =	rddreg [dreg:$0x3]  }
0x3: {  	s15 =	rddreg [dreg:$0x4]  }
0x4: {  	s16 =	rddreg [dreg:$0x5]  }
0x5: {  	s17 =	rddreg [dreg:$0x6]  }
0x6: {  	s7 =	simm.s32 $0x0;
	s1 =	stileid.u32;
	s5 =	srdreg.scid  }
0x7: {  	s21 =	simm.s32 $0x1;
	s23 =	simm.s32 $0x2710;
	s28 =	simm.s32 $0x7A30  }
0x8: {  	s30 =	simm.s32 $0x7CD8;
	s31 =	simm.s32 $0x7E18;
	s2 =	smul.u32 $0x4E2, s1  }
0x9: {  	[smem:$0x7FF] =	sst s7;
	s4 =	smul.u32 $0x270, s1;
	s5 =	sand.u32 $0x1, s5  }
0xa: {  	s8 =	sadd.s32 $0x51C00, s0;
	s9 =	sadd.s32 $0x52E00, s0;
	p0 =	seq.s32 s1, $0xF  }
0xb: {  	s29 =	sshll.u32 s1, $0x4;
	_ =	strace $0x8000004D;
	s10 =	ssub.s32 $0x2, s5  }
0xc: {  	s20 =	sor.u32 s1, s5;
	s15 =	sadd.s32 s29, s15;
	s16 =	sadd.s32 s29, s16  }
0xd: {  	s17 =	sadd.s32 s29, s17;
	p3 =	sne.s32 s5, $0x0;
	s5 =	simm.s32 $0x0  }
0xe: {  	s2 =	sadd.s32 s2, s0;
	s6 =	sshrl.u32 s4, $0x3;
	s11 =	sshrl.u32 s10, $0x1  }
0xf: {  	s13 =	sadd.s32 s4, s3;
	p1 =	sne.s32 s20, $0x0;
	s20 =	simm.s32 $0x4E20  }
.Ltmp0:
0x10: {  	v3 =	vlaneseq.u32;
	v1 =	vimm.s32 $0x0;
	vm2 =	vcmask $0x3F0C;
	s6 =	sadd.s32 s6, s0;
	s26 =	ssub.s32 s10, s11;
	(pc) =	sbr.rel .LBB2_1-.Ltmp0, $4  }
0x11: {  	vm3 =	vcmask $0x3F08;
	v4 =	vmov s1;
	v2 =	vmul.u32 $0x10, v3;
	s10 =	sadd.s32 $0x5BA00, s2;
	s11 =	simm.s32 $0x28;
	s12 =	sadd.s32 $0x60A00, s2  }
0x12: {  	vm4 =	vmmov $0x1;
	vm5 =	vcmask $0x3F04;
	vm1 =	veq.s32 v4, v3;
	s0 =	simm.s32 @!p3 $0x0;
	s11 =	simm.s32 @!p0 $0x27;
	s14 =	sadd.s32 $0x52800, s6  }
0x13: {  	v0 =	vor.u32 s4, v3;
	v3 =	vmul.u32 $0x11, v3;
	v4 =	vor.u32 $0x1, v2;
	s18 =	smax.u32 s26, $0x1;
	p0 =	sne.s32 s1, $0x0;
	s0 =	simm.s32 @p3 $0x1  }
0x14: {  	v5 =	vor.u32 $0x2, v2;
	v6 =	vor.u32 $0x3, v2;
	s26 =	simm.s32 $0x7D18;
	s19 =	sshll.u32 s11, $0x4;
	vm0 =	vcmask @!p0 $0x300;
	[smem:$0x7FD] =	sst s0  }
.LBB2_27:
0x15: {  	s5 =	sadd.s32 $0x1, s5  }
0x16: {  	p2 =	sne.s32 s5, s18  }
.Ltmp1:
0x17: {  	_ = 	snop;
	(pc) =	sbr.rel @!p2 .LBB2_28-.Ltmp1, $1  }
0x18: {  	_ =	sdelay $0x3  }
.LBB2_1:
.Ltmp2:
0x19: {  	(pc) =	sbr.rel @p1 .LBB2_5-.Ltmp2, $1  }
0x1a: {  	_ =	sdelay $0x3  }
0x1b: {  	s0 =	simm.s32 $0x40;
	s1 =	simm.s32 $0x0  }
.LBB2_3:
0x1c: {  	p2 =	sne.s32 s0, $0x9C00;
	[tilespmem:s1+$0x4E20] =	vst v1;
	s1 =	smov.u32 s0;
	s0 =	sadd.s32 $0x40, s0  }
.Ltmp3:
0x1d: {  	(pc) =	sbr.rel @p2 .LBB2_3-.Ltmp3, $2  }
0x1e: {  	_ =	sdelay $0x2  }
0x1f: {  	s1 =	sshra.s32 s1, $0x2  }
0x20: {  	[tilespmem:s1+$0x4E20] =	vst v1  }
0x21: {  	[spmem:s3] =	stream.linear.scatter [tilespmem:s20], [sflag:$0x1], $0x2710, $0x38;
	[tilespmem:$0x81C0] =	vst v63  }
0x22: {  	_ =	swait.ge [sflag:s21], $0x2710  }
0x23: {  	[sflag:s21] =	ssyncset.done $0x0  }
0x24: {  	[sflag:s21] =	ssyncadd.s32 $0xFFFFD8F0  }
.LBB2_5:
.Ltmp4:
0x25: {  	(pc) =	sbr.rel @p3 .LBB2_29-.Ltmp4, $2  }
0x26: {  	_ =	sdelay $0x1  }
0x27: {  	[bflag:$0x0] =	sbarrier.arrive $0xFFFF;
	_ =	sdelay $0x1  }
0x28: {  	s0 =	simm.s32 $0x0;
	s1 =	rddreg [dreg:$0x1];
	s2 =	simm.s32 $0x7CB8  }
0x29: {  	[tilespmem:s2], [sflag:$0x1] =	stream.linear.gather [hbm4b:s1+s0], $0x10, $0x38;
	[tilespmem:$0x81C0] =	vst v63  }
0x2a: {  	_ =	swait.ge [sflag:s21], $0x10  }
0x2b: {  	[sflag:s21] =	ssyncset.done $0x0  }
0x2c: {  	[sflag:s21] =	ssyncadd.s32 $0xFFFFFFF0  }
0x2d: {  	v7 =	vld [tilespmem:$0x7CB8];
	[tilespmem:s0], [sflag:$0x1] =	stream.linear.gather [hbm4b:s10+s0], $0x2710, $0x38  }
0x2e: {  	_ =	swait.ge [sflag:s21], $0x2710  }
0x2f: {  	[sflag:s21] =	ssyncset.done $0x0  }
0x30: {  	[sflag:s21] =	ssyncadd.s32 $0xFFFFD8F0  }
0x31: {  	[tilespmem:s23], [sflag:$0x1] =	stream.linear.gather [hbm4b:s12+s0], $0x2710, $0x38;
	[tilespmem:$0x81C0] =	vst v63  }
0x32: {  	_ =	swait.ge [sflag:s21], $0x2710  }
0x33: {  	[sflag:s21] =	ssyncset.done $0x0  }
0x34: {  	s0 =	simm.s32 $0x0;
	[sflag:s21] =	ssyncadd.s32 $0xFFFFD8F0  }
0x35: {  	v8 =	vld [tilespmem:s0+$0x0]  }
0x36: {  	s1 =	simm.s32 $0x40  }
.LBB2_7:
0x37: {  	p2 =	sne.s32 s1, $0x9C00  }
.Ltmp5:
0x38: {  	_ = 	snop;
	(pc) =	sbr.rel @p2 .LBB2_7-.Ltmp5, $4  }
0x39: {  	_ = 	snop  }
0x3a: {  	s2 =	sshra.s32 s1, $0x2;
	s1 =	sadd.s32 $0x40, s1;
	vm6 =	veq.s32 v8, v7  }
0x3b: {  	v8 =	vld [tilespmem:s2+$0x0];
	v9 =	vsel vm6, $0x1, v1  }
0x3c: {  	[tilespmem:s0+$0x4E20] =	vst v9;
	s0 =	smov.u32 s2  }
0x3d: {  	_ =	sdelay $0x2  }
0x3e: {  	vm6 =	veq.s32 v8, v7  }
0x3f: {  	v8 =	vsel vm6, $0x1, v1  }
0x40: {  	[tilespmem:s0+$0x4E20] =	vst v8  }
0x41: {  	[spmem:s3] =	stream.indirect.scatter.add.s32 [tilespmem:s20], [sflag:$0x1], $0x1, s23, s23, $0xb8;
	[tilespmem:$0x81C0] =	vst v63  }
0x42: {  	_ =	swait.ge [sflag:s21], $0x2710  }
0x43: {  	v8 =	vimm.s32 @!p0 $0x0;
	[sflag:s21] =	ssyncset.done $0x0  }
0x44: {  	v8 =	vsel @!p0 vm0, $0x1, v8;
	[sflag:s21] =	ssyncadd.s32 $0xFFFFD8F0  }
0x45: {  	[tilespmem:$0x7CC8] =	vst @!p0 v8  }
0x46: {  	s1 =	simm.s32 @!p0 $0x7CD8;
	s2 =	simm.s32 @!p0 $0x7CC8;
	s0 =	simm.s32 @!p0 $0x10;
	[tilespmem:$0x7CD8] =	vst @!p0 v7  }
0x47: {  	[spmem:s3] =	stream.indirect.scatter.add.s32 @!p0 [tilespmem:s2], [sflag:$0x1], $0x1, s1, s0, $0xb8;
	[tilespmem:$0x81C0] =	vst v63  }
0x48: {  	s0 =	simm.s32 @!p0 $0x1  }
0x49: {  	_ =	swait.ge @!p0 [sflag:s0], $0x10  }
0x4a: {  	[sflag:s0] =	ssyncset.done @!p0 $0x0  }
0x4b: {  	[sflag:s0] =	ssyncadd.s32 @!p0 $0xFFFFFFF0  }
0x4c: {  	s25 =	simm.s32 $0x7530;
	[bflag:$0x0] =	sbarrier.arrive $0xFFFF  }
0x4d: {  	[tilespmem:s25], [sflag:$0x1] =	stream.linear.gather [spmem:s13], $0x280, $0x38;
	[tilespmem:$0x81C0] =	vst v63  }
0x4e: {  	_ =	swait.ge [sflag:s21], $0x280  }
0x4f: {  	[sflag:s21] =	ssyncset.done $0x0  }
0x50: {  	s29 =	simm.s32 $0x77B0;
	[sflag:s21] =	ssyncadd.s32 $0xFFFFFD80  }
0x51: {  	[tilespmem:s29], [sflag:$0x1] =	stream.linear.gather [hbm4b:s14+s7], $0x280, $0x38;
	[tilespmem:$0x81C0] =	vst v63  }
0x52: {  	_ =	swait.ge [sflag:s21], $0x280  }
0x53: {  	[sflag:s21] =	ssyncset.done $0x0  }
0x54: {  	[sflag:s21] =	ssyncadd.s32 $0xFFFFFD80  }
0x55: {  	p2 =	seq.s32 s11, $0x1;
	v8 =	vld [tilespmem:s25+$0x0]  }
.Ltmp6:
0x56: {  	_ = 	snop;
	(pc) =	sbr.rel @p2 .LBB2_10-.Ltmp6, $2  }
0x57: {  	_ =	sdelay $0x2  }
0x58: {  	v7 =	vimm.s32 $0x0;
	s1 =	simm.s32 $0x7540;
	s0 =	sadd.s32 $0xFFFFFFFF, s11;
	vm6 =	veq.s32 v8, $0x0  }
.LBB2_9:
0x59: {  	v8 =	vld [tilespmem:s1+$0x0];
	p2 =	seq.s32 s0, $0x1;
	s0 =	sadd.s32 $0xFFFFFFFF, s0;
	v9 =	vmpcnt.ones.xlane vm6  }
.Ltmp7:
0x5a: {  	(pc) =	sbr.rel @!p2 .LBB2_9-.Ltmp7, $2  }
0x5b: {  	v7 =	vadd.s32 v7, v9;
	_ =	sdelay $0x2  }
0x5c: {  	s1 =	sadd.s32 $0x10, s1;
	vm6 =	veq.s32 v8, $0x0  }
.LBB2_10:
0x5d: {  	v8 =	vmpcnt.ones.xlane vm6;
	_ =	sdelay $0x1  }
0x5e: {  	v7 =	vadd.s32 v7, v8  }
0x5f: {  	s0 =	simm.s32 $0x7CC8;
	[tilespmem:$0x7CC8] =	vst v7  }
0x60: {  	[spmem:s15] =	stream.linear.scatter [tilespmem:s0], [sflag:$0x1], $0x10, $0x38;
	[tilespmem:$0x81C0] =	vst v63  }
0x61: {  	_ =	swait.ge [sflag:s21], $0x10  }
0x62: {  	[sflag:s21] =	ssyncset.done $0x0  }
0x63: {  	[sflag:s21] =	ssyncadd.s32 $0xFFFFFFF0  }
0x64: {  	[bflag:$0x0] =	sbarrier.arrive $0xFFFF  }
0x65: {  	s25 =	rddreg [dreg:$0x4]  }
0x66: {  	[tilespmem:s26], [sflag:$0x1] =	stream.linear.gather [spmem:s25], $0x100, $0x38;
	[tilespmem:$0x81C0] =	vst v63  }
0x67: {  	_ =	swait.ge [sflag:s21], $0x100  }
0x68: {  	[sflag:s21] =	ssyncset.done $0x0  }
0x69: {  	[sflag:s21] =	ssyncadd.s32 $0xFFFFFF00  }
0x6a: {  	v7 =	vld.idx.msk [tilespmem:v3+s26+$0x0], $0xffff;
	_ =	sdelay $0x4  }
0x6b: {  	(xrf0) =	vadd.scan.msk.s32 $0xffff, v7;
	_ =	sdelay $0x5  }
0x6c: {  	v8, _, _ =	vpop (xrf0)  }
0x6d: {  	v7 =	vsub.s32 v8, v7  }
0x6e: {  	v7 =	vnsel vm1, $0x0, v7  }
0x6f: {  	(xrf0) =	vadd.scan.msk.s32 $0xffff, v7;
	_ =	sdelay $0x5  }
0x70: {  	v7, _, _ =	vpop (xrf0)  }
0x71: {  	(v2sf) =	vpush v7, $0xF;
	_ =	sdelay $0xe  }
0x72: {  	s0 =	spop (v2sf)  }
0x73: {  	s1 =	sand.u32 $0x7, s0  }
0x74: {  	s2 =	sshra.s32 s0, $0x1F;
	p2 =	slt.s32 s0, $0x1;
	p3 =	sne.s32 s1, $0x0  }
0x75: {  	s29 =	sshrl.u32 s2, $0x1D;
	p2 =	por !p2, !p3  }
0x76: {  	s2 =	simm.s32 $0x1;
	s1 =	sadd.s32 s29, s0;
	p2 =	por !p2, !p2  }
0x77: {  	s1 =	sshra.s32 s1, $0x3;
	s2 =	simm.s32 @!p2 $0x0  }
0x78: {  	s1 =	ssub.s32 s1, s2  }
0x79: {  	s2 =	sand.u32 $0x1FFFFFFF, s1  }
0x7a: {  	s2 =	sadd.s32 s8, s2  }
0x7b: {  	[tilespmem:s28], [sflag:$0x1] =	stream.linear.gather [hbm4b:s2+s7], $0x288, $0x38;
	[tilespmem:$0x81C0] =	vst v63  }
0x7c: {  	_ =	swait.ge [sflag:s21], $0x288  }
0x7d: {  	[sflag:s21] =	ssyncset.done $0x0  }
0x7e: {  	s6 =	simm.s32 $0x77B0;
	[sflag:s21] =	ssyncadd.s32 $0xFFFFFD78  }
0x7f: {  	p2 =	sne.s32 s11, $0x1;
	s2 =	simm.s32 $0x7530;
	v7 =	vld [tilespmem:s6+$0x0]  }
.Ltmp8:
0x80: {  	v10 =	vld [tilespmem:s2+$0x0];
	(pc) =	sbr.rel @!p2 .LBB2_12-.Ltmp8, $2  }
0x81: {  	_ =	sdelay $0x2  }
0x82: {  	v9 =	vimm.f32 $-Inf;
	s4 =	sadd.s32 $0xFFFFFFFF, s11;
	s22 =	simm.s32 $0x77C0;
	s24 =	simm.s32 $0x7530;
	v8 =	vimm.f32 $-Inf  }
.LBB2_11:
0x83: {  	vm6 =	vgt.s32 v10, $0x0;
	v11 =	vmax.f32 v8, v7;
	v7 =	vld [tilespmem:s22+$0x0];
	s24 =	sadd.s32 $0x10, s24;
	p2 =	sne.s32 s4, $0x1  }
.Ltmp9:
0x84: {  	s4 =	sadd.s32 $0xFFFFFFFF, s4;
	v10 =	vld [tilespmem:s24+$0x0];
	v8 =	vsel vm6, v8, v11;
	(pc) =	sbr.rel @p2 .LBB2_11-.Ltmp9, $2  }
0x85: {  	_ =	sdelay $0x2  }
0x86: {  	s22 =	sadd.s32 $0x10, s22  }
.LBB2_12:
0x87: {  	vm6 =	vgt.s32 v10, $0x0;
	v7 =	vmax.f32 v8, v7  }
0x88: {  	v7 =	vsel vm6, v8, v7  }
0x89: {  	(xrf0) =	vmax.scan.msk.f32 $0xffff, v7;
	v7 =	vld [tilespmem:s2+$0x0];
	_ =	sdelay $0x1  }
0x8a: {  	p2 =	sne.s32 s19, $0x10  }
.Ltmp10:
0x8b: {  	_ = 	snop;
	(pc) =	sbr.rel @!p2 .LBB2_13-.Ltmp10, $4  }
0x8c: {  	_ = 	snop  }
0x8d: {  	s1 =	sshll.u32 s1, $0x3;
	s22 =	simm.s32 $0x0;
	p3 =	por $0x0, $0x0;
	vm7 =	veq.s32 v7, $0x0  }
0x8e: {  	v10 =	vimm.s32 $0x0;
	p4 =	por $0x0, $0x0;
	p5 =	por $0x0, $0x0;
	s0 =	ssub.s32 s0, s1;
	v7, _, _ =	vpop (xrf0);
	v12 =	vsel vm7, $0x1, v1  }
0x8f: {  	p6 =	por $0x0, $0x0;
	s1 =	simm.s32 $0x10;
	v8 =	vimm.f32 $0.0e+00;
	v11 =	vmov s0;
	s0 =	simm.s32 $0x7540;
	v7 =	vbroadcast v7, $0xF;
	(xrf0) =	vadd.scan.msk.s32 $0xffff, v12  }
0x90: {  	v12 =	vld [tilespmem:s0+$0x0];
	_ =	sdelay $0x1  }
0x91: {  	p2 =	sne.s32 s19, $0x20  }
.Ltmp11:
0x92: {  	_ = 	snop;
	(pc) =	sbr.rel @!p2 .LBB2_15-.Ltmp11, $4  }
0x93: {  	vm9 =	vmmov vm7  }
0x94: {  	v13 =	vsel vm9, $0xFFFFFFFF, v1;
	vm7 =	veq.s32 v12, $0x0  }
0x95: {  	v62 =	vadd.s32 v13, v11;
	v63, _, _ =	vpop (xrf0);
	v14 =	vsel vm7, $0x1, v1  }
0x96: {  	s0 =	simm.s32 $0x20;
	s2 =	simm.s32 $0x7550;
	p3 =	por $0x1, $0x1;
	v17 =	vadd.s32 v63, v62;
	(xrf0) =	vadd.scan.msk.s32 $0xffff, v14  }
0x97: {  	v12 =	vld [tilespmem:s2+$0x0];
	_ =	sdelay $0x1  }
0x98: {  	vm11 =	vmmov vm9;
	vm9 =	vmmov vm7;
	p2 =	sne.s32 s19, $0x30  }
.Ltmp12:
0x99: {  	v13 =	vmpcnt.ones.xlane vm11;
	v14 =	vsel vm9, $0xFFFFFFFF, v1;
	(pc) =	sbr.rel @!p2 .LBB2_17-.Ltmp12, $4  }
0x9a: {  	_ = 	snop  }
0x9b: {  	v16 =	vadd.s32 v11, v13;
	vm7 =	veq.s32 v12, $0x0  }
0x9c: {  	v23 =	vld.idx.msk [tilespmem:v17+s28+$0x0], $0xffff;
	v13 =	vadd.s32 v14, v16;
	v14, _, _ =	vpop (xrf0);
	v15 =	vsel vm7, $0x1, v1  }
0x9d: {  	s24 =	simm.s32 $0x30;
	s2 =	simm.s32 $0x7560;
	p4 =	por $0x1, $0x1;
	v12 =	vld [tilespmem:s6+$0x0];
	v17 =	vadd.s32 v14, v13;
	(xrf0) =	vadd.scan.msk.s32 $0xffff, v15  }
0x9e: {  	_ = 	snop  }
0x9f: {  	v13 =	vld [tilespmem:s2+$0x0];
	_ =	sdelay $0x1  }
0xa0: {  	vm12 =	vmmov vm9;
	vm6 =	vmmov vm11  }
0xa1: {  	vm9 =	vmmov vm7;
	p2 =	sne.s32 s19, $0x40;
	v18 =	vmpcnt.ones.xlane vm12;
	v14 =	vadd.f32 v23, v12  }
.Ltmp13:
0xa2: {  	v19 =	vadd.s32 s22, v0;
	v21 =	vsel vm9, $0xFFFFFFFF, v1;
	v15 =	vsub.f32 v12, v7;
	(pc) =	sbr.rel @!p2 .LBB2_19-.Ltmp13, $4  }
0xa3: {  	v16 =	vadd.s32 v16, v18;
	vm7 =	veq.s32 v13, $0x0;
	v14 =	vnsel vm6, $0xFF800000, v14  }
0xa4: {  	v20 =	vld.idx.msk [tilespmem:v17+s28+$0x0], $0xffff;
	v13 =	vadd.s32 v21, v16;
	v17, _, _ =	vpop (xrf0);
	v15 =	vmul.f32 $1.442695020e+00, v15;
	vm8 =	vgt.f32 v14, v9  }
0xa5: {  	s4 =	simm.s32 $0x77C0;
	v17 =	vadd.s32 v17, v13;
	v22 =	vsel vm8, v14, v9;
	v14 =	vsel vm7, $0x1, v1  }
0xa6: {  	s2 =	simm.s32 $0x40;
	s22 =	simm.s32 $0x7570;
	p5 =	por $0x1, $0x1;
	v24 =	vld [tilespmem:s4+$0x0];
	(erf) = vpow2.f32 v15;
	v21 =	vsel vm8, v19, v10;
	(xrf0) =	vadd.scan.msk.s32 $0xffff, v14;
	v14 =	vsel vm8, v12, v8  }
0xa7: {  	v12 =	vld [tilespmem:s22+$0x0]  }
0xa8: {  	vm11 =	vmmov vm9  }
0xa9: {  	vm9 =	vmmov vm7;
	v18 =	vmpcnt.ones.xlane vm11  }
0xaa: {  	vm10 =	vmmov vm12;
	v19 =	vsel vm9, $0xFFFFFFFF, v1  }
0xab: {  	p2 =	sne.s32 s19, $0x50;
	v16 =	vadd.s32 v16, v18;
	v13 =	vadd.f32 v20, v24;
	v15 =	vsub.f32 v24, v7  }
.Ltmp14:
0xac: {  	v25 =	vadd.s32 s1, v0;
	v23 =	vld.idx.msk [tilespmem:v17+s28+$0x0], $0xffff;
	s4 =	simm.s32 $0x77D0;
	vm7 =	veq.s32 v12, $0x0;
	v12 =	vadd.s32 v19, v16;
	v17, _, _ =	vpop (xrf0);
	(pc) =	sbr.rel @!p2 .LBB2_21-.Ltmp14, $4  }
0xad: {  	v13 =	vnsel vm10, $0xFF800000, v13;
	v15 =	vmul.f32 $1.442695020e+00, v15;
	v17 =	vadd.s32 v17, v12;
	v12 =	vld [tilespmem:s4+$0x0]  }
0xae: {  	vm8 =	vmmov vm6;
	vm13 =	vgt.f32 v13, v22  }
0xaf: {  	v19 =	vsel vm13, v13, v22;
	v13 =	vsel vm7, $0x1, v1;
	(erf) = vpow2.f32 v15  }
0xb0: {  	s22 =	simm.s32 $0x50;
	s25 =	simm.s32 $0x7580;
	p6 =	por $0x1, $0x1;
	v18 =	vsel vm13, v25, v21;
	v25 =	vpop (erf);
	v15 =	vimm.f32 $0.0e+00;
	(xrf0) =	vadd.scan.msk.s32 $0xffff, v13;
	v13 =	vsel vm13, v24, v14  }
.LBB2_22:
0xb1: {  	v26 =	vld [tilespmem:s25+$0x0];
	v25 =	vnsel vm8, $0x0, v25;
	vm8 =	vmmov vm10;
	vm10 =	vmmov vm11;
	s29 =	smov.u32 s22;
	s22 =	sadd.s32 $0x10, s22  }
0xb2: {  	vm11 =	vmmov vm9;
	p2 =	sne.s32 s19, s22;
	v27 =	vadd.f32 v23, v12;
	v28 =	vsub.f32 v12, v7;
	v29 =	vmovc v12  }
0xb3: {  	vm9 =	vmmov vm7;
	v30 =	vmpcnt.ones.xlane vm11;
	v15 =	vadd.f32 v25, v15  }
.Ltmp15:
0xb4: {  	s4 =	sadd.s32 $0x10, s4;
	v25 =	vadd.s32 s0, v0;
	s0 =	smov.u32 s24;
	v23 =	vld.idx.msk [tilespmem:v17+s28+$0x0], $0xffff;
	v17 =	vnsel vm10, $0xFF800000, v27;
	v27 =	vmul.f32 $1.442695020e+00, v28;
	(pc) =	sbr.rel @p2 .LBB2_22-.Ltmp15, $4  }
0xb5: {  	v31 =	vsel vm9, $0xFFFFFFFF, v1;
	s24 =	smov.u32 s2;
	s2 =	smov.u32 s29;
	v16 =	vadd.s32 v16, v30;
	v12 =	vld [tilespmem:s4+$0x0];
	vm13 =	vgt.f32 v17, v19  }
0xb6: {  	vm7 =	veq.s32 v26, $0x0;
	v26 =	vadd.s32 v31, v16;
	v28, _, _ =	vpop (xrf0);
	v19 =	vsel vm13, v17, v19  }
0xb7: {  	v30 =	vsel vm7, $0x1, v1;
	v17 =	vadd.s32 v28, v26;
	(erf) = vpow2.f32 v27  }
0xb8: {  	s25 =	sadd.s32 $0x10, s25;
	v18 =	vsel vm13, v25, v18;
	v13 =	vsel vm13, v29, v13;
	(xrf0) =	vadd.scan.msk.s32 $0xffff, v30;
	v25 =	vpop (erf)  }
0xb9: {  	s25 =	smov.u32 s24;
	s22 =	smov.u32 s0;
	s24 =	smov.u32 s2  }
.LBB2_24:
0xba: {  	vm9 =	vmmov @p3 vm9  }
0xbb: {  	v26 =	vmpcnt.ones.xlane @p3 vm9;
	_ =	sdelay $0x1  }
0xbc: {  	vm13 =	vmmov vm7;
	v16 =	vadd.s32 @p3 v16, v26  }
0xbd: {  	v55 =	vsel vm13, $0xFFFFFFFF, v1;
	v11 =	vpsel p3, v16, v11  }
0xbe: {  	s0 =	sadd.s32 @p4 $0x10, s4;
	s2 =	simm.s32 $0x77B0;
	v56, _, _ =	vpop (xrf0);
	v11 =	vadd.s32 v55, v11  }
0xbf: {  	s2 =	smov.u32 @p4 s0;
	v16 =	vld.idx.msk @p3 [tilespmem:v17+s28+$0x0], $0xffff;
	v11 =	vadd.s32 v56, v11  }
0xc0: {  	v17 =	vld @p3 [tilespmem:s2+$0x0]  }
0xc1: {  	s0 =	sadd.s32 @p3 $0x10, s2  }
0xc2: {  	s6 =	smov.u32 @p3 s0  }
0xc3: {  	v23 =	vadd.f32 @p4 v23, v12;
	v57 =	vld [tilespmem:s6+$0x0]  }
0xc4: {  	vm14 =	vmmov @p4 vm11;
	v11 =	vld.idx.msk [tilespmem:v11+s28+$0x0], $0xffff  }
0xc5: {  	v23 =	vnsel @p4 vm14, $0xFF800000, v23;
	v17 =	vpsel p3, v17, v24;
	v16 =	vpsel p3, v16, v20  }
0xc6: {  	vm12 =	vmmov @p3 vm9;
	vm7 =	vgt.f32 @p4 v23, v19;
	v16 =	vadd.f32 @p3 v16, v17  }
0xc7: {  	vm15 =	vmmov @p3 vm12;
	v19 =	vsel @p4 vm7, v23, v19  }
0xc8: {  	v19 =	vpsel p4, v19, v22;
	v16 =	vnsel @p3 vm15, $0xFF800000, v16  }
0xc9: {  	vm13 =	vmmov vm13;
	vm9 =	vgt.f32 @p3 v16, v19;
	v11 =	vadd.f32 v11, v57  }
0xca: {  	vm12 =	vmmov vm13;
	v16 =	vsel @p3 vm9, v16, v19  }
0xcb: {  	v9 =	vpsel p3, v16, v9;
	v11 =	vnsel vm12, $0xFF800000, v11  }
0xcc: {  	vm11 =	vgt.f32 v11, v9  }
0xcd: {  	v9 =	vsel vm11, v11, v9  }
0xce: {  	(xrf0) =	vmax.scan.msk.f32 $0xffff, v9;
	_ =	sdelay $0x2  }
0xcf: {  	s0 =	smov.u32 @p3 s25;
	v11 =	vadd.s32 @p4 s22, v0  }
0xd0: {  	s1 =	smov.u32 @p3 s0;
	v11 =	vsel @p4 vm7, v11, v18  }
0xd1: {  	v16 =	vadd.s32 @p3 s1, v0;
	v11 =	vpsel p4, v11, v21  }
0xd2: {  	v11 =	vsel @p3 vm9, v16, v11;
	v58, _, _ =	vpop (xrf0)  }
0xd3: {  	v59 =	vadd.s32 s24, v0;
	v10 =	vpsel p3, v11, v10;
	v16 =	vbroadcast v58, $0xF  }
0xd4: {  	v10 =	vsel vm11, v59, v10  }
0xd5: {  	v11 =	vsub.f32 @p4 v12, v7;
	v60 =	vxor.u32 $0x80000000, v10;
	vm13 =	veq.f32 v9, v16  }
0xd6: {  	v9 =	vnsel vm13, $0xFFFFFFFF, v60  }
0xd7: {  	(xrf0) =	vmin.scan.msk.u32 $0xffff, v9;
	v9 =	vmul.f32 @p4 $1.442695020e+00, v11;
	_ =	sdelay $0x1  }
0xd8: {  	(erf) = vpow2.f32 @p4 v9  }
0xd9: {  	v11 =	vsub.f32 @p3 v17, v7;
	_ =	sdelay $0x1  }
0xda: {  	v9 =	vmul.f32 @p3 $1.442695020e+00, v11;
	v11 =	vnsel @p6 vm8, $0x0, v25  }
0xdb: {  	v11 =	vadd.f32 @p6 v11, v15;
	v15 =	vpop @p5 (erf)  }
0xdc: {  	v62 =	vsub.f32 v57, v7;
	(erf) = vpow2.f32 @p3 v9;
	v61, _, _ =	vpop (xrf0)  }
0xdd: {  	v15 =	vpsel p5, v15, v0;
	(v2sf) =	vpush v61, $0xF  }
0xde: {  	vm6 =	vmmov @p4 vm14;
	vm8 =	vmmov @p5 vm10;
	v9 =	vmul.f32 $1.442695020e+00, v62  }
0xdf: {  	vm6 =	vmmov @p4 vm6;
	vm8 =	vmmov @p5 vm8  }
0xe0: {  	v11 =	vpsel p6, v11, v8;
	(erf) = vpow2.f32 v9;
	v9 =	vnsel @p5 vm8, $0x0, v15;
	v15 =	vpop @p4 (erf)  }
0xe1: {  	vm6 =	vmmov @p4 vm6;
	v9 =	vadd.f32 @p5 v9, v11;
	v11 =	vpsel p4, v15, v0  }
0xe2: {  	v11 =	vnsel @p4 vm6, $0x0, v11;
	_ =	sdelay $0x1  }
0xe3: {  	vm8 =	vmmov @p3 vm15;
	v9 =	vpsel p5, v9, v8  }
0xe4: {  	vm6 =	vmmov @p3 vm8;
	v9 =	vadd.f32 @p4 v11, v9;
	v11 =	vpop @p3 (erf)  }
0xe5: {  	vm6 =	vmmov @p3 vm6;
	v11 =	vpsel p3, v11, v0  }
0xe6: {  	v11 =	vnsel @p3 vm6, $0x0, v11  }
0xe7: {  	v9 =	vpsel p4, v9, v8  }
0xe8: {  	v9 =	vadd.f32 @p3 v11, v9  }
0xe9: {  	v63 =	vpop (erf);
	vm6 =	vmmov vm12;
	v11 =	vmov @p4 v12  }
0xea: {  	v9 =	vpsel p3, v9, v8;
	v12 =	vnsel vm6, $0x0, v63;
	v11 =	vsel @p4 vm7, v11, v13  }
0xeb: {  	v13 =	vmov @p3 v17;
	v9 =	vadd.f32 v12, v9;
	s24 =	spop (v2sf);
	v11 =	vpsel p4, v11, v14  }
0xec: {  	s0 =	sxor.u32 $0x80000000, s24;
	v11 =	vsel @p3 vm9, v13, v11  }
0xed: {  	vm6 =	veq.s32 v10, s0;
	(xrf2) =	vadd.scan.msk.f32 $0xffff, v9;
	v8 =	vpsel p3, v11, v8  }
0xee: {  	vm6 =	vmand vm13, vm6;
	v8 =	vsel vm11, v57, v8  }
0xef: {  	v8 =	vnsel vm6, $0xFF800000, v8  }
0xf0: {  	(xrf0) =	vmax.scan.msk.f32 $0xffff, v8;
	_ =	sdelay $0x5  }
0xf1: {  	v8, _, _ =	vpop (xrf0)  }
0xf2: {  	v9, _, _ =	vpop (xrf2);
	v8 =	vbroadcast v8, $0xF  }
0xf3: {  	v9 =	vbroadcast v9, $0xF  }
0xf4: {  	v8 =	vsel vm2, v8, v16  }
0xf5: {  	v8 =	vsel vm3, v8, v9  }
0xf6: {  	v7 =	vsel vm4, v7, v8  }
0xf7: {  	s25 =	simm.s32 $0x7D08;
	[tilespmem:$0x7D08] =	vst v7  }
0xf8: {  	[spmem:s16] =	stream.linear.scatter [tilespmem:s25], [sflag:$0x1], $0x10, $0x38;
	[tilespmem:$0x81C0] =	vst v63  }
0xf9: {  	_ =	swait.ge [sflag:s21], $0x10  }
0xfa: {  	[sflag:s21] =	ssyncset.done $0x0  }
0xfb: {  	v7 =	vmov s0;
	[sflag:s21] =	ssyncadd.s32 $0xFFFFFFF0  }
0xfc: {  	[tilespmem:$0x7CD8] =	vst v7  }
0xfd: {  	[spmem:s17] =	stream.linear.scatter [tilespmem:s30], [sflag:$0x1], $0x10, $0x38;
	[tilespmem:$0x81C0] =	vst v63  }
.Ltmp16:
0xfe: {  	_ =	swait.ge [sflag:s21], $0x10;
	(pc) =	sbr.rel .LBB2_25-.Ltmp16, $3  }
0xff: {  	s29 =	sld [smem:$0x7FD];
	_ =	sdelay $0x1  }
0x100: {  	[sflag:s21] =	ssyncset.done $0x0  }
0x101: {  	[sflag:s21] =	ssyncadd.s32 $0xFFFFFFF0;
	p3 =	seq.s32 s29, $0x1  }
.LBB2_29:
0x102: {  	[bflag:$0x0] =	sbarrier.arrive $0xFFFF  }
0x103: {  	[bflag:$0x0] =	sbarrier.arrive $0xFFFF  }
.LBB2_25:
.Ltmp17:
0x104: {  	(pc) =	sbr.rel @p1 .LBB2_27-.Ltmp17, $2  }
0x105: {  	_ =	sdelay $0x1  }
0x106: {  	[bflag:$0x0] =	sbarrier.arrive $0xFFFF;
	_ =	sdelay $0x1  }
0x107: {  	s0 =	rddreg [dreg:$0x5]  }
0x108: {  	[tilespmem:s31], [sflag:$0x1] =	stream.linear.gather [spmem:s0], $0x100, $0x38;
	[tilespmem:$0x81C0] =	vst v63  }
0x109: {  	_ =	swait.ge [sflag:s21], $0x100  }
0x10a: {  	[sflag:s21] =	ssyncset.done $0x0  }
0x10b: {  	[sflag:s21] =	ssyncadd.s32 $0xFFFFFF00  }
0x10c: {  	s22 =	rddreg [dreg:$0x6]  }
0x10d: {  	[tilespmem:s26], [sflag:$0x1] =	stream.linear.gather [spmem:s22], $0x100, $0x38;
	[tilespmem:$0x81C0] =	vst v63  }
0x10e: {  	_ =	swait.ge [sflag:s21], $0x100  }
0x10f: {  	[sflag:s21] =	ssyncset.done $0x0  }
0x110: {  	[sflag:s21] =	ssyncadd.s32 $0xFFFFFF00  }
0x111: {  	v7 =	vld.idx.msk [tilespmem:v2+s31+$0x0], $0xffff  }
0x112: {  	v8 =	vld.idx.msk [tilespmem:v5+s31+$0x0], $0xffff;
	_ =	sdelay $0x3  }
0x113: {  	(xrf0) =	vmax.scan.msk.f32 $0xffff, v7  }
0x114: {  	(xrf0) =	vmax.scan.msk.f32 $0xffff, v8;
	_ =	sdelay $0x3  }
0x115: {  	v9 =	vld.idx.msk [tilespmem:v2+s26+$0x0], $0xffff  }
0x116: {  	v10, _, _ =	vpop (xrf0)  }
0x117: {  	v11, _, _ =	vpop (xrf0)  }
0x118: {  	v11 =	vbroadcast v11, $0xF;
	_ =	sdelay $0x1  }
0x119: {  	vm6 =	veq.f32 v8, v11;
	v8 =	vxor.u32 $0x80000000, v9  }
0x11a: {  	v8 =	vnsel vm6, $0xFFFFFFFF, v8  }
0x11b: {  	(xrf0) =	vmin.scan.msk.u32 $0xffff, v8;
	_ =	sdelay $0x3  }
0x11c: {  	v8 =	vbroadcast v10, $0xF;
	_ =	sdelay $0x1  }
0x11d: {  	v7 =	vsub.f32 v7, v8;
	v59, _, _ =	vpop (xrf0)  }
0x11e: {  	(v2sf) =	vpush v59, $0xF  }
0x11f: {  	v7 =	vmul.f32 $1.442695020e+00, v7;
	_ =	sdelay $0x1  }
0x120: {  	(erf) = vpow2.f32 v7;
	_ =	sdelay $0x4  }
0x121: {  	v7 =	vld.idx.msk [tilespmem:v4+s31+$0x0], $0xffff;
	_ =	sdelay $0x3  }
0x122: {  	v60 =	vpop (erf)  }
0x123: {  	v7 =	vmul.f32 v60, v7  }
0x124: {  	v61 =	vld.idx.msk [tilespmem:v6+s31+$0x0], $0xffff  }
0x125: {  	(xrf2) =	vadd.scan.msk.f32 $0xffff, v7;
	s24 =	spop (v2sf)  }
0x126: {  	s0 =	sxor.u32 $0x80000000, s24  }
0x127: {  	vm7 =	veq.s32 v9, s0  }
0x128: {  	vm6 =	vmand vm6, vm7  }
0x129: {  	v7 =	vnsel vm6, $0xFF800000, v61  }
0x12a: {  	(xrf0) =	vmax.scan.msk.f32 $0xffff, v7;
	_ =	sdelay $0x4  }
0x12b: {  	v7, _, _ =	vpop (xrf2)  }
0x12c: {  	v7 =	vbroadcast v7, $0xF;
	v62, _, _ =	vpop (xrf0)  }
0x12d: {  	v9 =	vbroadcast v62, $0xF  }
0x12e: {  	v63 =	vmov s0;
	v7 =	vsel vm3, v7, v8  }
0x12f: {  	[tilespmem:$0x7CE8] =	vst v63;
	v7 =	vsel vm5, v7, v9  }
0x130: {  	s25 =	simm.s32 $0x7CE8;
	[tilespmem:$0x7CF8] =	vst v7  }
0x131: {  	[hbm4b:s9+s7] =	stream.linear.scatter [tilespmem:s25], [sflag:$0x1], $0x10, $0x38;
	[tilespmem:$0x81C0] =	vst v63  }
0x132: {  	_ =	swait.ge [sflag:s21], $0x10  }
0x133: {  	[sflag:s21] =	ssyncset.done $0x0  }
0x134: {  	[sflag:s21] =	ssyncadd.s32 $0xFFFFFFF0  }
.Ltmp18:
0x135: {  	s1 =	simm.s32 $0x7CF8;
	s29 =	rddreg [dreg:$0x2];
	(pc) =	sbr.rel .LBB2_27-.Ltmp18, $4  }
0x136: {  	[hbm4b:s29+s7] =	stream.linear.scatter [tilespmem:s1], [sflag:$0x1], $0x10, $0x38;
	[tilespmem:$0x81C0] =	vst v63  }
0x137: {  	_ =	swait.ge [sflag:s21], $0x10  }
0x138: {  	[sflag:s21] =	ssyncset.done $0x0  }
0x139: {  	[sflag:s21] =	ssyncadd.s32 $0xFFFFFFF0  }
.LBB2_13:
.Ltmp19:
0x13a: {  	(pc) =	sbr.rel .LBB2_24-.Ltmp19, $4  }
0x13b: {  	_ = 	snop  }
0x13c: {  	v15 =	vimm.f32 $0.0e+00  }
0x13d: {  	v19 =	vimm.f32 $-Inf;
	v18 =	vimm.s32 $0x0;
	v13 =	vimm.f32 $0.0e+00  }
0x13e: {  	s4 =	simm.s32 $0x77B0;
	v16 =	vmovc v11;
	s24 =	simm.s32 $0x0;
	v22 =	vimm.f32 $-Inf;
	v21 =	vimm.s32 $0x0;
	v14 =	vimm.f32 $0.0e+00  }
.LBB2_15:
.Ltmp20:
0x13f: {  	(pc) =	sbr.rel .LBB2_24-.Ltmp20, $4  }
0x140: {  	_ = 	snop  }
0x141: {  	v15 =	vimm.f32 $0.0e+00  }
0x142: {  	v19 =	vimm.f32 $-Inf;
	v18 =	vimm.s32 $0x0;
	v13 =	vimm.f32 $0.0e+00  }
0x143: {  	s4 =	simm.s32 $0x77B0;
	s25 =	simm.s32 $0x0;
	v16 =	vmovc v11;
	s24 =	simm.s32 $0x10;
	v22 =	vimm.f32 $-Inf;
	v21 =	vimm.s32 $0x0;
	v14 =	vimm.f32 $0.0e+00  }
.LBB2_17:
.Ltmp21:
0x144: {  	(pc) =	sbr.rel .LBB2_24-.Ltmp21, $4  }
0x145: {  	_ = 	snop  }
0x146: {  	v15 =	vimm.f32 $0.0e+00  }
0x147: {  	v19 =	vimm.f32 $-Inf;
	v18 =	vimm.s32 $0x0;
	v13 =	vimm.f32 $0.0e+00  }
0x148: {  	s4 =	simm.s32 $0x77B0;
	s25 =	simm.s32 $0x10;
	s24 =	simm.s32 $0x20;
	v22 =	vimm.f32 $-Inf;
	v21 =	vimm.s32 $0x0;
	v14 =	vimm.f32 $0.0e+00  }
.LBB2_19:
.Ltmp22:
0x149: {  	_ = 	snop;
	(pc) =	sbr.rel .LBB2_24-.Ltmp22, $3  }
0x14a: {  	_ =	sdelay $0x1  }
0x14b: {  	vm10 =	vmmov vm6;
	vm11 =	vmmov vm12;
	v15 =	vimm.f32 $0.0e+00  }
0x14c: {  	s22 =	simm.s32 $0x10;
	s25 =	simm.s32 $0x20;
	v19 =	vmovc v22;
	v18 =	vmovc v21;
	v13 =	vmov v14;
	v23 =	vmov v20;
	v12 =	vmov v24  }
.LBB2_21:
.Ltmp23:
0x14d: {  	(pc) =	sbr.rel .LBB2_24-.Ltmp23, $2  }
0x14e: {  	_ =	sdelay $0x2  }
0x14f: {  	v15 =	vimm.f32 $0.0e+00;
	s22 =	simm.s32 $0x20;
	s25 =	simm.s32 $0x30;
	s24 =	simm.s32 $0x40  }
.LBB2_28:
0x150: {  	_ =	sfence.sel $0x180000  }
0x151: {  	[bflag:$0x0] =	sbarrier.arrive $0xFFFF  }
0x152: {  	_ =	strace $0x9000004D  }
0x153: {  	[bflag:$0x2] =	sbarrier.arrive $0xFFFF  }
0x154: {  	s0 =	rddreg [dreg:$0x7]  }
0x155: {  	s0 =	sadd.s32 @!p0 $0x100000, s0  }
0x156: {  	[sflag:s0] =	ssyncadd.tile.s32 @!p0 $0x1;
	_ =	shalt  }
.Lfunc_end2:
_tile_overlayer_lowered:
.L_overlay_start_2:
0x157: {  	(tag) =	ssettag $0x2  }
0x158: {  	s0 =	rddreg [dreg:$0x0];
	s2 =	stileid.u32  }
0x159: {  	s1 =	rddreg [dreg:$0x1];
	p0 =	sne.s32 s2, $0x0  }
0x15a: {  	s3 =	rddreg [dreg:$0x2];
	[bflag:$0x3] =	sbarrier.arrive $0xFFFF;
	s2 =	simm.s32 @!p0 $0x1C01  }
0x15b: {  	[timem:s3], [sflag:s2] =	dma.local @!p0 [hbm:s0], s1  }
0x15c: {  	s0 =	simm.s32 @!p0 $0x1  }
0x15d: {  	_ =	swait.ge @!p0 [sflag:s0], s1  }
0x15e: {  	s1 =	ssub.s32 @!p0 $0x0, s1;
	[sflag:s0] =	ssyncset.done @!p0 $0x0  }
0x15f: {  	[sflag:s0] =	ssyncadd.s32 @!p0 s1  }
0x160: {  	[bflag:$0x3] =	sbarrier.arrive $0xFFFF  }
0x161: {  	_ =	shalt  }

// kernel: kernel.8.cloned.1.call-start
scs
__scs_entry_jumppad:
0x0: {  	(pc) =	sbr.rel $0x88, $3  }
0x1: {  	(tag) =	ssettag $0x0;
	lr =	simm.s32 $0x1  }
0x2: {  	[smem:$0x3F95] =	sst lr;
	_ =	strace $0xD0000000  }
0x3: {  	_ = 	snop  }
0x4: {  	_ = 	snop  }
0x5: {  	_ = 	snop  }
0x6: {  	_ = 	snop  }
0x7: {  	_ = 	snop  }
__scs_overlays_trampoline_lowered:
0x8: {  	[smem:$0x3FA4] =	sst s0  }
0x9: {  	[smem:$0x3FA5] =	sst s1  }
0xa: {  	[smem:$0x3FA6] =	sst s2  }
0xb: {  	[smem:$0x3FA7] =	sst s3  }
0xc: {  	[smem:$0x3FA8] =	sst s4  }
0xd: {  	[smem:$0x3FA9] =	sst s5  }
0xe: {  	[smem:$0x3FAA] =	sst s6  }
0xf: {  	[smem:$0x3FAB] =	sst s7  }
0x10: {  	[smem:$0x3FAC] =	sst s8  }
0x11: {  	[smem:$0x3FAD] =	sst s9;
	s0 =	simm.s32 @!p0 $0x0  }
0x12: {  	s1 =	sld [smem:$0x3F93];
	s0 =	simm.s32 @p0 $0x1  }
0x13: {  	[smem:$0x3FAE] =	sst s0;
	s0 =	simm.s32 @!p1 $0x0  }
0x14: {  	s2 =	sld [smem:$0x3F92];
	s0 =	simm.s32 @p1 $0x1  }
0x15: {  	[smem:$0x3FAF] =	sst s0;
	s0 =	simm.s32 @!p2 $0x0  }
0x16: {  	s3 =	sld [smem:$0x3FDB];
	s0 =	simm.s32 @p2 $0x1  }
0x17: {  	s4 =	simm.s32 $0x1BF5;
	[smem:$0x3FB1] =	sst s0  }
0x18: {  	s0 =	sld [smem:$0x3F94];
	_ =	swait.ge [sflag:s4], $0x0  }
0x19: {  	s7 =	sld [smem:$0x3F95]  }
0x1a: {  	s8 =	sadd.s32 $0xFFFFE003, lr  }
0x1b: {  	s9 =	sadd.s32 $0xFFFFFEF7, lr;
	s5 =	simm.s32 $0xFFFFFFFF;
	p2 =	slt.u32 s8, $0xFFFFF086  }
0x1c: {  	p1 =	slt.u32 s9, $0xF7A;
	s5 =	simm.s32 @!p2 $0x0  }
0x1d: {  	s5 =	simm.s32 @p1 $0x1;
	p0 =	seq.s32 s7, s2  }
0x1e: {  	s7 =	smul.u32 @!p0 $0xF7A, s2;
	p2 =	seq.s32 @!p0 s5, $0x0  }
0x1f: {  	s9 =	smul.u32 $0xF7A, s1;
	s8 =	simm.s32 @!p0 $0x1BF5;
	p2 =	por !p2, p0  }
0x20: {  	[sflag:s8] =	ssyncset.s32 @!p0 $0xFFFFF086;
	s6 =	sadd.s32 @!p0 s3, s7;
	s7 =	simm.s32 @!p0 $0x108  }
0x21: {  	s3 =	sadd.s32 s3, s9;
	s6 =	sadd.s32 @!p0 $0x88, s6;
	s7 =	simm.s32 @p2 $0x1082  }
0x22: {  	[simem:s7], [sflag:s8] =	dma.local @!p0 [hbm:s6], $0xF7A  }
0x23: {  	s9 =	sor.u32 $0xD0000000, s2;
	s6 =	simm.s32 $0x108;
	_ =	swait.ge @!p0 [sflag:s8], $0x0  }
0x24: {  	s3 =	sadd.s32 $0x88, s3;
	s6 =	simm.s32 @!p1 $0x1082;
	[sflag:s4] =	ssyncset.s32 $0xFFFFF086  }
0x25: {  	[simem:s6], [sflag:s4] =	dma.local [hbm:s3], $0xF7A  }
0x26: {  	[smem:$0x3F95] =	sst s1;
	(tag) =	ssettag s2;
	_ =	strace s9  }
0x27: {  	s1 =	sld [smem:$0x3FA5]  }
0x28: {  	s2 =	sld [smem:$0x3FA6]  }
0x29: {  	s4 =	sld [smem:$0x3FA8]  }
0x2a: {  	p0 =	seq.s32 s5, $0x0;
	s5 =	sld [smem:$0x3FA9]  }
0x2b: {  	s6 =	sld [smem:$0x3FAA]  }
0x2c: {  	s7 =	sld [smem:$0x3FAB]  }
0x2d: {  	s3 =	simm.s32 $0x108;
	s8 =	sld [smem:$0x3FAC]  }
0x2e: {  	s3 =	simm.s32 @!p0 $0x1082;
	s9 =	sld [smem:$0x3FAD]  }
0x2f: {  	lr =	sadd.s32 s0, s3;
	s0 =	sld [smem:$0x3FA4]  }
0x30: {  	s3 =	sld [smem:$0x3FA7]  }
0x31: {  	[smem:$0x3FB0] =	sst s10  }
0x32: {  	s10 =	sld [smem:$0x3FAE];
	_ =	sdelay $0x3  }
0x33: {  	p0 =	seq.s32 s10, $0x1;
	s10 =	sld [smem:$0x3FB0];
	_ =	sdelay $0x3  }
0x34: {  	[smem:$0x3FB0] =	sst s10  }
0x35: {  	s10 =	sld [smem:$0x3FAF];
	_ =	sdelay $0x3  }
0x36: {  	p1 =	seq.s32 s10, $0x1;
	s10 =	sld [smem:$0x3FB0];
	_ =	sdelay $0x3  }
0x37: {  	[smem:$0x3FB0] =	sst s10  }
0x38: {  	s10 =	sld [smem:$0x3FB1]  }
0x39: {  	_ = 	snop;
	(pc) =	sbr.ind lr, $3  }
0x3a: {  	_ = 	snop  }
0x3b: {  	_ = 	snop  }
0x3c: {  	p2 =	seq.s32 s10, $0x1;
	s10 =	sld [smem:$0x3FB0]  }
0x3d: {  	_ =	shalt  }
0x3e: {  	_ =	shalt  }
0x3f: {  	_ =	shalt  }
0x40: {  	_ =	shalt  }
0x41: {  	_ =	shalt  }
0x42: {  	_ =	shalt  }
0x43: {  	_ =	shalt  }
0x44: {  	_ =	shalt  }
0x45: {  	_ =	shalt  }
0x46: {  	_ =	shalt  }
0x47: {  	_ =	shalt  }
0x48: {  	_ =	shalt  }
0x49: {  	_ =	shalt  }
0x4a: {  	_ =	shalt  }
0x4b: {  	_ =	shalt  }
0x4c: {  	_ =	shalt  }
0x4d: {  	_ =	shalt  }
0x4e: {  	_ =	shalt  }
0x4f: {  	_ =	shalt  }
0x50: {  	_ =	shalt  }
0x51: {  	_ =	shalt  }
0x52: {  	_ =	shalt  }
0x53: {  	_ =	shalt  }
0x54: {  	_ =	shalt  }
0x55: {  	_ =	shalt  }
0x56: {  	_ =	shalt  }
0x57: {  	_ =	shalt  }
0x58: {  	_ =	shalt  }
0x59: {  	_ =	shalt  }
0x5a: {  	_ =	shalt  }
0x5b: {  	_ =	shalt  }
0x5c: {  	_ =	shalt  }
0x5d: {  	_ =	shalt  }
0x5e: {  	_ =	shalt  }
0x5f: {  	_ =	shalt  }
0x60: {  	_ =	shalt  }
0x61: {  	_ =	shalt  }
0x62: {  	_ =	shalt  }
0x63: {  	_ =	shalt  }
0x64: {  	_ =	shalt  }
0x65: {  	_ =	shalt  }
0x66: {  	_ =	shalt  }
0x67: {  	_ =	shalt  }
0x68: {  	_ =	shalt  }
0x69: {  	_ =	shalt  }
0x6a: {  	_ =	shalt  }
0x6b: {  	_ =	shalt  }
0x6c: {  	_ =	shalt  }
0x6d: {  	_ =	shalt  }
0x6e: {  	_ =	shalt  }
0x6f: {  	_ =	shalt  }
0x70: {  	_ =	shalt  }
0x71: {  	_ =	shalt  }
0x72: {  	_ =	shalt  }
0x73: {  	_ =	shalt  }
0x74: {  	_ =	shalt  }
0x75: {  	_ =	shalt  }
0x76: {  	_ =	shalt  }
0x77: {  	_ =	shalt  }
0x78: {  	_ =	shalt  }
0x79: {  	_ =	shalt  }
0x7a: {  	_ =	shalt  }
0x7b: {  	_ =	shalt  }
0x7c: {  	_ =	shalt  }
0x7d: {  	_ =	shalt  }
0x7e: {  	_ =	shalt  }
0x7f: {  	_ =	shalt  }
0x80: {  	_ =	shalt  }
0x81: {  	_ =	shalt  }
0x82: {  	_ =	shalt  }
0x83: {  	_ =	shalt  }
0x84: {  	_ =	shalt  }
0x85: {  	_ =	shalt  }
0x86: {  	_ =	shalt  }
0x87: {  	_ =	shalt  }
.Lfunc_end0:
.L_simem_size_0:
called_computation_lowered:
.L_overlay_start_0:
0x88: {  	s2 =	sld [smem:$0x3FD9]  }
0x89: {  	s3 =	sld [smem:$0x3FFE];
	_ =	sdelay $0x1  }
0x8a: {  	s1 =	srdreg.scid  }
0x8b: {  	s0 =	sand.u32 $0x1, s1  }
0x8c: {  	s17 =	sshll.u32 s0, $0xA;
	s2 =	sadd.s32 s3, s2  }
0x8d: {  	s2 =	sadd.s32 s2, s17  }
0x8e: {  	[smem:$0x3FBC] =	sst s2  }
0x8f: {  	_ = 	snop  }
0x90: {  	s2 =	sld [smem:$0x3FC9];
	(tm) =	ssettm $0x1  }
0x91: {  	s18 =	sld [smem:$0x3FFB];
	_ =	sdelay $0x3  }
0x92: {  	_ =	strace s18  }
0x93: {  	s3 =	sld [smem:$0x3FFC];
	_ =	sdelay $0x3  }
0x94: {  	_ =	strace s3  }
0x95: {  	s3 =	sld [smem:$0x3FFD];
	_ =	sdelay $0x3  }
0x96: {  	_ =	strace s3  }
0x97: {  	_ =	strace $0x8FFFFFFF  }
0x98: {  	s19 =	sld [smem:$0x3FDB];
	_ =	sdelay $0x1  }
0x99: {  	s4 =	simm.s32 $_scs_section_size  }
0x9a: {  	s5 =	simm.s32 $_size__tile_overlayer_lowered;
	s6 =	simm.s32 $_tile_overlayer_lowered  }
0x9b: {  	s22 =	simm.s32 $0x1BFF;
	s21 =	sshll.u32 s6, $0x1;
	s3 =	sadd.s32 s4, s19  }
0x9c: {  	s7 =	simm.s32 $0x0;
	s20 =	sshll.u32 s5, $0x1;
	s5 =	sadd.s32 s21, s3  }
0x9d: {  	[timem:s7], [sflag:s22] =	dma.local [hbm:s5], s20  }
0x9e: {  	_ =	swait.ge [sflag:s22], s20  }
0x9f: {  	s4 =	ssub.s32 $0x0, s20;
	[sflag:s22] =	ssyncset.done $0x0  }
0xa0: {  	[sflag:s22] =	ssyncadd.s32 s4;
	_ =	sdelay $0x1  }
0xa1: {  	s23 =	simm.s32 $0x1B8B  }
0xa2: {  	_ =	swait.ge [sflag:s23], $0x1  }
0xa3: {  	[sflag:s23] =	ssyncset.done $0x0  }
0xa4: {  	s25 =	simm.s32 $0x1B8E;
	s24 =	sld [smem:$0x3FFE];
	[sflag:s23] =	ssyncadd.s32 $0xFFFFFFFF  }
0xa5: {  	s26 =	simm.s32 $execute0_lowered;
	[smem:$0x3FD2] =	sst s25  }
0xa6: {  	s5 =	sshll.u32 s26, $0x1;
	_ =	strace $0x80000046;
	[dreg:$0x1] =	wrdreg $0xFFFFFFFF  }
0xa7: {  	s28 =	simm.s32 $_size_execute0_lowered;
	s3 =	sadd.s32 s3, s5;
	[dreg:$0x0] =	wrdreg $0x0  }
0xa8: {  	s5 =	sshll.u32 s28, $0x1;
	[dreg:$0x2] =	wrdreg s3  }
0xa9: {  	[dreg:$0x3] =	wrdreg s5  }
0xaa: {  	[dreg:$0x4] =	wrdreg $0xC0  }
0xab: {  	_ =	task [dreg:s7], $0x5FFFF  }
0xac: {  	[dreg:$0x1] =	wrdreg $0xFFFFFFFF  }
0xad: {  	[dreg:$0x0] =	wrdreg $0x60  }
0xae: {  	[dreg:$0x2] =	wrdreg s24  }
0xaf: {  	[dreg:$0x3] =	wrdreg s2  }
0xb0: {  	[dreg:$0x4] =	wrdreg $0xBF100  }
0xb1: {  	[dreg:$0x5] =	wrdreg $0x9  }
0xb2: {  	_ =	task.clear_ibuf [dreg:s7], $0x6FFFF;
	_ =	strace $0x90000046  }
0xb3: {  	s29 =	simm.s32 $0x9;
	_ =	strace $0x80000048  }
0xb4: {  	_ =	swait.ge [sflag:s29], $0x1  }
0xb5: {  	[sflag:s29] =	ssyncadd.s32 $0xFFFFFFFF  }
0xb6: {  	_ =	strace $0x90000048  }
0xb7: {  	_ =	sfence  }
0xb8: {  	s30 =	sld [smem:$0x0];
	_ =	sdelay $0x2  }
0xb9: {  	s31 =	sshll.u32 s1, $0xD;
	s1 =	sshrl.u32 s1, $0x2  }
0xba: {  	s3 =	sand.u32 $0x4000, s31;
	s1 =	sadd.s32 s1, s30  }
0xbb: {  	s0 =	sor.u32 s3, s0;
	s1 =	sshll.u32 s1, $0x11  }
0xbc: {  	s0 =	sor.u32 s1, s0  }
0xbd: {  	s0 =	sadd.s32 $0x8F2B, s0  }
0xbe: {  	[sflag:s0] =	ssyncadd.remote.s32 $0x1  }
0xbf: {  	_ =	sfence.sel $0xFFFF  }
0xc0: {  	[dreg:$0x0] =	wrdreg $0xFFFFFFFF;
	(pc) =	sbr.abs _section_cstart, $3  }
0xc1: {  	[dreg:$0x1] =	wrdreg $0xFFFFFFFF  }
0xc2: {  	_ =	task.clear_ibuf [dreg:s7], $0x2FFFF;
	_ =	strace $0x9FFFFFFF  }
0xc3: {  	(tm) =	ssettm $0x7FFFFFFF  }
tec
execute0_lowered:
.L_overlay_start_1:
0x0: {  	(tag) =	ssettag $0x1  }
0x1: {  	s0 =	rddreg [dreg:$0x0]  }
0x2: {  	s1 =	srdreg.scid;
	s2 =	rddreg [dreg:$0x1]  }
0x3: {  	s22 =	stileid.u32;
	s3 =	rddreg [dreg:$0x2]  }
0x4: {  	s4 =	simm.s32 $0x0;
	s20 =	simm.s32 $0x5;
	s21 =	simm.s32 $0x1388  }
0x5: {  	s23 =	simm.s32 $0x98;
	s24 =	simm.s32 $0x1;
	s6 =	smul.u32 $0x1388, s22  }
0x6: {  	s29 =	simm.s32 $0x3;
	s31 =	simm.s32 $0x4;
	s7 =	smul.u32 $0x4E000, s22  }
0x7: {  	s30 =	simm.s32 $0x0;
	s1 =	sand.u32 $0x1, s1;
	s10 =	smul.u32 $0x270, s22  }
0x8: {  	[smem:$0x7FF] =	sst s4;
	s12 =	sadd.s32 $0x138000, s3;
	s5 =	smul.u32 $0x13880, s1  }
0x9: {  	p0 =	sne.s32 s22, $0xF;
	s22 =	simm.s32 $0x2710;
	s11 =	smul.u32 $0x2710, s1  }
0xa: {  	_ =	strace $0x80000047;
	s26 =	ssub.s32 $0x2, s1;
	s1 =	smul.u32 $0x138800, s1  }
0xb: {  	s8 =	sshrl.u32 s26, $0x1;
	s7 =	sshrl.u32 s7, $0x2;
	s5 =	sadd.s32 s6, s5  }
0xc: {  	s19 =	ssub.s32 s26, s8;
	s7 =	sadd.s32 s7, s3;
	s11 =	sadd.s32 s10, s11  }
0xd: {  	s1 =	sshrl.u32 s1, $0x3;
	s26 =	simm.s32 $0x2;
	s5 =	sshrl.u32 s5, $0x3  }
0xe: {  	s8 =	sadd.s32 $0x4C00, s7;
	s9 =	sadd.s32 $0x9800, s7;
	s10 =	sadd.s32 $0xE400, s7  }
0xf: {  	s13 =	sshll.u32 s11, $0x4;
	s11 =	sadd.s32 $0x13000, s7;
	s19 =	smax.u32 s19, $0x1  }
.Ltmp0:
0x10: {  	s25 =	sadd.s32 s5, s0;
	s0 =	sadd.s32 $0xD800, s0;
	(pc) =	sbr.rel .LBB2_1-.Ltmp0, $4  }
0x11: {  	s28 =	sadd.s32 $0x3A00, s25;
	s6 =	sadd.s32 $0x8820, s25;
	s13 =	sadd.s32 s0, s13  }
0x12: {  	s0 =	sadd.s32 s0, s1;
	s25 =	simm.s32 $0x7310;
	s1 =	simm.s32 $0x88  }
0x13: {  	[dreg:$0x4] =	wrdreg s28;
	s14 =	sadd.s32 $0x980, s13;
	s15 =	sadd.s32 $0x1300, s13  }
0x14: {  	v0 =	vimm.f32 $0.0e+00;
	s16 =	sadd.s32 $0x1C80, s13;
	s17 =	sadd.s32 $0x2600, s13;
	s18 =	sadd.s32 $0x27000, s0  }
.LBB2_6:
0x15: {  	_ =	swait.ge [sflag:s31], $0x4C00  }
0x16: {  	[sflag:s31] =	ssyncset.done $0x0  }
0x17: {  	s0 =	simm.s32 $0x1300;
	[sflag:s31] =	ssyncadd.s32 $0xFFFFB400  }
0x18: {  	[tilespmem:s22], [sflag:$0x1] =	stream.indirect.gather [hbm4b:s2+s1], $0x80, s0, s1, $0xb8;
	[tilespmem:$0x1F790] =	vst v63  }
0x19: {  	_ =	swait.ge [sflag:s24], $0x4400  }
0x1a: {  	[sflag:s24] =	ssyncset.done $0x0  }
0x1b: {  	s28 =	simm.s32 $0x2688;
	[sflag:s24] =	ssyncadd.s32 $0xFFFFBC00  }
0x1c: {  	[spmem:s3] =	stream.indirect.scatter.add.f32 [tilespmem:s22], [sflag:$0x3], $0x80, s28, s1, $0xb8;
	[tilespmem:$0x1F790] =	vst v63  }
0x1d: {  	_ =	swait.ge [sflag:s29], $0x4400  }
0x1e: {  	[sflag:s29] =	ssyncset.done $0x0  }
0x1f: {  	[sflag:s29] =	ssyncadd.s32 $0xFFFFBC00  }
0x20: {  	[bflag:$0x0] =	sbarrier.arrive $0xFFFF  }
0x21: {  	[tilespmem:s22], [sflag:$0x5] =	stream.linear.gather [spmem:s7], $0x4C00, $0x38;
	[tilespmem:$0x1F790] =	vst v63  }
0x22: {  	_ =	swait.ge [sflag:s20], $0x4C00  }
0x23: {  	[sflag:s20] =	ssyncset.done $0x0  }
0x24: {  	[sflag:s20] =	ssyncadd.s32 $0xFFFFB400  }
0x25: {  	[hbm4b:s13+s4] =	stream.linear.scatter [tilespmem:s22], [sflag:$0x5], $0x4C00, $0x38;
	[tilespmem:$0x1F790] =	vst v63  }
0x26: {  	_ =	swait.ge [sflag:s20], $0x4C00  }
0x27: {  	[sflag:s20] =	ssyncset.done $0x0  }
0x28: {  	[sflag:s20] =	ssyncadd.s32 $0xFFFFB400  }
0x29: {  	[tilespmem:s22], [sflag:$0x5] =	stream.linear.gather [spmem:s8], $0x4C00, $0x38;
	[tilespmem:$0x1F790] =	vst v63  }
0x2a: {  	_ =	swait.ge [sflag:s20], $0x4C00  }
0x2b: {  	[sflag:s20] =	ssyncset.done $0x0  }
0x2c: {  	[sflag:s20] =	ssyncadd.s32 $0xFFFFB400  }
0x2d: {  	[hbm4b:s14+s4] =	stream.linear.scatter [tilespmem:s22], [sflag:$0x5], $0x4C00, $0x38;
	[tilespmem:$0x1F790] =	vst v63  }
0x2e: {  	_ =	swait.ge [sflag:s20], $0x4C00  }
0x2f: {  	[sflag:s20] =	ssyncset.done $0x0  }
0x30: {  	[sflag:s20] =	ssyncadd.s32 $0xFFFFB400  }
0x31: {  	[tilespmem:s22], [sflag:$0x5] =	stream.linear.gather [spmem:s9], $0x4C00, $0x38;
	[tilespmem:$0x1F790] =	vst v63  }
0x32: {  	_ =	swait.ge [sflag:s20], $0x4C00  }
0x33: {  	[sflag:s20] =	ssyncset.done $0x0  }
0x34: {  	[sflag:s20] =	ssyncadd.s32 $0xFFFFB400  }
0x35: {  	[hbm4b:s15+s4] =	stream.linear.scatter [tilespmem:s22], [sflag:$0x5], $0x4C00, $0x38;
	[tilespmem:$0x1F790] =	vst v63  }
0x36: {  	_ =	swait.ge [sflag:s20], $0x4C00  }
0x37: {  	[sflag:s20] =	ssyncset.done $0x0  }
0x38: {  	[sflag:s20] =	ssyncadd.s32 $0xFFFFB400  }
0x39: {  	[tilespmem:s22], [sflag:$0x5] =	stream.linear.gather [spmem:s10], $0x4C00, $0x38;
	[tilespmem:$0x1F790] =	vst v63  }
0x3a: {  	_ =	swait.ge [sflag:s20], $0x4C00  }
0x3b: {  	[sflag:s20] =	ssyncset.done $0x0  }
0x3c: {  	[sflag:s20] =	ssyncadd.s32 $0xFFFFB400  }
0x3d: {  	[hbm4b:s16+s4] =	stream.linear.scatter [tilespmem:s22], [sflag:$0x5], $0x4C00, $0x38;
	[tilespmem:$0x1F790] =	vst v63  }
0x3e: {  	_ =	swait.ge [sflag:s20], $0x4C00  }
0x3f: {  	[sflag:s20] =	ssyncset.done $0x0  }
0x40: {  	[sflag:s20] =	ssyncadd.s32 $0xFFFFB400  }
0x41: {  	[tilespmem:s22], [sflag:$0x5] =	stream.linear.gather [spmem:s11], $0x800, $0x38;
	[tilespmem:$0x1F790] =	vst v63  }
0x42: {  	_ =	swait.ge [sflag:s20], $0x800  }
0x43: {  	[sflag:s20] =	ssyncset.done $0x0  }
0x44: {  	[sflag:s20] =	ssyncadd.s32 $0xFFFFF800  }
0x45: {  	[hbm4b:s17+s4] =	stream.linear.scatter [tilespmem:s22], [sflag:$0x5], $0x800, $0x38;
	[tilespmem:$0x1F790] =	vst v63  }
0x46: {  	_ =	swait.ge [sflag:s20], $0x800  }
0x47: {  	[sflag:s20] =	ssyncset.done $0x0  }
0x48: {  	s5 =	simm.s32 @!p0 $0x5;
	s0 =	simm.s32 @!p0 $0x2710;
	[sflag:s20] =	ssyncadd.s32 $0xFFFFF800  }
0x49: {  	[tilespmem:s0], [sflag:$0x5] =	stream.linear.gather @!p0 [spmem:s12], $0x800, $0x38;
	[tilespmem:$0x1F790] =	vst v63  }
0x4a: {  	s30 =	sadd.s32 $0x1, s30;
	_ =	swait.ge @!p0 [sflag:s5], $0x800  }
0x4b: {  	p1 =	sne.s32 s30, s19;
	[sflag:s5] =	ssyncset.done @!p0 $0x0  }
.Ltmp1:
0x4c: {  	s28 =	simm.s32 @!p0 $0x0;
	[sflag:s5] =	ssyncadd.s32 @!p0 $0xFFFFF800;
	(pc) =	sbr.rel @!p1 .LBB2_7-.Ltmp1, $4  }
0x4d: {  	[hbm4b:s18+s28] =	stream.linear.scatter @!p0 [tilespmem:s0], [sflag:$0x5], $0x800, $0x38;
	[tilespmem:$0x1F790] =	vst v63  }
0x4e: {  	_ =	swait.ge @!p0 [sflag:s5], $0x800  }
0x4f: {  	[sflag:s5] =	ssyncset.done @!p0 $0x0  }
0x50: {  	[sflag:s5] =	ssyncadd.s32 @!p0 $0xFFFFF800  }
.LBB2_1:
0x51: {  	s0 =	rddreg [dreg:$0x4]  }
0x52: {  	[tilespmem:s4], [sflag:$0x5] =	stream.linear.gather [hbm4b:s0+s4], $0x1388, $0x38;
	[tilespmem:$0x1F790] =	vst v63  }
0x53: {  	_ =	swait.ge [sflag:s20], $0x1388  }
0x54: {  	[sflag:s20] =	ssyncset.done $0x0  }
0x55: {  	[sflag:s20] =	ssyncadd.s32 $0xFFFFEC78  }
0x56: {  	[tilespmem:s21], [sflag:$0x5] =	stream.linear.gather [hbm4b:s6+s4], $0x1388, $0x38;
	[tilespmem:$0x1F790] =	vst v63  }
0x57: {  	_ =	swait.ge [sflag:s20], $0x1388  }
0x58: {  	[sflag:s20] =	ssyncset.done $0x0  }
0x59: {  	s28 =	simm.s32 $0x200;
	s0 =	simm.s32 $0x0;
	[sflag:s20] =	ssyncadd.s32 $0xFFFFEC78  }
.LBB2_2:
0x5a: {  	p1 =	sne.s32 s28, $0x12E00;
	[tilespmem:s0+$0x2780] =	vst v0  }
0x5b: {  	[tilespmem:s0+$0x2710] =	vst v0  }
0x5c: {  	[tilespmem:s0+$0x2720] =	vst v0  }
.Ltmp2:
0x5d: {  	[tilespmem:s0+$0x2730] =	vst v0;
	(pc) =	sbr.rel @p1 .LBB2_2-.Ltmp2, $4  }
0x5e: {  	[tilespmem:s0+$0x2740] =	vst v0  }
0x5f: {  	[tilespmem:s0+$0x2750] =	vst v0  }
0x60: {  	[tilespmem:s0+$0x2760] =	vst v0  }
0x61: {  	[tilespmem:s0+$0x2770] =	vst v0;
	s0 =	sshra.s32 s28, $0x2;
	s28 =	sadd.s32 $0x200, s28  }
0x62: {  	[tilespmem:s0+$0x2780] =	vst v0  }
0x63: {  	[tilespmem:s0+$0x2710] =	vst v0  }
0x64: {  	[tilespmem:s0+$0x2720] =	vst v0  }
0x65: {  	[tilespmem:s0+$0x2730] =	vst v0  }
0x66: {  	[tilespmem:s0+$0x2740] =	vst v0  }
0x67: {  	[tilespmem:s0+$0x2750] =	vst v0  }
0x68: {  	[tilespmem:s0+$0x2760] =	vst v0  }
0x69: {  	[tilespmem:s0+$0x2770] =	vst v0  }
0x6a: {  	[spmem:s7] =	stream.linear.scatter [tilespmem:s22], [sflag:$0x5], $0x4C00, $0x38;
	[tilespmem:$0x1F790] =	vst v63  }
0x6b: {  	_ =	swait.ge [sflag:s20], $0x4C00  }
0x6c: {  	[sflag:s20] =	ssyncset.done $0x0  }
0x6d: {  	[sflag:s20] =	ssyncadd.s32 $0xFFFFB400  }
0x6e: {  	[spmem:s8] =	stream.linear.scatter [tilespmem:s22], [sflag:$0x5], $0x4C00, $0x38;
	[tilespmem:$0x1F790] =	vst v63  }
0x6f: {  	_ =	swait.ge [sflag:s20], $0x4C00  }
0x70: {  	[sflag:s20] =	ssyncset.done $0x0  }
0x71: {  	[sflag:s20] =	ssyncadd.s32 $0xFFFFB400  }
0x72: {  	[spmem:s9] =	stream.linear.scatter [tilespmem:s22], [sflag:$0x5], $0x4C00, $0x38;
	[tilespmem:$0x1F790] =	vst v63  }
0x73: {  	_ =	swait.ge [sflag:s20], $0x4C00  }
0x74: {  	[sflag:s20] =	ssyncset.done $0x0  }
0x75: {  	[sflag:s20] =	ssyncadd.s32 $0xFFFFB400  }
0x76: {  	[spmem:s10] =	stream.linear.scatter [tilespmem:s22], [sflag:$0x5], $0x4C00, $0x38;
	[tilespmem:$0x1F790] =	vst v63  }
0x77: {  	_ =	swait.ge [sflag:s20], $0x4C00  }
0x78: {  	[sflag:s20] =	ssyncset.done $0x0  }
0x79: {  	[sflag:s20] =	ssyncadd.s32 $0xFFFFB400  }
0x7a: {  	[spmem:s11] =	stream.linear.scatter [tilespmem:s22], [sflag:$0x5], $0x800, $0x38;
	[tilespmem:$0x1F790] =	vst v63  }
0x7b: {  	_ =	swait.ge [sflag:s20], $0x800  }
0x7c: {  	[sflag:s20] =	ssyncset.done $0x0  }
0x7d: {  	s0 =	simm.s32 @!p0 $0x2710;
	[sflag:s20] =	ssyncadd.s32 $0xFFFFF800  }
0x7e: {  	[spmem:s12] =	stream.linear.scatter @!p0 [tilespmem:s0], [sflag:$0x5], $0x800, $0x38;
	[tilespmem:$0x1F790] =	vst v63  }
0x7f: {  	s0 =	simm.s32 @!p0 $0x5  }
0x80: {  	_ =	swait.ge @!p0 [sflag:s0], $0x800  }
0x81: {  	[sflag:s0] =	ssyncset.done @!p0 $0x0  }
0x82: {  	[sflag:s0] =	ssyncadd.s32 @!p0 $0xFFFFF800  }
0x83: {  	[bflag:$0x0] =	sbarrier.arrive $0xFFFF  }
0x84: {  	[tilespmem:s22], [sflag:$0x1] =	stream.indirect.gather [hbm4b:s2+s23], $0x80, s4, s23, $0xb8;
	[tilespmem:$0x1F790] =	vst v63  }
0x85: {  	_ =	swait.ge [sflag:s24], $0x4C00  }
0x86: {  	[sflag:s24] =	ssyncset.done $0x0  }
0x87: {  	[sflag:s24] =	ssyncadd.s32 $0xFFFFB400  }
0x88: {  	[spmem:s3] =	stream.indirect.scatter.add.f32 [tilespmem:s22], [sflag:$0x3], $0x80, s21, s23, $0xb8;
	[tilespmem:$0x1F790] =	vst v63  }
0x89: {  	_ = 	snop  }
0x8a: {  	[tilespmem:s25], [sflag:$0x2] =	stream.indirect.gather [hbm4b:s2+s23], $0x80, s23, s23, $0xb8;
	[tilespmem:$0x1F790] =	vst v63  }
0x8b: {  	_ =	swait.ge [sflag:s26], $0x4C00  }
0x8c: {  	[sflag:s26] =	ssyncset.done $0x0  }
0x8d: {  	s5 =	simm.s32 $0x1420;
	[sflag:s26] =	ssyncadd.s32 $0xFFFFB400  }
0x8e: {  	[spmem:s3] =	stream.indirect.scatter.add.f32 [tilespmem:s25], [sflag:$0x4], $0x80, s5, s23, $0xb8;
	[tilespmem:$0x1F790] =	vst v63  }
0x8f: {  	_ =	swait.ge [sflag:s29], $0x4C00  }
0x90: {  	[sflag:s29] =	ssyncset.done $0x0  }
0x91: {  	s28 =	simm.s32 $0x130;
	s0 =	simm.s32 $0xFFFFBD80;
	[sflag:s29] =	ssyncadd.s32 $0xFFFFB400  }
0x92: {  	[tilespmem:s22], [sflag:$0x1] =	stream.indirect.gather [hbm4b:s2+s23], $0x80, s28, s23, $0xb8;
	[tilespmem:$0x1F790] =	vst v63  }
.LBB2_4:
0x93: {  	_ =	swait.ge [sflag:s24], $0x4C00  }
0x94: {  	s28 =	sshra.s32 s0, $0x2;
	[sflag:s24] =	ssyncset.done $0x0  }
0x95: {  	s5 =	sadd.s32 $0x2558, s28;
	[sflag:s24] =	ssyncadd.s32 $0xFFFFB400  }
0x96: {  	[spmem:s3] =	stream.indirect.scatter.add.f32 [tilespmem:s22], [sflag:$0x3], $0x80, s5, s23, $0xb8;
	[tilespmem:$0x1F790] =	vst v63  }
0x97: {  	_ =	swait.ge [sflag:s31], $0x4C00  }
0x98: {  	[sflag:s31] =	ssyncset.done $0x0  }
0x99: {  	s5 =	sadd.s32 $0x1268, s28;
	[sflag:s31] =	ssyncadd.s32 $0xFFFFB400  }
0x9a: {  	[tilespmem:s25], [sflag:$0x2] =	stream.indirect.gather [hbm4b:s2+s23], $0x80, s5, s23, $0xb8;
	[tilespmem:$0x1F790] =	vst v63  }
0x9b: {  	_ =	swait.ge [sflag:s26], $0x4C00  }
0x9c: {  	p1 =	seq.s32 s0, $0x0;
	[sflag:s26] =	ssyncset.done $0x0  }
.Ltmp3:
0x9d: {  	s5 =	sadd.s32 $0x25F0, s28;
	[sflag:s26] =	ssyncadd.s32 $0xFFFFB400;
	(pc) =	sbr.rel @p1 .LBB2_6-.Ltmp3, $4  }
0x9e: {  	[spmem:s3] =	stream.indirect.scatter.add.f32 [tilespmem:s25], [sflag:$0x4], $0x80, s5, s23, $0xb8;
	[tilespmem:$0x1F790] =	vst v63  }
0x9f: {  	_ =	swait.ge [sflag:s29], $0x4C00  }
0xa0: {  	[sflag:s29] =	ssyncset.done $0x0  }
0xa1: {  	[sflag:s29] =	ssyncadd.s32 $0xFFFFB400  }
.Ltmp4:
0xa2: {  	(pc) =	sbr.rel .LBB2_4-.Ltmp4, $3  }
0xa3: {  	_ =	sdelay $0x1  }
0xa4: {  	s5 =	sadd.s32 $0x1300, s28;
	s0 =	sadd.s32 $0x4C0, s0  }
0xa5: {  	[tilespmem:s22], [sflag:$0x1] =	stream.indirect.gather [hbm4b:s2+s23], $0x80, s5, s23, $0xb8;
	[tilespmem:$0x1F790] =	vst v63  }
.LBB2_7:
0xa6: {  	_ =	sfence.sel $0x180000  }
0xa7: {  	[bflag:$0x0] =	sbarrier.arrive $0xFFFF  }
0xa8: {  	_ =	strace $0x90000047  }
0xa9: {  	s0 =	stileid.u32;
	[bflag:$0x2] =	sbarrier.arrive $0xFFFF  }
0xaa: {  	p0 =	sne.s32 s0, $0x0;
	s0 =	rddreg [dreg:$0x3]  }
0xab: {  	s0 =	sadd.s32 @!p0 $0x100000, s0  }
0xac: {  	[sflag:s0] =	ssyncadd.tile.s32 @!p0 $0x1;
	_ =	shalt  }
.Lfunc_end2:
_tile_overlayer_lowered:
.L_overlay_start_2:
0xad: {  	(tag) =	ssettag $0x2  }
0xae: {  	s0 =	rddreg [dreg:$0x0];
	s2 =	stileid.u32  }
0xaf: {  	s1 =	rddreg [dreg:$0x1];
	p0 =	sne.s32 s2, $0x0  }
0xb0: {  	s3 =	rddreg [dreg:$0x2];
	[bflag:$0x3] =	sbarrier.arrive $0xFFFF;
	s2 =	simm.s32 @!p0 $0x1C05  }
0xb1: {  	[timem:s3], [sflag:s2] =	dma.local @!p0 [hbm:s0], s1  }
0xb2: {  	s0 =	simm.s32 @!p0 $0x5  }
0xb3: {  	_ =	swait.ge @!p0 [sflag:s0], s1  }
0xb4: {  	s1 =	ssub.s32 @!p0 $0x0, s1;
	[sflag:s0] =	ssyncset.done @!p0 $0x0  }
0xb5: {  	[sflag:s0] =	ssyncadd.s32 @!p0 s1  }
0xb6: {  	[bflag:$0x3] =	sbarrier.arrive $0xFFFF  }
0xb7: {  	_ =	shalt  }

</sc_bundles>
